<compile_context>
chip_gen: v7x
topology: tpu7x:2x2x1
jax: 0.10.2.dev20260603
libtpu: 0.0.44.dev20260713+nightly
codegen_flags: <defaults>
</compile_context>

<pallas_src>
import functools

import jax
import jax.numpy as jnp
from jax import lax
from jax.experimental import pallas as pl
from jax.experimental.pallas import tpu as pltpu
from jax.experimental.pallas import tpu_sc as plsc

N = 10000
NP = 10240
E = 160000
D = 256
HALF = 128
NC, NS, LANES = 2, 16, 16
ET = E // NS
K = 80
NB = ET // K
KS = 80
CHS = 25
NCH = ET // (KS * CHS)
RPT = NP // NS
BN_EPS = 1e-5
BR = 2048
GRID = NP // BR

_mesh = plsc.VectorSubcoreMesh(
    core_axis_name="c", subcore_axis_name="s", num_cores=NC, num_subcores=NS
)


def _fill1d(ref, n, val):
    def body(i, carry):
        ref[pl.ds(i * LANES, LANES)] = jnp.full((LANES,), val, jnp.float32)
        return carry
    lax.fori_loop(0, n // LANES, body, 0)



@functools.partial(
    pl.kernel,
    out_type=jax.ShapeDtypeStruct((2 * NP,), jnp.float32),
    mesh=_mesh,
    scratch_types=[
        pltpu.VMEM((NB, K), jnp.int32),
        pltpu.VMEM((K,), jnp.float32),
        pltpu.VMEM((2048,), jnp.float32),
        pltpu.VMEM_SHARED((NP,), jnp.float32),
        pltpu.SemaphoreType.DMA,
    ],
)
def _deg_kernel(ei_hbm, deg_hbm, idx2, ones_v, zb_v, cnt_sh, sem):
    c = lax.axis_index("c")
    s = lax.axis_index("s")
    _fill1d(ones_v, K, 1.0)

    @pl.when(s == 0)
    def _():
        _fill1d(zb_v, 2048, 0.0)
        def zc(j, carry):
            pltpu.sync_copy(zb_v, cnt_sh.at[pl.ds(j * 2048, 2048)])
            return carry
        lax.fori_loop(0, NP // 2048, zc, 0)

    plsc.subcore_barrier()

    @pl.when(c == 0)
    def _():
        pltpu.sync_copy(ei_hbm.at[0, s], idx2)

    @pl.when(c == 1)
    def _():
        pltpu.sync_copy(ei_hbm.at[1, s], idx2)

    def fire(j, carry):
        pltpu.async_copy(ones_v, cnt_sh.at[idx2.at[j]], sem, add=True)
        return carry
    lax.fori_loop(0, NB, fire, 0)

    def drain(j, carry):
        pltpu.make_async_copy(ones_v, cnt_sh.at[idx2.at[0]], sem).wait()
        return carry
    lax.fori_loop(0, NB, drain, 0)

    plsc.subcore_barrier()

    @pl.when(s == 0)
    def _():
        def dump(j, carry):
            pltpu.sync_copy(cnt_sh.at[pl.ds(j * 2048, 2048)], zb_v)
            pltpu.sync_copy(zb_v, deg_hbm.at[pl.ds(c * NP + j * 2048, 2048)])
            return carry
        lax.fori_loop(0, NP // 2048, dump, 0)



NSLOT = 4


@functools.partial(
    pl.kernel,
    out_type=(
        jax.ShapeDtypeStruct((NP, HALF), jnp.float32),
        jax.ShapeDtypeStruct((NP, HALF), jnp.float32),
    ),
    mesh=_mesh,
    scratch_types=(
        [pltpu.VMEM((CHS, KS), jnp.int32)] * 2 +
        [pltpu.VMEM((KS, HALF), jnp.float32)] * NSLOT +
        [pltpu.VMEM_SHARED((NP, HALF), jnp.float32)] +
        [pltpu.SemaphoreType.DMA] * (2 * NSLOT)
    ),
)
def _scat_kernel(ei_hbm, h0_hbm, h1_hbm, a0_hbm, a1_hbm,
                 sidx2, didx2, r0, r1, r2, r3, agg_sh,
                 g0, g1, g2, g3, s0, s1, s2, s3):
    c = lax.axis_index("c")
    s = lax.axis_index("s")
    start = s * RPT
    rows = (r0, r1, r2, r3)
    gsem = (g0, g1, g2, g3)
    ssem = (s0, s1, s2, s3)

    def zrow(j, carry):
        for k2 in range(HALF // LANES):
            r0[j, pl.ds(k2 * LANES, LANES)] = jnp.zeros((LANES,), jnp.float32)
        return carry
    lax.fori_loop(0, KS, zrow, 0)

    def zc(j, carry):
        pltpu.sync_copy(r0, agg_sh.at[pl.ds(start + j * KS, KS)])
        return carry
    lax.fori_loop(0, RPT // KS, zc, 0)

    plsc.subcore_barrier()

    def run(h_hbm):
        def gather(b, u):
            pltpu.async_copy(h_hbm.at[sidx2.at[b]], rows[u], gsem[u])

        def wait_g(u):
            pltpu.make_async_copy(h_hbm.at[pl.ds(0, KS)], rows[u],
                                  gsem[u]).wait()

        def scat(b, u):
            pltpu.async_copy(rows[u], agg_sh.at[didx2.at[b]], ssem[u],
                             add=True)

        def wait_s(u):
            pltpu.make_async_copy(rows[u], agg_sh.at[didx2.at[0]],
                                  ssem[u]).wait()

        def chunk(ch, carry):
            pltpu.sync_copy(ei_hbm.at[0, s, ch], sidx2)
            pltpu.sync_copy(ei_hbm.at[1, s, ch], didx2)
            for u in range(NSLOT):
                gather(u, u)

            def body(k, c2):
                for u in range(NSLOT):
                    wait_g(u)
                    scat(NSLOT * k + u, u)
                for u in range(NSLOT):
                    wait_s(u)
                    gather(NSLOT * k + u + NSLOT, u)
                return c2
            nf = (CHS - NSLOT) // NSLOT
            lax.fori_loop(0, nf, body, 0)

            wait_g(0)
            scat(NSLOT * nf, 0)
            wait_s(0)
            gather(CHS - 1, 0)
            for u in range(1, NSLOT):
                wait_g(u)
                scat(NSLOT * nf + u, u)
            wait_g(0)
            scat(CHS - 1, 0)
            for u in range(NSLOT):
                wait_s(u)
            return carry
        lax.fori_loop(0, NCH, chunk, 0)

    @pl.when(c == 0)
    def _():
        run(h0_hbm)

    @pl.when(c == 1)
    def _():
        run(h1_hbm)

    plsc.subcore_barrier()

    def dump(a_hbm):
        pltpu.sync_copy(agg_sh.at[pl.ds(start, RPT)],
                        a_hbm.at[pl.ds(start, RPT)])

    @pl.when(c == 0)
    def _():
        dump(a0_hbm)

    @pl.when(c == 1)
    def _():
        dump(a1_hbm)



def _scale_body(deg_ref, feat_ref, h0_ref, h1_ref):
    scale = lax.rsqrt(jnp.maximum(deg_ref[...], 1.0))
    hb = feat_ref[...] * scale
    h0_ref[...] = hb[:, :HALF]
    h1_ref[...] = hb[:, HALF:]


_scale_call = pl.pallas_call(
    _scale_body,
    grid=(GRID,),
    in_specs=[
        pl.BlockSpec((BR, 1), lambda i: (i, 0)),
        pl.BlockSpec((BR, D), lambda i: (i, 0)),
    ],
    out_specs=[
        pl.BlockSpec((BR, HALF), lambda i: (i, 0)),
        pl.BlockSpec((BR, HALF), lambda i: (i, 0)),
    ],
    out_shape=[jax.ShapeDtypeStruct((NP, HALF), jnp.float32)] * 2,
)


def _mm_bn_body(deg_ref, w_ref, b_ref, gamma_ref, beta_ref, a0_ref, a1_ref,
                o_ref, hbuf_ref, acc_ref):
    p = pl.program_id(0)
    i = pl.program_id(1)

    @pl.when(p == 0)
    def _():
        sin = lax.rsqrt(jnp.maximum(deg_ref[...], 1.0))
        a = jnp.concatenate([a0_ref[...], a1_ref[...]], axis=1) * sin
        hb = (jnp.dot(a, w_ref[...], preferred_element_type=jnp.float32)
              + b_ref[...])
        hbuf_ref[pl.ds(i * BR, BR), :] = hb
        o_ref[...] = hb

        rowid = i * BR + lax.broadcasted_iota(jnp.int32, (BR, 1), 0)
        hm = jnp.where(rowid < N, hb, 0.0)

        @pl.when(i == 0)
        def _():
            acc_ref[...] = jnp.zeros_like(acc_ref)

        acc_ref[...] += jnp.stack([jnp.sum(hm, axis=0),
                                   jnp.sum(hm * hm, axis=0)])

    @pl.when(p == 1)
    def _():
        mean = acc_ref[0, :] * (1.0 / N)
        ex2 = acc_ref[1, :] * (1.0 / N)
        var = ex2 - mean * mean
        inv = lax.rsqrt(var + BN_EPS)
        hb = hbuf_ref[pl.ds(i * BR, BR), :]
        o_ref[...] = ((hb - mean[None, :]) * (inv * gamma_ref[0, :])[None, :]
                      + beta_ref[0, :][None, :])


_mm_bn_call = pl.pallas_call(
    _mm_bn_body,
    grid=(2, GRID),
    in_specs=[
        pl.BlockSpec((BR, 1), lambda p, i: (NP // BR + i, 0)),
        pl.BlockSpec((D, D), lambda p, i: (0, 0)),
        pl.BlockSpec((1, D), lambda p, i: (0, 0)),
        pl.BlockSpec((1, D), lambda p, i: (0, 0)),
        pl.BlockSpec((1, D), lambda p, i: (0, 0)),
        pl.BlockSpec((BR, HALF), lambda p, i: (i * (1 - p), 0)),
        pl.BlockSpec((BR, HALF), lambda p, i: (i * (1 - p), 0)),
    ],
    out_specs=pl.BlockSpec((BR, D), lambda p, i: (i * p, 0)),
    out_shape=jax.ShapeDtypeStruct((N, D), jnp.float32),
    scratch_shapes=[
        pltpu.VMEM((NP, D), jnp.float32),
        pltpu.VMEM((2, D), jnp.float32),
    ],
)


def kernel(feat, edge_index, W, b, gamma, beta):
    ei = edge_index.astype(jnp.int32)
    deg = _deg_kernel(ei.reshape(2, NS, NB, K)).reshape(2 * NP, 1)
    h0, h1 = _scale_call(deg, feat)
    a0, a1 = _scat_kernel(ei.reshape(2, NS, NCH, CHS, KS), h0, h1)
    return _mm_bn_call(deg, W, b.reshape(1, D), gamma.reshape(1, D),
                       beta.reshape(1, D), a0, a1)

# --- scband reference (transcript-rebuilt; emitter-appended) ---
"""Pipeline reference for scband-graph-conv-dropout-batch-1288490189547 (READ-ONLY COPY).

The authoritative reference and input builder live on the scoring server;
editing this copy changes nothing except your own understanding.
"""

import jax, jax.numpy as jnp
import numpy as np

N_NODES = 10000
N_EDGES = 160000
D_IN = 256
D_OUT = 256
BN_EPS = 1e-5


def setup_inputs(seed: int = 0) -> dict:
    key = jax.random.key(seed)
    k1, k2, k3 = jax.random.split(key, 3)
    feat = jax.random.normal(k1, (N_NODES, D_IN), dtype=jnp.float32)
    edge_index = jax.random.randint(k2, (2, N_EDGES), 0, N_NODES, dtype=jnp.int64)
    W = jax.random.normal(k3, (D_IN, D_OUT), dtype=jnp.float32) * (1.0 / np.sqrt(D_IN))
    b = jnp.zeros((D_OUT,), dtype=jnp.float32)
    gamma = jnp.ones((D_OUT,), dtype=jnp.float32)
    beta = jnp.zeros((D_OUT,), dtype=jnp.float32)
    return {"feat": feat, "edge_index": edge_index, "W": W, "b": b, "gamma": gamma, "beta": beta}


def reference(feat, edge_index, W, b, gamma, beta):
    # DGL GraphConv with norm='both' (symmetric normalization), followed by
    # dropout (identity in eval) and BatchNorm1d (batch statistics).
    src = edge_index[0]
    dst = edge_index[1]
    n = feat.shape[0]
    # out-degree normalization on source side
    deg_out = jnp.clip(jnp.bincount(src, length=n), 1).astype(feat.dtype)
    h = feat * jnp.power(deg_out, -0.5)[:, None]
    # message passing: gather from src, scatter-add into dst
    msgs = jnp.take(h, src, axis=0)
    agg = jax.ops.segment_sum(msgs, dst, num_segments=n)
    # in-degree normalization on destination side
    deg_in = jnp.clip(jnp.bincount(dst, length=n), 1).astype(feat.dtype)
    agg = agg * jnp.power(deg_in, -0.5)[:, None]
    # linear transform (in_feats == out_feats -> aggregate-then-mult in DGL)
    h = agg @ W + b
    # dropout: identity in eval mode
    # BatchNorm1d over node dimension (training-mode batch stats)
    mean = jnp.mean(h, axis=0)
    var = jnp.var(h, axis=0)
    out = (h - mean) / jnp.sqrt(var + BN_EPS) * gamma + beta
    return out

if __name__ == "__main__":
    import jax
    _d = setup_inputs()
    print(jax.jit(kernel)(*tuple(_d.values())))

</pallas_src>

<mosaic_0001>
#map = affine_map<(d0, d1) -> (0, 0, 0, 0)>
#map1 = affine_map<(d0, d1) -> (0)>
module attributes {stable_mosaic.version = 14 : i64} {
  func.func @_deg_kernel(%arg0: i32, %arg1: i32, %arg2: memref<2x16x125x80xi32, #tpu.memory_space<hbm>>, %arg3: memref<20480xf32, #tpu.memory_space<hbm>>, %arg4: memref<125x80xi32, #tpu.memory_space<vmem>>, %arg5: memref<80xf32, #tpu.memory_space<vmem>>, %arg6: memref<2048xf32, #tpu.memory_space<vmem>>, %arg7: memref<10240xf32, #tpu.memory_space<vmem_shared>>, %arg8: memref<!tpu.dma_semaphore, #tpu.memory_space<semaphore_mem>>) attributes {dimension_semantics = [#tpu.dimension_semantics<core_parallel>, #tpu.dimension_semantics<subcore_parallel>], iteration_bounds = array<i64: 2, 16>, scalar_prefetch = 0 : i64, scratch_operands = 5 : i64, tpu.core_type = #tpu.core_type<sc_vector_subcore>, window_params = [{transform_indices = #map}, {transform_indices = #map1}]} {
    %scan3A = arith.constant 0 : i32
    %scan3A_0 = arith.constant 0 : i32
    %scan3A_1 = arith.constant 5 : i32
    %scan3A_2 = arith.addi %scan3A_0, %scan3A_1 : i32
    %scan3A_3 = arith.constant 1 : i32
    scf.for %scan3A_35 = %scan3A_0 to %scan3A_2 step %scan3A_3  : i32 {
      %broadcast_in_dim3A = arith.constant 1.000000e+00 : f32
      %broadcast_in_dim3A_36 = vector.broadcast %broadcast_in_dim3A : f32 to vector<16xf32>
      %mul3A = arith.constant 16 : i32
      %mul3A_37 = arith.muli %scan3A_35, %mul3A : i32
      %swap3A = arith.index_cast %mul3A_37 : i32 to index
      %swap3A_38 = tpu.vector_load %arg5[%swap3A] {strides = array<i32>} : memref<80xf32, #tpu.memory_space<vmem>>, vector<16xf32>,
      %swap3A_39 = vector.shape_cast %swap3A_38 : vector<16xf32> to vector<16xf32>
      %swap3A_40 = vector.shape_cast %broadcast_in_dim3A_36 : vector<16xf32> to vector<16xf32>
      tpu.vector_store %arg5[%swap3A], %swap3A_40 {strides = array<i32>} : memref<80xf32, #tpu.memory_space<vmem>>, vector<16xf32>,
    }
    %scan3A_4 = arith.constant 5 : i32
    %eq3A = arith.constant 0 : i32
    %eq3A_5 = arith.cmpi eq, %arg1, %eq3A : i32
    %convert_element_type3A = arith.extui %eq3A_5 : i1 to i32
    %cond3A = arith.constant 0 : i32
    %cond3A_6 = arith.cmpi ne, %convert_element_type3A, %cond3A : i32
    scf.if %cond3A_6 {
      %scan3A_35 = arith.constant 0 : i32
      %scan3A_36 = arith.constant 0 : i32
      %scan3A_37 = arith.constant 128 : i32
      %scan3A_38 = arith.addi %scan3A_36, %scan3A_37 : i32
      %scan3A_39 = arith.constant 1 : i32
      scf.for %scan3A_47 = %scan3A_36 to %scan3A_38 step %scan3A_39  : i32 {
        %broadcast_in_dim3A = arith.constant 0.000000e+00 : f32
        %broadcast_in_dim3A_48 = vector.broadcast %broadcast_in_dim3A : f32 to vector<16xf32>
        %mul3A = arith.constant 16 : i32
        %mul3A_49 = arith.muli %scan3A_47, %mul3A : i32
        %swap3A = arith.index_cast %mul3A_49 : i32 to index
        %swap3A_50 = tpu.vector_load %arg6[%swap3A] {strides = array<i32>} : memref<2048xf32, #tpu.memory_space<vmem>>, vector<16xf32>,
        %swap3A_51 = vector.shape_cast %swap3A_50 : vector<16xf32> to vector<16xf32>
        %swap3A_52 = vector.shape_cast %broadcast_in_dim3A_48 : vector<16xf32> to vector<16xf32>
        tpu.vector_store %arg6[%swap3A], %swap3A_52 {strides = array<i32>} : memref<2048xf32, #tpu.memory_space<vmem>>, vector<16xf32>,
      }
      %scan3A_40 = arith.constant 128 : i32
      %scan3A_41 = arith.constant 0 : i32
      %scan3A_42 = arith.constant 0 : i32
      %scan3A_43 = arith.constant 5 : i32
      %scan3A_44 = arith.addi %scan3A_42, %scan3A_43 : i32
      %scan3A_45 = arith.constant 1 : i32
      scf.for %scan3A_47 = %scan3A_42 to %scan3A_44 step %scan3A_45  : i32 {
        %mul3A = arith.constant 2048 : i32
        %mul3A_48 = arith.muli %scan3A_47, %mul3A : i32
        "tpu.region"() ({
          %run_scoped3A = tpu.sem_alloc : memref<!tpu.dma_semaphore, #tpu.memory_space<semaphore_mem>>
          %dma_start3A = tpu.memref_slice %arg7[%mul3A_48] : memref<10240xf32, #tpu.memory_space<vmem_shared>> -> memref<2048xf32, #tpu.memory_space<vmem_shared>>
          %dma_start3A_49 = tpu.memref_slice %arg7[%mul3A_48] : memref<10240xf32, #tpu.memory_space<vmem_shared>> -> memref<2048xf32, #tpu.memory_space<vmem_shared>>
          tpu.enqueue_dma source(%arg6 : memref<2048xf32, #tpu.memory_space<vmem>>) target(%dma_start3A_49 : memref<2048xf32, #tpu.memory_space<vmem_shared>>) target_semaphore(%run_scoped3A : memref<!tpu.dma_semaphore, #tpu.memory_space<semaphore_mem>>)
          %dma_wait3A = tpu.memref_slice %arg7[%mul3A_48] : memref<10240xf32, #tpu.memory_space<vmem_shared>> -> memref<2048xf32, #tpu.memory_space<vmem_shared>>
          %dma_wait3A_50 = tpu.memref_slice %arg7[%mul3A_48] : memref<10240xf32, #tpu.memory_space<vmem_shared>> -> memref<2048xf32, #tpu.memory_space<vmem_shared>>
          tpu.wait_dma2 semaphore(%run_scoped3A : memref<!tpu.dma_semaphore, #tpu.memory_space<semaphore_mem>>) src(%arg6 : memref<2048xf32, #tpu.memory_space<vmem>>) dst(%dma_wait3A_50 : memref<2048xf32, #tpu.memory_space<vmem_shared>>)
          tpu.yield
        }) : () -> ()
      }
      %scan3A_46 = arith.constant 5 : i32
    } else {
    }
    %barrier3A = arith.constant 0 : index
    tpu.barrier barrier_id(%barrier3A)
    %eq3A_7 = arith.constant 0 : i32
    %eq3A_8 = arith.cmpi eq, %arg0, %eq3A_7 : i32
    %convert_element_type3A_9 = arith.extui %eq3A_8 : i1 to i32
    %cond3A_10 = arith.constant 0 : i32
    %cond3A_11 = arith.cmpi ne, %convert_element_type3A_9, %cond3A_10 : i32
    scf.if %cond3A_11 {
      %run_scoped3A = arith.constant 0 : i32
      "tpu.region"() ({
        %run_scoped3A_35 = tpu.sem_alloc : memref<!tpu.dma_semaphore, #tpu.memory_space<semaphore_mem>>
        %dma_start3A = arith.constant 0 : i32
        %dma_start3A_36 = arith.constant 0 : i32
        %dma_start3A_37 = tpu.memref_slice %arg2[%run_scoped3A, %arg1, %dma_start3A, %dma_start3A_36] : memref<2x16x125x80xi32, #tpu.memory_space<hbm>> -> memref<1x1x125x80xi32, #tpu.memory_space<hbm>>
        %dma_start3A_38 = tpu.memref_squeeze %dma_start3A_37 : memref<1x1x125x80xi32, #tpu.memory_space<hbm>> -> memref<125x80xi32, #tpu.memory_space<hbm>>
        %dma_start3A_39 = arith.constant 0 : i32
        %dma_start3A_40 = arith.constant 0 : i32
        %dma_start3A_41 = tpu.memref_slice %arg2[%run_scoped3A, %arg1, %dma_start3A_39, %dma_start3A_40] : memref<2x16x125x80xi32, #tpu.memory_space<hbm>> -> memref<1x1x125x80xi32, #tpu.memory_space<hbm>>
        %dma_start3A_42 = tpu.memref_squeeze %dma_start3A_41 : memref<1x1x125x80xi32, #tpu.memory_space<hbm>> -> memref<125x80xi32, #tpu.memory_space<hbm>>
        tpu.enqueue_dma source(%dma_start3A_42 : memref<125x80xi32, #tpu.memory_space<hbm>>) target(%arg4 : memref<125x80xi32, #tpu.memory_space<vmem>>) target_semaphore(%run_scoped3A_35 : memref<!tpu.dma_semaphore, #tpu.memory_space<semaphore_mem>>)
        %dma_wait3A = arith.constant 0 : i32
        %dma_wait3A_43 = arith.constant 0 : i32
        %dma_wait3A_44 = tpu.memref_slice %arg2[%run_scoped3A, %arg1, %dma_wait3A, %dma_wait3A_43] : memref<2x16x125x80xi32, #tpu.memory_space<hbm>> -> memref<1x1x125x80xi32, #tpu.memory_space<hbm>>
        %dma_wait3A_45 = tpu.memref_squeeze %dma_wait3A_44 : memref<1x1x125x80xi32, #tpu.memory_space<hbm>> -> memref<125x80xi32, #tpu.memory_space<hbm>>
        %dma_wait3A_46 = arith.constant 0 : i32
        %dma_wait3A_47 = arith.constant 0 : i32
        %dma_wait3A_48 = tpu.memref_slice %arg2[%run_scoped3A, %arg1, %dma_wait3A_46, %dma_wait3A_47] : memref<2x16x125x80xi32, #tpu.memory_space<hbm>> -> memref<1x1x125x80xi32, #tpu.memory_space<hbm>>
        %dma_wait3A_49 = tpu.memref_squeeze %dma_wait3A_48 : memref<1x1x125x80xi32, #tpu.memory_space<hbm>> -> memref<125x80xi32, #tpu.memory_space<hbm>>
        tpu.wait_dma2 semaphore(%run_scoped3A_35 : memref<!tpu.dma_semaphore, #tpu.memory_space<semaphore_mem>>) src(%dma_wait3A_49 : memref<125x80xi32, #tpu.memory_space<hbm>>) dst(%arg4 : memref<125x80xi32, #tpu.memory_space<vmem>>)
        tpu.yield
      }) : () -> ()
    } else {
    }
    %eq3A_12 = arith.constant 1 : i32
    %eq3A_13 = arith.cmpi eq, %arg0, %eq3A_12 : i32
    %convert_element_type3A_14 = arith.extui %eq3A_13 : i1 to i32
    %cond3A_15 = arith.constant 0 : i32
    %cond3A_16 = arith.cmpi ne, %convert_element_type3A_14, %cond3A_15 : i32
    scf.if %cond3A_16 {
      %run_scoped3A = arith.constant 1 : i32
      "tpu.region"() ({
        %run_scoped3A_35 = tpu.sem_alloc : memref<!tpu.dma_semaphore, #tpu.memory_space<semaphore_mem>>
        %dma_start3A = arith.constant 0 : i32
        %dma_start3A_36 = arith.constant 0 : i32
        %dma_start3A_37 = tpu.memref_slice %arg2[%run_scoped3A, %arg1, %dma_start3A, %dma_start3A_36] : memref<2x16x125x80xi32, #tpu.memory_space<hbm>> -> memref<1x1x125x80xi32, #tpu.memory_space<hbm>>
        %dma_start3A_38 = tpu.memref_squeeze %dma_start3A_37 : memref<1x1x125x80xi32, #tpu.memory_space<hbm>> -> memref<125x80xi32, #tpu.memory_space<hbm>>
        %dma_start3A_39 = arith.constant 0 : i32
        %dma_start3A_40 = arith.constant 0 : i32
        %dma_start3A_41 = tpu.memref_slice %arg2[%run_scoped3A, %arg1, %dma_start3A_39, %dma_start3A_40] : memref<2x16x125x80xi32, #tpu.memory_space<hbm>> -> memref<1x1x125x80xi32, #tpu.memory_space<hbm>>
        %dma_start3A_42 = tpu.memref_squeeze %dma_start3A_41 : memref<1x1x125x80xi32, #tpu.memory_space<hbm>> -> memref<125x80xi32, #tpu.memory_space<hbm>>
        tpu.enqueue_dma source(%dma_start3A_42 : memref<125x80xi32, #tpu.memory_space<hbm>>) target(%arg4 : memref<125x80xi32, #tpu.memory_space<vmem>>) target_semaphore(%run_scoped3A_35 : memref<!tpu.dma_semaphore, #tpu.memory_space<semaphore_mem>>)
        %dma_wait3A = arith.constant 0 : i32
        %dma_wait3A_43 = arith.constant 0 : i32
        %dma_wait3A_44 = tpu.memref_slice %arg2[%run_scoped3A, %arg1, %dma_wait3A, %dma_wait3A_43] : memref<2x16x125x80xi32, #tpu.memory_space<hbm>> -> memref<1x1x125x80xi32, #tpu.memory_space<hbm>>
        %dma_wait3A_45 = tpu.memref_squeeze %dma_wait3A_44 : memref<1x1x125x80xi32, #tpu.memory_space<hbm>> -> memref<125x80xi32, #tpu.memory_space<hbm>>
        %dma_wait3A_46 = arith.constant 0 : i32
        %dma_wait3A_47 = arith.constant 0 : i32
        %dma_wait3A_48 = tpu.memref_slice %arg2[%run_scoped3A, %arg1, %dma_wait3A_46, %dma_wait3A_47] : memref<2x16x125x80xi32, #tpu.memory_space<hbm>> -> memref<1x1x125x80xi32, #tpu.memory_space<hbm>>
        %dma_wait3A_49 = tpu.memref_squeeze %dma_wait3A_48 : memref<1x1x125x80xi32, #tpu.memory_space<hbm>> -> memref<125x80xi32, #tpu.memory_space<hbm>>
        tpu.wait_dma2 semaphore(%run_scoped3A_35 : memref<!tpu.dma_semaphore, #tpu.memory_space<semaphore_mem>>) src(%dma_wait3A_49 : memref<125x80xi32, #tpu.memory_space<hbm>>) dst(%arg4 : memref<125x80xi32, #tpu.memory_space<vmem>>)
        tpu.yield
      }) : () -> ()
    } else {
    }
    %scan3A_17 = arith.constant 0 : i32
    %scan3A_18 = arith.constant 0 : i32
    %scan3A_19 = arith.constant 125 : i32
    %scan3A_20 = arith.addi %scan3A_18, %scan3A_19 : i32
    %scan3A_21 = arith.constant 1 : i32
    scf.for %scan3A_35 = %scan3A_18 to %scan3A_20 step %scan3A_21  : i32 {
      %dma_start3A = arith.constant 0 : i32
      %dma_start3A_36 = tpu.memref_slice %arg4[%scan3A_35, %dma_start3A] : memref<125x80xi32, #tpu.memory_space<vmem>> -> memref<1x80xi32, #tpu.memory_space<vmem>>
      %dma_start3A_37 = tpu.memref_squeeze %dma_start3A_36 : memref<1x80xi32, #tpu.memory_space<vmem>> -> memref<80xi32, #tpu.memory_space<vmem>>
      %dma_start3A_38 = arith.constant 0 : i32
      %dma_start3A_39 = tpu.memref_slice %arg7[%dma_start3A_38] : memref<10240xf32, #tpu.memory_space<vmem_shared>> -> memref<10240xf32, #tpu.memory_space<vmem_shared>>
      tpu.enqueue_indirect_dma source(%arg5 : memref<80xf32, #tpu.memory_space<vmem>>) target(%dma_start3A_39 : memref<10240xf32, #tpu.memory_space<vmem_shared>>) offsets(%dma_start3A_37 : memref<80xi32, #tpu.memory_space<vmem>>) semaphore(%arg8 : memref<!tpu.dma_semaphore, #tpu.memory_space<semaphore_mem>>) {add = true}
    }
    %scan3A_22 = arith.constant 125 : i32
    %scan3A_23 = arith.constant 0 : i32
    %scan3A_24 = arith.constant 0 : i32
    %scan3A_25 = arith.constant 125 : i32
    %scan3A_26 = arith.addi %scan3A_24, %scan3A_25 : i32
    %scan3A_27 = arith.constant 1 : i32
    scf.for %scan3A_35 = %scan3A_24 to %scan3A_26 step %scan3A_27  : i32 {
      %dma_wait3A = arith.constant 0 : i32
      %dma_wait3A_36 = arith.constant 0 : i32
      %dma_wait3A_37 = tpu.memref_slice %arg4[%dma_wait3A, %dma_wait3A_36] : memref<125x80xi32, #tpu.memory_space<vmem>> -> memref<1x80xi32, #tpu.memory_space<vmem>>
      %dma_wait3A_38 = tpu.memref_squeeze %dma_wait3A_37 : memref<1x80xi32, #tpu.memory_space<vmem>> -> memref<80xi32, #tpu.memory_space<vmem>>
      %dma_wait3A_39 = arith.constant 0 : i32
      %dma_wait3A_40 = tpu.memref_slice %arg7[%dma_wait3A_39] : memref<10240xf32, #tpu.memory_space<vmem_shared>> -> memref<10240xf32, #tpu.memory_space<vmem_shared>>
      tpu.wait_indirect_dma semaphore(%arg8 : memref<!tpu.dma_semaphore, #tpu.memory_space<semaphore_mem>>) src(%arg5 : memref<80xf32, #tpu.memory_space<vmem>>) dst(%dma_wait3A_40 : memref<10240xf32, #tpu.memory_space<vmem_shared>>)
    }
    %scan3A_28 = arith.constant 125 : i32
    %barrier3A_29 = arith.constant 0 : index
    tpu.barrier barrier_id(%barrier3A_29)
    %eq3A_30 = arith.constant 0 : i32
    %eq3A_31 = arith.cmpi eq, %arg1, %eq3A_30 : i32
    %convert_element_type3A_32 = arith.extui %eq3A_31 : i1 to i32
    %cond3A_33 = arith.constant 0 : i32
    %cond3A_34 = arith.cmpi ne, %convert_element_type3A_32, %cond3A_33 : i32
    scf.if %cond3A_34 {
      %scan3A_35 = arith.constant 0 : i32
      %scan3A_36 = arith.constant 0 : i32
      %scan3A_37 = arith.constant 5 : i32
      %scan3A_38 = arith.addi %scan3A_36, %scan3A_37 : i32
      %scan3A_39 = arith.constant 1 : i32
      scf.for %scan3A_41 = %scan3A_36 to %scan3A_38 step %scan3A_39  : i32 {
        %mul3A = arith.constant 2048 : i32
        %mul3A_42 = arith.muli %scan3A_41, %mul3A : i32
        "tpu.region"() ({
          %run_scoped3A = tpu.sem_alloc : memref<!tpu.dma_semaphore, #tpu.memory_space<semaphore_mem>>
          %dma_start3A = tpu.memref_slice %arg7[%mul3A_42] : memref<10240xf32, #tpu.memory_space<vmem_shared>> -> memref<2048xf32, #tpu.memory_space<vmem_shared>>
          %dma_start3A_47 = tpu.memref_slice %arg7[%mul3A_42] : memref<10240xf32, #tpu.memory_space<vmem_shared>> -> memref<2048xf32, #tpu.memory_space<vmem_shared>>
          tpu.enqueue_dma source(%dma_start3A_47 : memref<2048xf32, #tpu.memory_space<vmem_shared>>) target(%arg6 : memref<2048xf32, #tpu.memory_space<vmem>>) target_semaphore(%run_scoped3A : memref<!tpu.dma_semaphore, #tpu.memory_space<semaphore_mem>>)
          %dma_wait3A = tpu.memref_slice %arg7[%mul3A_42] : memref<10240xf32, #tpu.memory_space<vmem_shared>> -> memref<2048xf32, #tpu.memory_space<vmem_shared>>
          %dma_wait3A_48 = tpu.memref_slice %arg7[%mul3A_42] : memref<10240xf32, #tpu.memory_space<vmem_shared>> -> memref<2048xf32, #tpu.memory_space<vmem_shared>>
          tpu.wait_dma2 semaphore(%run_scoped3A : memref<!tpu.dma_semaphore, #tpu.memory_space<semaphore_mem>>) src(%dma_wait3A_48 : memref<2048xf32, #tpu.memory_space<vmem_shared>>) dst(%arg6 : memref<2048xf32, #tpu.memory_space<vmem>>)
          tpu.yield
        }) : () -> ()
        %mul3A_43 = arith.constant 10240 : i32
        %mul3A_44 = arith.muli %arg0, %mul3A_43 : i32
        %mul3A_45 = arith.constant 2048 : i32
        %mul3A_46 = arith.muli %scan3A_41, %mul3A_45 : i32
        %add3A = arith.addi %mul3A_44, %mul3A_46 : i32
        "tpu.region"() ({
          %run_scoped3A = tpu.sem_alloc : memref<!tpu.dma_semaphore, #tpu.memory_space<semaphore_mem>>
          %dma_start3A = tpu.memref_slice %arg3[%add3A] : memref<20480xf32, #tpu.memory_space<hbm>> -> memref<2048xf32, #tpu.memory_space<hbm>>
          %dma_start3A_47 = tpu.memref_slice %arg3[%add3A] : memref<20480xf32, #tpu.memory_space<hbm>> -> memref<2048xf32, #tpu.memory_space<hbm>>
          tpu.enqueue_dma source(%arg6 : memref<2048xf32, #tpu.memory_space<vmem>>) target(%dma_start3A_47 : memref<2048xf32, #tpu.memory_space<hbm>>) target_semaphore(%run_scoped3A : memref<!tpu.dma_semaphore, #tpu.memory_space<semaphore_mem>>)
          %dma_wait3A = tpu.memref_slice %arg3[%add3A] : memref<20480xf32, #tpu.memory_space<hbm>> -> memref<2048xf32, #tpu.memory_space<hbm>>
          %dma_wait3A_48 = tpu.memref_slice %arg3[%add3A] : memref<20480xf32, #tpu.memory_space<hbm>> -> memref<2048xf32, #tpu.memory_space<hbm>>
          tpu.wait_dma2 semaphore(%run_scoped3A : memref<!tpu.dma_semaphore, #tpu.memory_space<semaphore_mem>>) src(%arg6 : memref<2048xf32, #tpu.memory_space<vmem>>) dst(%dma_wait3A_48 : memref<2048xf32, #tpu.memory_space<hbm>>)
          tpu.yield
        }) : () -> ()
      }
      %scan3A_40 = arith.constant 5 : i32
    } else {
    }
    return
  }
}

#map = affine_map<(d0, d1) -> (0, 0, 0, 0, 0)>
#map1 = affine_map<(d0, d1) -> (0, 0)>
module attributes {stable_mosaic.version = 14 : i64} {
  func.func @_scat_kernel(%arg0: i32, %arg1: i32, %arg2: memref<2x16x5x25x80xi32, #tpu.memory_space<hbm>>, %arg3: memref<10240x128xf32, #tpu.memory_space<hbm>>, %arg4: memref<10240x128xf32, #tpu.memory_space<hbm>>, %arg5: memref<10240x128xf32, #tpu.memory_space<hbm>>, %arg6: memref<10240x128xf32, #tpu.memory_space<hbm>>, %arg7: memref<25x80xi32, #tpu.memory_space<vmem>>, %arg8: memref<25x80xi32, #tpu.memory_space<vmem>>, %arg9: memref<80x128xf32, #tpu.memory_space<vmem>>, %arg10: memref<80x128xf32, #tpu.memory_space<vmem>>, %arg11: memref<80x128xf32, #tpu.memory_space<vmem>>, %arg12: memref<80x128xf32, #tpu.memory_space<vmem>>, %arg13: memref<10240x128xf32, #tpu.memory_space<vmem_shared>>, %arg14: memref<!tpu.dma_semaphore, #tpu.memory_space<semaphore_mem>>, %arg15: memref<!tpu.dma_semaphore, #tpu.memory_space<semaphore_mem>>, %arg16: memref<!tpu.dma_semaphore, #tpu.memory_space<semaphore_mem>>, %arg17: memref<!tpu.dma_semaphore, #tpu.memory_space<semaphore_mem>>, %arg18: memref<!tpu.dma_semaphore, #tpu.memory_space<semaphore_mem>>, %arg19: memref<!tpu.dma_semaphore, #tpu.memory_space<semaphore_mem>>, %arg20: memref<!tpu.dma_semaphore, #tpu.memory_space<semaphore_mem>>, %arg21: memref<!tpu.dma_semaphore, #tpu.memory_space<semaphore_mem>>) attributes {dimension_semantics = [#tpu.dimension_semantics<core_parallel>, #tpu.dimension_semantics<subcore_parallel>], iteration_bounds = array<i64: 2, 16>, scalar_prefetch = 0 : i64, scratch_operands = 15 : i64, tpu.core_type = #tpu.core_type<sc_vector_subcore>, window_params = [{transform_indices = #map}, {transform_indices = #map1}, {transform_indices = #map1}, {transform_indices = #map1}, {transform_indices = #map1}]} {
    %mul3A = arith.constant 640 : i32
    %mul3A_0 = arith.muli %arg1, %mul3A : i32
    %scan3A = arith.constant 0 : i32
    %scan3A_1 = arith.constant 0 : i32
    %scan3A_2 = arith.constant 80 : i32
    %scan3A_3 = arith.addi %scan3A_1, %scan3A_2 : i32
    %scan3A_4 = arith.constant 1 : i32
    scf.for %scan3A_30 = %scan3A_1 to %scan3A_3 step %scan3A_4  : i32 {
      %broadcast_in_dim3A = arith.constant 0.000000e+00 : f32
      %broadcast_in_dim3A_31 = vector.broadcast %broadcast_in_dim3A : f32 to vector<16xf32>
      %swap3A = arith.index_cast %scan3A_30 : i32 to index
      %swap3A_32 = arith.constant 0 : index
      %swap3A_33 = tpu.vector_load %arg9[%swap3A, %swap3A_32] {strides = array<i32>} : memref<80x128xf32, #tpu.memory_space<vmem>>, vector<1x16xf32>,
      %swap3A_34 = vector.shape_cast %swap3A_33 : vector<1x16xf32> to vector<16xf32>
      %swap3A_35 = vector.shape_cast %broadcast_in_dim3A_31 : vector<16xf32> to vector<1x16xf32>
      tpu.vector_store %arg9[%swap3A, %swap3A_32], %swap3A_35 {strides = array<i32>} : memref<80x128xf32, #tpu.memory_space<vmem>>, vector<1x16xf32>,
      %broadcast_in_dim3A_36 = arith.constant 0.000000e+00 : f32
      %broadcast_in_dim3A_37 = vector.broadcast %broadcast_in_dim3A_36 : f32 to vector<16xf32>
      %swap3A_38 = arith.index_cast %scan3A_30 : i32 to index
      %swap3A_39 = arith.constant 16 : index
      %swap3A_40 = tpu.vector_load %arg9[%swap3A_38, %swap3A_39] {strides = array<i32>} : memref<80x128xf32, #tpu.memory_space<vmem>>, vector<1x16xf32>,
      %swap3A_41 = vector.shape_cast %swap3A_40 : vector<1x16xf32> to vector<16xf32>
      %swap3A_42 = vector.shape_cast %broadcast_in_dim3A_37 : vector<16xf32> to vector<1x16xf32>
      tpu.vector_store %arg9[%swap3A_38, %swap3A_39], %swap3A_42 {strides = array<i32>} : memref<80x128xf32, #tpu.memory_space<vmem>>, vector<1x16xf32>,
      %broadcast_in_dim3A_43 = arith.constant 0.000000e+00 : f32
      %broadcast_in_dim3A_44 = vector.broadcast %broadcast_in_dim3A_43 : f32 to vector<16xf32>
      %swap3A_45 = arith.index_cast %scan3A_30 : i32 to index
      %swap3A_46 = arith.constant 32 : index
      %swap3A_47 = tpu.vector_load %arg9[%swap3A_45, %swap3A_46] {strides = array<i32>} : memref<80x128xf32, #tpu.memory_space<vmem>>, vector<1x16xf32>,
      %swap3A_48 = vector.shape_cast %swap3A_47 : vector<1x16xf32> to vector<16xf32>
      %swap3A_49 = vector.shape_cast %broadcast_in_dim3A_44 : vector<16xf32> to vector<1x16xf32>
      tpu.vector_store %arg9[%swap3A_45, %swap3A_46], %swap3A_49 {strides = array<i32>} : memref<80x128xf32, #tpu.memory_space<vmem>>, vector<1x16xf32>,
      %broadcast_in_dim3A_50 = arith.constant 0.000000e+00 : f32
      %broadcast_in_dim3A_51 = vector.broadcast %broadcast_in_dim3A_50 : f32 to vector<16xf32>
      %swap3A_52 = arith.index_cast %scan3A_30 : i32 to index
      %swap3A_53 = arith.constant 48 : index
      %swap3A_54 = tpu.vector_load %arg9[%swap3A_52, %swap3A_53] {strides = array<i32>} : memref<80x128xf32, #tpu.memory_space<vmem>>, vector<1x16xf32>,
      %swap3A_55 = vector.shape_cast %swap3A_54 : vector<1x16xf32> to vector<16xf32>
      %swap3A_56 = vector.shape_cast %broadcast_in_dim3A_51 : vector<16xf32> to vector<1x16xf32>
      tpu.vector_store %arg9[%swap3A_52, %swap3A_53], %swap3A_56 {strides = array<i32>} : memref<80x128xf32, #tpu.memory_space<vmem>>, vector<1x16xf32>,
      %broadcast_in_dim3A_57 = arith.constant 0.000000e+00 : f32
      %broadcast_in_dim3A_58 = vector.broadcast %broadcast_in_dim3A_57 : f32 to vector<16xf32>
      %swap3A_59 = arith.index_cast %scan3A_30 : i32 to index
      %swap3A_60 = arith.constant 64 : index
      %swap3A_61 = tpu.vector_load %arg9[%swap3A_59, %swap3A_60] {strides = array<i32>} : memref<80x128xf32, #tpu.memory_space<vmem>>, vector<1x16xf32>,
      %swap3A_62 = vector.shape_cast %swap3A_61 : vector<1x16xf32> to vector<16xf32>
      %swap3A_63 = vector.shape_cast %broadcast_in_dim3A_58 : vector<16xf32> to vector<1x16xf32>
      tpu.vector_store %arg9[%swap3A_59, %swap3A_60], %swap3A_63 {strides = array<i32>} : memref<80x128xf32, #tpu.memory_space<vmem>>, vector<1x16xf32>,
      %broadcast_in_dim3A_64 = arith.constant 0.000000e+00 : f32
      %broadcast_in_dim3A_65 = vector.broadcast %broadcast_in_dim3A_64 : f32 to vector<16xf32>
      %swap3A_66 = arith.index_cast %scan3A_30 : i32 to index
      %swap3A_67 = arith.constant 80 : index
      %swap3A_68 = tpu.vector_load %arg9[%swap3A_66, %swap3A_67] {strides = array<i32>} : memref<80x128xf32, #tpu.memory_space<vmem>>, vector<1x16xf32>,
      %swap3A_69 = vector.shape_cast %swap3A_68 : vector<1x16xf32> to vector<16xf32>
      %swap3A_70 = vector.shape_cast %broadcast_in_dim3A_65 : vector<16xf32> to vector<1x16xf32>
      tpu.vector_store %arg9[%swap3A_66, %swap3A_67], %swap3A_70 {strides = array<i32>} : memref<80x128xf32, #tpu.memory_space<vmem>>, vector<1x16xf32>,
      %broadcast_in_dim3A_71 = arith.constant 0.000000e+00 : f32
      %broadcast_in_dim3A_72 = vector.broadcast %broadcast_in_dim3A_71 : f32 to vector<16xf32>
      %swap3A_73 = arith.index_cast %scan3A_30 : i32 to index
      %swap3A_74 = arith.constant 96 : index
      %swap3A_75 = tpu.vector_load %arg9[%swap3A_73, %swap3A_74] {strides = array<i32>} : memref<80x128xf32, #tpu.memory_space<vmem>>, vector<1x16xf32>,
      %swap3A_76 = vector.shape_cast %swap3A_75 : vector<1x16xf32> to vector<16xf32>
      %swap3A_77 = vector.shape_cast %broadcast_in_dim3A_72 : vector<16xf32> to vector<1x16xf32>
      tpu.vector_store %arg9[%swap3A_73, %swap3A_74], %swap3A_77 {strides = array<i32>} : memref<80x128xf32, #tpu.memory_space<vmem>>, vector<1x16xf32>,
      %broadcast_in_dim3A_78 = arith.constant 0.000000e+00 : f32
      %broadcast_in_dim3A_79 = vector.broadcast %broadcast_in_dim3A_78 : f32 to vector<16xf32>
      %swap3A_80 = arith.index_cast %scan3A_30 : i32 to index
      %swap3A_81 = arith.constant 112 : index
      %swap3A_82 = tpu.vector_load %arg9[%swap3A_80, %swap3A_81] {strides = array<i32>} : memref<80x128xf32, #tpu.memory_space<vmem>>, vector<1x16xf32>,
      %swap3A_83 = vector.shape_cast %swap3A_82 : vector<1x16xf32> to vector<16xf32>
      %swap3A_84 = vector.shape_cast %broadcast_in_dim3A_79 : vector<16xf32> to vector<1x16xf32>
      tpu.vector_store %arg9[%swap3A_80, %swap3A_81], %swap3A_84 {strides = array<i32>} : memref<80x128xf32, #tpu.memory_space<vmem>>, vector<1x16xf32>,
    }
    %scan3A_5 = arith.constant 80 : i32
    %scan3A_6 = arith.constant 0 : i32
    %scan3A_7 = arith.constant 0 : i32
    %scan3A_8 = arith.constant 8 : i32
    %scan3A_9 = arith.addi %scan3A_7, %scan3A_8 : i32
    %scan3A_10 = arith.constant 1 : i32
    scf.for %scan3A_30 = %scan3A_7 to %scan3A_9 step %scan3A_10  : i32 {
      %mul3A_31 = arith.constant 80 : i32
      %mul3A_32 = arith.muli %scan3A_30, %mul3A_31 : i32
      %add3A = arith.addi %mul3A_0, %mul3A_32 : i32
      "tpu.region"() ({
        %run_scoped3A = tpu.sem_alloc : memref<!tpu.dma_semaphore, #tpu.memory_space<semaphore_mem>>
        %dma_start3A = arith.constant 0 : i32
        %dma_start3A_33 = tpu.memref_slice %arg13[%add3A, %dma_start3A] : memref<10240x128xf32, #tpu.memory_space<vmem_shared>> -> memref<80x128xf32, #tpu.memory_space<vmem_shared>>
        %dma_start3A_34 = arith.constant 0 : i32
        %dma_start3A_35 = tpu.memref_slice %arg13[%add3A, %dma_start3A_34] : memref<10240x128xf32, #tpu.memory_space<vmem_shared>> -> memref<80x128xf32, #tpu.memory_space<vmem_shared>>
        tpu.enqueue_dma source(%arg9 : memref<80x128xf32, #tpu.memory_space<vmem>>) target(%dma_start3A_35 : memref<80x128xf32, #tpu.memory_space<vmem_shared>>) target_semaphore(%run_scoped3A : memref<!tpu.dma_semaphore, #tpu.memory_space<semaphore_mem>>)
        %dma_wait3A = arith.constant 0 : i32
        %dma_wait3A_36 = tpu.memref_slice %arg13[%add3A, %dma_wait3A] : memref<10240x128xf32, #tpu.memory_space<vmem_shared>> -> memref<80x128xf32, #tpu.memory_space<vmem_shared>>
        %dma_wait3A_37 = arith.constant 0 : i32
        %dma_wait3A_38 = tpu.memref_slice %arg13[%add3A, %dma_wait3A_37] : memref<10240x128xf32, #tpu.memory_space<vmem_shared>> -> memref<80x128xf32, #tpu.memory_space<vmem_shared>>
        tpu.wait_dma2 semaphore(%run_scoped3A : memref<!tpu.dma_semaphore, #tpu.memory_space<semaphore_mem>>) src(%arg9 : memref<80x128xf32, #tpu.memory_space<vmem>>) dst(%dma_wait3A_38 : memref<80x128xf32, #tpu.memory_space<vmem_shared>>)
        tpu.yield
      }) : () -> ()
    }
    %scan3A_11 = arith.constant 8 : i32
    %barrier3A = arith.constant 0 : index
    tpu.barrier barrier_id(%barrier3A)
    %eq3A = arith.constant 0 : i32
    %eq3A_12 = arith.cmpi eq, %arg0, %eq3A : i32
    %convert_element_type3A = arith.extui %eq3A_12 : i1 to i32
    %cond3A = arith.constant 0 : i32
    %cond3A_13 = arith.cmpi ne, %convert_element_type3A, %cond3A : i32
    scf.if %cond3A_13 {
      %scan3A_30 = arith.constant 0 : i32
      %scan3A_31 = arith.constant 0 : i32
      %scan3A_32 = arith.constant 5 : i32
      %scan3A_33 = arith.addi %scan3A_31, %scan3A_32 : i32
      %scan3A_34 = arith.constant 1 : i32
      scf.for %scan3A_36 = %scan3A_31 to %scan3A_33 step %scan3A_34  : i32 {
        %run_scoped3A = arith.constant 0 : i32
        "tpu.region"() ({
          %run_scoped3A_177 = tpu.sem_alloc : memref<!tpu.dma_semaphore, #tpu.memory_space<semaphore_mem>>
          %dma_start3A_178 = arith.constant 0 : i32
          %dma_start3A_179 = arith.constant 0 : i32
          %dma_start3A_180 = tpu.memref_slice %arg2[%run_scoped3A, %arg1, %scan3A_36, %dma_start3A_178, %dma_start3A_179] : memref<2x16x5x25x80xi32, #tpu.memory_space<hbm>> -> memref<1x1x1x25x80xi32, #tpu.memory_space<hbm>>
          %dma_start3A_181 = tpu.memref_squeeze %dma_start3A_180 : memref<1x1x1x25x80xi32, #tpu.memory_space<hbm>> -> memref<25x80xi32, #tpu.memory_space<hbm>>
          %dma_start3A_182 = arith.constant 0 : i32
          %dma_start3A_183 = arith.constant 0 : i32
          %dma_start3A_184 = tpu.memref_slice %arg2[%run_scoped3A, %arg1, %scan3A_36, %dma_start3A_182, %dma_start3A_183] : memref<2x16x5x25x80xi32, #tpu.memory_space<hbm>> -> memref<1x1x1x25x80xi32, #tpu.memory_space<hbm>>
          %dma_start3A_185 = tpu.memref_squeeze %dma_start3A_184 : memref<1x1x1x25x80xi32, #tpu.memory_space<hbm>> -> memref<25x80xi32, #tpu.memory_space<hbm>>
          tpu.enqueue_dma source(%dma_start3A_185 : memref<25x80xi32, #tpu.memory_space<hbm>>) target(%arg7 : memref<25x80xi32, #tpu.memory_space<vmem>>) target_semaphore(%run_scoped3A_177 : memref<!tpu.dma_semaphore, #tpu.memory_space<semaphore_mem>>)
          %dma_wait3A_186 = arith.constant 0 : i32
          %dma_wait3A_187 = arith.constant 0 : i32
          %dma_wait3A_188 = tpu.memref_slice %arg2[%run_scoped3A, %arg1, %scan3A_36, %dma_wait3A_186, %dma_wait3A_187] : memref<2x16x5x25x80xi32, #tpu.memory_space<hbm>> -> memref<1x1x1x25x80xi32, #tpu.memory_space<hbm>>
          %dma_wait3A_189 = tpu.memref_squeeze %dma_wait3A_188 : memref<1x1x1x25x80xi32, #tpu.memory_space<hbm>> -> memref<25x80xi32, #tpu.memory_space<hbm>>
          %dma_wait3A_190 = arith.constant 0 : i32
          %dma_wait3A_191 = arith.constant 0 : i32
          %dma_wait3A_192 = tpu.memref_slice %arg2[%run_scoped3A, %arg1, %scan3A_36, %dma_wait3A_190, %dma_wait3A_191] : memref<2x16x5x25x80xi32, #tpu.memory_space<hbm>> -> memref<1x1x1x25x80xi32, #tpu.memory_space<hbm>>
          %dma_wait3A_193 = tpu.memref_squeeze %dma_wait3A_192 : memref<1x1x1x25x80xi32, #tpu.memory_space<hbm>> -> memref<25x80xi32, #tpu.memory_space<hbm>>
          tpu.wait_dma2 semaphore(%run_scoped3A_177 : memref<!tpu.dma_semaphore, #tpu.memory_space<semaphore_mem>>) src(%dma_wait3A_193 : memref<25x80xi32, #tpu.memory_space<hbm>>) dst(%arg7 : memref<25x80xi32, #tpu.memory_space<vmem>>)
          tpu.yield
        }) : () -> ()
        %run_scoped3A_37 = arith.constant 1 : i32
        "tpu.region"() ({
          %run_scoped3A_177 = tpu.sem_alloc : memref<!tpu.dma_semaphore, #tpu.memory_space<semaphore_mem>>
          %dma_start3A_178 = arith.constant 0 : i32
          %dma_start3A_179 = arith.constant 0 : i32
          %dma_start3A_180 = tpu.memref_slice %arg2[%run_scoped3A_37, %arg1, %scan3A_36, %dma_start3A_178, %dma_start3A_179] : memref<2x16x5x25x80xi32, #tpu.memory_space<hbm>> -> memref<1x1x1x25x80xi32, #tpu.memory_space<hbm>>
          %dma_start3A_181 = tpu.memref_squeeze %dma_start3A_180 : memref<1x1x1x25x80xi32, #tpu.memory_space<hbm>> -> memref<25x80xi32, #tpu.memory_space<hbm>>
          %dma_start3A_182 = arith.constant 0 : i32
          %dma_start3A_183 = arith.constant 0 : i32
          %dma_start3A_184 = tpu.memref_slice %arg2[%run_scoped3A_37, %arg1, %scan3A_36, %dma_start3A_182, %dma_start3A_183] : memref<2x16x5x25x80xi32, #tpu.memory_space<hbm>> -> memref<1x1x1x25x80xi32, #tpu.memory_space<hbm>>
          %dma_start3A_185 = tpu.memref_squeeze %dma_start3A_184 : memref<1x1x1x25x80xi32, #tpu.memory_space<hbm>> -> memref<25x80xi32, #tpu.memory_space<hbm>>
          tpu.enqueue_dma source(%dma_start3A_185 : memref<25x80xi32, #tpu.memory_space<hbm>>) target(%arg8 : memref<25x80xi32, #tpu.memory_space<vmem>>) target_semaphore(%run_scoped3A_177 : memref<!tpu.dma_semaphore, #tpu.memory_space<semaphore_mem>>)
          %dma_wait3A_186 = arith.constant 0 : i32
          %dma_wait3A_187 = arith.constant 0 : i32
          %dma_wait3A_188 = tpu.memref_slice %arg2[%run_scoped3A_37, %arg1, %scan3A_36, %dma_wait3A_186, %dma_wait3A_187] : memref<2x16x5x25x80xi32, #tpu.memory_space<hbm>> -> memref<1x1x1x25x80xi32, #tpu.memory_space<hbm>>
          %dma_wait3A_189 = tpu.memref_squeeze %dma_wait3A_188 : memref<1x1x1x25x80xi32, #tpu.memory_space<hbm>> -> memref<25x80xi32, #tpu.memory_space<hbm>>
          %dma_wait3A_190 = arith.constant 0 : i32
          %dma_wait3A_191 = arith.constant 0 : i32
          %dma_wait3A_192 = tpu.memref_slice %arg2[%run_scoped3A_37, %arg1, %scan3A_36, %dma_wait3A_190, %dma_wait3A_191] : memref<2x16x5x25x80xi32, #tpu.memory_space<hbm>> -> memref<1x1x1x25x80xi32, #tpu.memory_space<hbm>>
          %dma_wait3A_193 = tpu.memref_squeeze %dma_wait3A_192 : memref<1x1x1x25x80xi32, #tpu.memory_space<hbm>> -> memref<25x80xi32, #tpu.memory_space<hbm>>
          tpu.wait_dma2 semaphore(%run_scoped3A_177 : memref<!tpu.dma_semaphore, #tpu.memory_space<semaphore_mem>>) src(%dma_wait3A_193 : memref<25x80xi32, #tpu.memory_space<hbm>>) dst(%arg8 : memref<25x80xi32, #tpu.memory_space<vmem>>)
          tpu.yield
        }) : () -> ()
        %dma_start3A = arith.constant 0 : i32
        %dma_start3A_38 = arith.constant 0 : i32
        %dma_start3A_39 = tpu.memref_slice %arg7[%dma_start3A, %dma_start3A_38] : memref<25x80xi32, #tpu.memory_space<vmem>> -> memref<1x80xi32, #tpu.memory_space<vmem>>
        %dma_start3A_40 = tpu.memref_squeeze %dma_start3A_39 : memref<1x80xi32, #tpu.memory_space<vmem>> -> memref<80xi32, #tpu.memory_space<vmem>>
        %dma_start3A_41 = arith.constant 0 : i32
        %dma_start3A_42 = arith.constant 0 : i32
        %dma_start3A_43 = tpu.memref_slice %arg3[%dma_start3A_41, %dma_start3A_42] : memref<10240x128xf32, #tpu.memory_space<hbm>> -> memref<10240x128xf32, #tpu.memory_space<hbm>>
        tpu.enqueue_indirect_dma source(%dma_start3A_43 : memref<10240x128xf32, #tpu.memory_space<hbm>>) target(%arg9 : memref<80x128xf32, #tpu.memory_space<vmem>>) offsets(%dma_start3A_40 : memref<80xi32, #tpu.memory_space<vmem>>) semaphore(%arg14 : memref<!tpu.dma_semaphore, #tpu.memory_space<semaphore_mem>>)
        %dma_start3A_44 = arith.constant 1 : i32
        %dma_start3A_45 = arith.constant 0 : i32
        %dma_start3A_46 = tpu.memref_slice %arg7[%dma_start3A_44, %dma_start3A_45] : memref<25x80xi32, #tpu.memory_space<vmem>> -> memref<1x80xi32, #tpu.memory_space<vmem>>
        %dma_start3A_47 = tpu.memref_squeeze %dma_start3A_46 : memref<1x80xi32, #tpu.memory_space<vmem>> -> memref<80xi32, #tpu.memory_space<vmem>>
        %dma_start3A_48 = arith.constant 0 : i32
        %dma_start3A_49 = arith.constant 0 : i32
        %dma_start3A_50 = tpu.memref_slice %arg3[%dma_start3A_48, %dma_start3A_49] : memref<10240x128xf32, #tpu.memory_space<hbm>> -> memref<10240x128xf32, #tpu.memory_space<hbm>>
        tpu.enqueue_indirect_dma source(%dma_start3A_50 : memref<10240x128xf32, #tpu.memory_space<hbm>>) target(%arg10 : memref<80x128xf32, #tpu.memory_space<vmem>>) offsets(%dma_start3A_47 : memref<80xi32, #tpu.memory_space<vmem>>) semaphore(%arg15 : memref<!tpu.dma_semaphore, #tpu.memory_space<semaphore_mem>>)
        %dma_start3A_51 = arith.constant 2 : i32
        %dma_start3A_52 = arith.constant 0 : i32
        %dma_start3A_53 = tpu.memref_slice %arg7[%dma_start3A_51, %dma_start3A_52] : memref<25x80xi32, #tpu.memory_space<vmem>> -> memref<1x80xi32, #tpu.memory_space<vmem>>
        %dma_start3A_54 = tpu.memref_squeeze %dma_start3A_53 : memref<1x80xi32, #tpu.memory_space<vmem>> -> memref<80xi32, #tpu.memory_space<vmem>>
        %dma_start3A_55 = arith.constant 0 : i32
        %dma_start3A_56 = arith.constant 0 : i32
        %dma_start3A_57 = tpu.memref_slice %arg3[%dma_start3A_55, %dma_start3A_56] : memref<10240x128xf32, #tpu.memory_space<hbm>> -> memref<10240x128xf32, #tpu.memory_space<hbm>>
        tpu.enqueue_indirect_dma source(%dma_start3A_57 : memref<10240x128xf32, #tpu.memory_space<hbm>>) target(%arg11 : memref<80x128xf32, #tpu.memory_space<vmem>>) offsets(%dma_start3A_54 : memref<80xi32, #tpu.memory_space<vmem>>) semaphore(%arg16 : memref<!tpu.dma_semaphore, #tpu.memory_space<semaphore_mem>>)
        %dma_start3A_58 = arith.constant 3 : i32
        %dma_start3A_59 = arith.constant 0 : i32
        %dma_start3A_60 = tpu.memref_slice %arg7[%dma_start3A_58, %dma_start3A_59] : memref<25x80xi32, #tpu.memory_space<vmem>> -> memref<1x80xi32, #tpu.memory_space<vmem>>
        %dma_start3A_61 = tpu.memref_squeeze %dma_start3A_60 : memref<1x80xi32, #tpu.memory_space<vmem>> -> memref<80xi32, #tpu.memory_space<vmem>>
        %dma_start3A_62 = arith.constant 0 : i32
        %dma_start3A_63 = arith.constant 0 : i32
        %dma_start3A_64 = tpu.memref_slice %arg3[%dma_start3A_62, %dma_start3A_63] : memref<10240x128xf32, #tpu.memory_space<hbm>> -> memref<10240x128xf32, #tpu.memory_space<hbm>>
        tpu.enqueue_indirect_dma source(%dma_start3A_64 : memref<10240x128xf32, #tpu.memory_space<hbm>>) target(%arg12 : memref<80x128xf32, #tpu.memory_space<vmem>>) offsets(%dma_start3A_61 : memref<80xi32, #tpu.memory_space<vmem>>) semaphore(%arg17 : memref<!tpu.dma_semaphore, #tpu.memory_space<semaphore_mem>>)
        %scan3A_65 = arith.constant 0 : i32
        %scan3A_66 = arith.constant 0 : i32
        %scan3A_67 = arith.constant 5 : i32
        %scan3A_68 = arith.addi %scan3A_66, %scan3A_67 : i32
        %scan3A_69 = arith.constant 1 : i32
        scf.for %scan3A_177 = %scan3A_66 to %scan3A_68 step %scan3A_69  : i32 {
          %dma_wait3A_178 = arith.constant 0 : i32
          %dma_wait3A_179 = arith.constant 0 : i32
          %dma_wait3A_180 = tpu.memref_slice %arg3[%dma_wait3A_178, %dma_wait3A_179] : memref<10240x128xf32, #tpu.memory_space<hbm>> -> memref<80x128xf32, #tpu.memory_space<hbm>>
          %dma_wait3A_181 = arith.constant 0 : i32
          %dma_wait3A_182 = arith.constant 0 : i32
          %dma_wait3A_183 = tpu.memref_slice %arg3[%dma_wait3A_181, %dma_wait3A_182] : memref<10240x128xf32, #tpu.memory_space<hbm>> -> memref<80x128xf32, #tpu.memory_space<hbm>>
          tpu.wait_dma2 semaphore(%arg14 : memref<!tpu.dma_semaphore, #tpu.memory_space<semaphore_mem>>) src(%dma_wait3A_183 : memref<80x128xf32, #tpu.memory_space<hbm>>) dst(%arg9 : memref<80x128xf32, #tpu.memory_space<vmem>>)
          %mul3A_184 = arith.constant 4 : i32
          %mul3A_185 = arith.muli %mul3A_184, %scan3A_177 : i32
          %add3A = arith.constant 0 : i32
          %add3A_186 = arith.addi %mul3A_185, %add3A : i32
          %dma_start3A_187 = arith.constant 0 : i32
          %dma_start3A_188 = tpu.memref_slice %arg8[%add3A_186, %dma_start3A_187] : memref<25x80xi32, #tpu.memory_space<vmem>> -> memref<1x80xi32, #tpu.memory_space<vmem>>
          %dma_start3A_189 = tpu.memref_squeeze %dma_start3A_188 : memref<1x80xi32, #tpu.memory_space<vmem>> -> memref<80xi32, #tpu.memory_space<vmem>>
          %dma_start3A_190 = arith.constant 0 : i32
          %dma_start3A_191 = arith.constant 0 : i32
          %dma_start3A_192 = tpu.memref_slice %arg13[%dma_start3A_190, %dma_start3A_191] : memref<10240x128xf32, #tpu.memory_space<vmem_shared>> -> memref<10240x128xf32, #tpu.memory_space<vmem_shared>>
          tpu.enqueue_indirect_dma source(%arg9 : memref<80x128xf32, #tpu.memory_space<vmem>>) target(%dma_start3A_192 : memref<10240x128xf32, #tpu.memory_space<vmem_shared>>) offsets(%dma_start3A_189 : memref<80xi32, #tpu.memory_space<vmem>>) semaphore(%arg18 : memref<!tpu.dma_semaphore, #tpu.memory_space<semaphore_mem>>) {add = true}
          %dma_wait3A_193 = arith.constant 0 : i32
          %dma_wait3A_194 = arith.constant 0 : i32
          %dma_wait3A_195 = tpu.memref_slice %arg3[%dma_wait3A_193, %dma_wait3A_194] : memref<10240x128xf32, #tpu.memory_space<hbm>> -> memref<80x128xf32, #tpu.memory_space<hbm>>
          %dma_wait3A_196 = arith.constant 0 : i32
          %dma_wait3A_197 = arith.constant 0 : i32
          %dma_wait3A_198 = tpu.memref_slice %arg3[%dma_wait3A_196, %dma_wait3A_197] : memref<10240x128xf32, #tpu.memory_space<hbm>> -> memref<80x128xf32, #tpu.memory_space<hbm>>
          tpu.wait_dma2 semaphore(%arg15 : memref<!tpu.dma_semaphore, #tpu.memory_space<semaphore_mem>>) src(%dma_wait3A_198 : memref<80x128xf32, #tpu.memory_space<hbm>>) dst(%arg10 : memref<80x128xf32, #tpu.memory_space<vmem>>)
          %mul3A_199 = arith.constant 4 : i32
          %mul3A_200 = arith.muli %mul3A_199, %scan3A_177 : i32
          %add3A_201 = arith.constant 1 : i32
          %add3A_202 = arith.addi %mul3A_200, %add3A_201 : i32
          %dma_start3A_203 = arith.constant 0 : i32
          %dma_start3A_204 = tpu.memref_slice %arg8[%add3A_202, %dma_start3A_203] : memref<25x80xi32, #tpu.memory_space<vmem>> -> memref<1x80xi32, #tpu.memory_space<vmem>>
          %dma_start3A_205 = tpu.memref_squeeze %dma_start3A_204 : memref<1x80xi32, #tpu.memory_space<vmem>> -> memref<80xi32, #tpu.memory_space<vmem>>
          %dma_start3A_206 = arith.constant 0 : i32
          %dma_start3A_207 = arith.constant 0 : i32
          %dma_start3A_208 = tpu.memref_slice %arg13[%dma_start3A_206, %dma_start3A_207] : memref<10240x128xf32, #tpu.memory_space<vmem_shared>> -> memref<10240x128xf32, #tpu.memory_space<vmem_shared>>
          tpu.enqueue_indirect_dma source(%arg10 : memref<80x128xf32, #tpu.memory_space<vmem>>) target(%dma_start3A_208 : memref<10240x128xf32, #tpu.memory_space<vmem_shared>>) offsets(%dma_start3A_205 : memref<80xi32, #tpu.memory_space<vmem>>) semaphore(%arg19 : memref<!tpu.dma_semaphore, #tpu.memory_space<semaphore_mem>>) {add = true}
          %dma_wait3A_209 = arith.constant 0 : i32
          %dma_wait3A_210 = arith.constant 0 : i32
          %dma_wait3A_211 = tpu.memref_slice %arg3[%dma_wait3A_209, %dma_wait3A_210] : memref<10240x128xf32, #tpu.memory_space<hbm>> -> memref<80x128xf32, #tpu.memory_space<hbm>>
          %dma_wait3A_212 = arith.constant 0 : i32
          %dma_wait3A_213 = arith.constant 0 : i32
          %dma_wait3A_214 = tpu.memref_slice %arg3[%dma_wait3A_212, %dma_wait3A_213] : memref<10240x128xf32, #tpu.memory_space<hbm>> -> memref<80x128xf32, #tpu.memory_space<hbm>>
          tpu.wait_dma2 semaphore(%arg16 : memref<!tpu.dma_semaphore, #tpu.memory_space<semaphore_mem>>) src(%dma_wait3A_214 : memref<80x128xf32, #tpu.memory_space<hbm>>) dst(%arg11 : memref<80x128xf32, #tpu.memory_space<vmem>>)
          %mul3A_215 = arith.constant 4 : i32
          %mul3A_216 = arith.muli %mul3A_215, %scan3A_177 : i32
          %add3A_217 = arith.constant 2 : i32
          %add3A_218 = arith.addi %mul3A_216, %add3A_217 : i32
          %dma_start3A_219 = arith.constant 0 : i32
          %dma_start3A_220 = tpu.memref_slice %arg8[%add3A_218, %dma_start3A_219] : memref<25x80xi32, #tpu.memory_space<vmem>> -> memref<1x80xi32, #tpu.memory_space<vmem>>
          %dma_start3A_221 = tpu.memref_squeeze %dma_start3A_220 : memref<1x80xi32, #tpu.memory_space<vmem>> -> memref<80xi32, #tpu.memory_space<vmem>>
          %dma_start3A_222 = arith.constant 0 : i32
          %dma_start3A_223 = arith.constant 0 : i32
          %dma_start3A_224 = tpu.memref_slice %arg13[%dma_start3A_222, %dma_start3A_223] : memref<10240x128xf32, #tpu.memory_space<vmem_shared>> -> memref<10240x128xf32, #tpu.memory_space<vmem_shared>>
          tpu.enqueue_indirect_dma source(%arg11 : memref<80x128xf32, #tpu.memory_space<vmem>>) target(%dma_start3A_224 : memref<10240x128xf32, #tpu.memory_space<vmem_shared>>) offsets(%dma_start3A_221 : memref<80xi32, #tpu.memory_space<vmem>>) semaphore(%arg20 : memref<!tpu.dma_semaphore, #tpu.memory_space<semaphore_mem>>) {add = true}
          %dma_wait3A_225 = arith.constant 0 : i32
          %dma_wait3A_226 = arith.constant 0 : i32
          %dma_wait3A_227 = tpu.memref_slice %arg3[%dma_wait3A_225, %dma_wait3A_226] : memref<10240x128xf32, #tpu.memory_space<hbm>> -> memref<80x128xf32, #tpu.memory_space<hbm>>
          %dma_wait3A_228 = arith.constant 0 : i32
          %dma_wait3A_229 = arith.constant 0 : i32
          %dma_wait3A_230 = tpu.memref_slice %arg3[%dma_wait3A_228, %dma_wait3A_229] : memref<10240x128xf32, #tpu.memory_space<hbm>> -> memref<80x128xf32, #tpu.memory_space<hbm>>
          tpu.wait_dma2 semaphore(%arg17 : memref<!tpu.dma_semaphore, #tpu.memory_space<semaphore_mem>>) src(%dma_wait3A_230 : memref<80x128xf32, #tpu.memory_space<hbm>>) dst(%arg12 : memref<80x128xf32, #tpu.memory_space<vmem>>)
          %mul3A_231 = arith.constant 4 : i32
          %mul3A_232 = arith.muli %mul3A_231, %scan3A_177 : i32
          %add3A_233 = arith.constant 3 : i32
          %add3A_234 = arith.addi %mul3A_232, %add3A_233 : i32
          %dma_start3A_235 = arith.constant 0 : i32
          %dma_start3A_236 = tpu.memref_slice %arg8[%add3A_234, %dma_start3A_235] : memref<25x80xi32, #tpu.memory_space<vmem>> -> memref<1x80xi32, #tpu.memory_space<vmem>>
          %dma_start3A_237 = tpu.memref_squeeze %dma_start3A_236 : memref<1x80xi32, #tpu.memory_space<vmem>> -> memref<80xi32, #tpu.memory_space<vmem>>
          %dma_start3A_238 = arith.constant 0 : i32
          %dma_start3A_239 = arith.constant 0 : i32
          %dma_start3A_240 = tpu.memref_slice %arg13[%dma_start3A_238, %dma_start3A_239] : memref<10240x128xf32, #tpu.memory_space<vmem_shared>> -> memref<10240x128xf32, #tpu.memory_space<vmem_shared>>
          tpu.enqueue_indirect_dma source(%arg12 : memref<80x128xf32, #tpu.memory_space<vmem>>) target(%dma_start3A_240 : memref<10240x128xf32, #tpu.memory_space<vmem_shared>>) offsets(%dma_start3A_237 : memref<80xi32, #tpu.memory_space<vmem>>) semaphore(%arg21 : memref<!tpu.dma_semaphore, #tpu.memory_space<semaphore_mem>>) {add = true}
          %dma_wait3A_241 = arith.constant 0 : i32
          %dma_wait3A_242 = arith.constant 0 : i32
          %dma_wait3A_243 = tpu.memref_slice %arg8[%dma_wait3A_241, %dma_wait3A_242] : memref<25x80xi32, #tpu.memory_space<vmem>> -> memref<1x80xi32, #tpu.memory_space<vmem>>
          %dma_wait3A_244 = tpu.memref_squeeze %dma_wait3A_243 : memref<1x80xi32, #tpu.memory_space<vmem>> -> memref<80xi32, #tpu.memory_space<vmem>>
          %dma_wait3A_245 = arith.constant 0 : i32
          %dma_wait3A_246 = arith.constant 0 : i32
          %dma_wait3A_247 = tpu.memref_slice %arg13[%dma_wait3A_245, %dma_wait3A_246] : memref<10240x128xf32, #tpu.memory_space<vmem_shared>> -> memref<10240x128xf32, #tpu.memory_space<vmem_shared>>
          tpu.wait_indirect_dma semaphore(%arg18 : memref<!tpu.dma_semaphore, #tpu.memory_space<semaphore_mem>>) src(%arg9 : memref<80x128xf32, #tpu.memory_space<vmem>>) dst(%dma_wait3A_247 : memref<10240x128xf32, #tpu.memory_space<vmem_shared>>)
          %mul3A_248 = arith.constant 4 : i32
          %mul3A_249 = arith.muli %mul3A_248, %scan3A_177 : i32
          %add3A_250 = arith.constant 0 : i32
          %add3A_251 = arith.addi %mul3A_249, %add3A_250 : i32
          %add3A_252 = arith.constant 4 : i32
          %add3A_253 = arith.addi %add3A_251, %add3A_252 : i32
          %dma_start3A_254 = arith.constant 0 : i32
          %dma_start3A_255 = tpu.memref_slice %arg7[%add3A_253, %dma_start3A_254] : memref<25x80xi32, #tpu.memory_space<vmem>> -> memref<1x80xi32, #tpu.memory_space<vmem>>
          %dma_start3A_256 = tpu.memref_squeeze %dma_start3A_255 : memref<1x80xi32, #tpu.memory_space<vmem>> -> memref<80xi32, #tpu.memory_space<vmem>>
          %dma_start3A_257 = arith.constant 0 : i32
          %dma_start3A_258 = arith.constant 0 : i32
          %dma_start3A_259 = tpu.memref_slice %arg3[%dma_start3A_257, %dma_start3A_258] : memref<10240x128xf32, #tpu.memory_space<hbm>> -> memref<10240x128xf32, #tpu.memory_space<hbm>>
          tpu.enqueue_indirect_dma source(%dma_start3A_259 : memref<10240x128xf32, #tpu.memory_space<hbm>>) target(%arg9 : memref<80x128xf32, #tpu.memory_space<vmem>>) offsets(%dma_start3A_256 : memref<80xi32, #tpu.memory_space<vmem>>) semaphore(%arg14 : memref<!tpu.dma_semaphore, #tpu.memory_space<semaphore_mem>>)
          %dma_wait3A_260 = arith.constant 0 : i32
          %dma_wait3A_261 = arith.constant 0 : i32
          %dma_wait3A_262 = tpu.memref_slice %arg8[%dma_wait3A_260, %dma_wait3A_261] : memref<25x80xi32, #tpu.memory_space<vmem>> -> memref<1x80xi32, #tpu.memory_space<vmem>>
          %dma_wait3A_263 = tpu.memref_squeeze %dma_wait3A_262 : memref<1x80xi32, #tpu.memory_space<vmem>> -> memref<80xi32, #tpu.memory_space<vmem>>
          %dma_wait3A_264 = arith.constant 0 : i32
          %dma_wait3A_265 = arith.constant 0 : i32
          %dma_wait3A_266 = tpu.memref_slice %arg13[%dma_wait3A_264, %dma_wait3A_265] : memref<10240x128xf32, #tpu.memory_space<vmem_shared>> -> memref<10240x128xf32, #tpu.memory_space<vmem_shared>>
          tpu.wait_indirect_dma semaphore(%arg19 : memref<!tpu.dma_semaphore, #tpu.memory_space<semaphore_mem>>) src(%arg10 : memref<80x128xf32, #tpu.memory_space<vmem>>) dst(%dma_wait3A_266 : memref<10240x128xf32, #tpu.memory_space<vmem_shared>>)
          %mul3A_267 = arith.constant 4 : i32
          %mul3A_268 = arith.muli %mul3A_267, %scan3A_177 : i32
          %add3A_269 = arith.constant 1 : i32
          %add3A_270 = arith.addi %mul3A_268, %add3A_269 : i32
          %add3A_271 = arith.constant 4 : i32
          %add3A_272 = arith.addi %add3A_270, %add3A_271 : i32
          %dma_start3A_273 = arith.constant 0 : i32
          %dma_start3A_274 = tpu.memref_slice %arg7[%add3A_272, %dma_start3A_273] : memref<25x80xi32, #tpu.memory_space<vmem>> -> memref<1x80xi32, #tpu.memory_space<vmem>>
          %dma_start3A_275 = tpu.memref_squeeze %dma_start3A_274 : memref<1x80xi32, #tpu.memory_space<vmem>> -> memref<80xi32, #tpu.memory_space<vmem>>
          %dma_start3A_276 = arith.constant 0 : i32
          %dma_start3A_277 = arith.constant 0 : i32
          %dma_start3A_278 = tpu.memref_slice %arg3[%dma_start3A_276, %dma_start3A_277] : memref<10240x128xf32, #tpu.memory_space<hbm>> -> memref<10240x128xf32, #tpu.memory_space<hbm>>
          tpu.enqueue_indirect_dma source(%dma_start3A_278 : memref<10240x128xf32, #tpu.memory_space<hbm>>) target(%arg10 : memref<80x128xf32, #tpu.memory_space<vmem>>) offsets(%dma_start3A_275 : memref<80xi32, #tpu.memory_space<vmem>>) semaphore(%arg15 : memref<!tpu.dma_semaphore, #tpu.memory_space<semaphore_mem>>)
          %dma_wait3A_279 = arith.constant 0 : i32
          %dma_wait3A_280 = arith.constant 0 : i32
          %dma_wait3A_281 = tpu.memref_slice %arg8[%dma_wait3A_279, %dma_wait3A_280] : memref<25x80xi32, #tpu.memory_space<vmem>> -> memref<1x80xi32, #tpu.memory_space<vmem>>
          %dma_wait3A_282 = tpu.memref_squeeze %dma_wait3A_281 : memref<1x80xi32, #tpu.memory_space<vmem>> -> memref<80xi32, #tpu.memory_space<vmem>>
          %dma_wait3A_283 = arith.constant 0 : i32
          %dma_wait3A_284 = arith.constant 0 : i32
          %dma_wait3A_285 = tpu.memref_slice %arg13[%dma_wait3A_283, %dma_wait3A_284] : memref<10240x128xf32, #tpu.memory_space<vmem_shared>> -> memref<10240x128xf32, #tpu.memory_space<vmem_shared>>
          tpu.wait_indirect_dma semaphore(%arg20 : memref<!tpu.dma_semaphore, #tpu.memory_space<semaphore_mem>>) src(%arg11 : memref<80x128xf32, #tpu.memory_space<vmem>>) dst(%dma_wait3A_285 : memref<10240x128xf32, #tpu.memory_space<vmem_shared>>)
          %mul3A_286 = arith.constant 4 : i32
          %mul3A_287 = arith.muli %mul3A_286, %scan3A_177 : i32
          %add3A_288 = arith.constant 2 : i32
          %add3A_289 = arith.addi %mul3A_287, %add3A_288 : i32
          %add3A_290 = arith.constant 4 : i32
          %add3A_291 = arith.addi %add3A_289, %add3A_290 : i32
          %dma_start3A_292 = arith.constant 0 : i32
          %dma_start3A_293 = tpu.memref_slice %arg7[%add3A_291, %dma_start3A_292] : memref<25x80xi32, #tpu.memory_space<vmem>> -> memref<1x80xi32, #tpu.memory_space<vmem>>
          %dma_start3A_294 = tpu.memref_squeeze %dma_start3A_293 : memref<1x80xi32, #tpu.memory_space<vmem>> -> memref<80xi32, #tpu.memory_space<vmem>>
          %dma_start3A_295 = arith.constant 0 : i32
          %dma_start3A_296 = arith.constant 0 : i32
          %dma_start3A_297 = tpu.memref_slice %arg3[%dma_start3A_295, %dma_start3A_296] : memref<10240x128xf32, #tpu.memory_space<hbm>> -> memref<10240x128xf32, #tpu.memory_space<hbm>>
          tpu.enqueue_indirect_dma source(%dma_start3A_297 : memref<10240x128xf32, #tpu.memory_space<hbm>>) target(%arg11 : memref<80x128xf32, #tpu.memory_space<vmem>>) offsets(%dma_start3A_294 : memref<80xi32, #tpu.memory_space<vmem>>) semaphore(%arg16 : memref<!tpu.dma_semaphore, #tpu.memory_space<semaphore_mem>>)
          %dma_wait3A_298 = arith.constant 0 : i32
          %dma_wait3A_299 = arith.constant 0 : i32
          %dma_wait3A_300 = tpu.memref_slice %arg8[%dma_wait3A_298, %dma_wait3A_299] : memref<25x80xi32, #tpu.memory_space<vmem>> -> memref<1x80xi32, #tpu.memory_space<vmem>>
          %dma_wait3A_301 = tpu.memref_squeeze %dma_wait3A_300 : memref<1x80xi32, #tpu.memory_space<vmem>> -> memref<80xi32, #tpu.memory_space<vmem>>
          %dma_wait3A_302 = arith.constant 0 : i32
          %dma_wait3A_303 = arith.constant 0 : i32
          %dma_wait3A_304 = tpu.memref_slice %arg13[%dma_wait3A_302, %dma_wait3A_303] : memref<10240x128xf32, #tpu.memory_space<vmem_shared>> -> memref<10240x128xf32, #tpu.memory_space<vmem_shared>>
          tpu.wait_indirect_dma semaphore(%arg21 : memref<!tpu.dma_semaphore, #tpu.memory_space<semaphore_mem>>) src(%arg12 : memref<80x128xf32, #tpu.memory_space<vmem>>) dst(%dma_wait3A_304 : memref<10240x128xf32, #tpu.memory_space<vmem_shared>>)
          %mul3A_305 = arith.constant 4 : i32
          %mul3A_306 = arith.muli %mul3A_305, %scan3A_177 : i32
          %add3A_307 = arith.constant 3 : i32
          %add3A_308 = arith.addi %mul3A_306, %add3A_307 : i32
          %add3A_309 = arith.constant 4 : i32
          %add3A_310 = arith.addi %add3A_308, %add3A_309 : i32
          %dma_start3A_311 = arith.constant 0 : i32
          %dma_start3A_312 = tpu.memref_slice %arg7[%add3A_310, %dma_start3A_311] : memref<25x80xi32, #tpu.memory_space<vmem>> -> memref<1x80xi32, #tpu.memory_space<vmem>>
          %dma_start3A_313 = tpu.memref_squeeze %dma_start3A_312 : memref<1x80xi32, #tpu.memory_space<vmem>> -> memref<80xi32, #tpu.memory_space<vmem>>
          %dma_start3A_314 = arith.constant 0 : i32
          %dma_start3A_315 = arith.constant 0 : i32
          %dma_start3A_316 = tpu.memref_slice %arg3[%dma_start3A_314, %dma_start3A_315] : memref<10240x128xf32, #tpu.memory_space<hbm>> -> memref<10240x128xf32, #tpu.memory_space<hbm>>
          tpu.enqueue_indirect_dma source(%dma_start3A_316 : memref<10240x128xf32, #tpu.memory_space<hbm>>) target(%arg12 : memref<80x128xf32, #tpu.memory_space<vmem>>) offsets(%dma_start3A_313 : memref<80xi32, #tpu.memory_space<vmem>>) semaphore(%arg17 : memref<!tpu.dma_semaphore, #tpu.memory_space<semaphore_mem>>)
        }
        %scan3A_70 = arith.constant 5 : i32
        %dma_wait3A = arith.constant 0 : i32
        %dma_wait3A_71 = arith.constant 0 : i32
        %dma_wait3A_72 = tpu.memref_slice %arg3[%dma_wait3A, %dma_wait3A_71] : memref<10240x128xf32, #tpu.memory_space<hbm>> -> memref<80x128xf32, #tpu.memory_space<hbm>>
        %dma_wait3A_73 = arith.constant 0 : i32
        %dma_wait3A_74 = arith.constant 0 : i32
        %dma_wait3A_75 = tpu.memref_slice %arg3[%dma_wait3A_73, %dma_wait3A_74] : memref<10240x128xf32, #tpu.memory_space<hbm>> -> memref<80x128xf32, #tpu.memory_space<hbm>>
        tpu.wait_dma2 semaphore(%arg14 : memref<!tpu.dma_semaphore, #tpu.memory_space<semaphore_mem>>) src(%dma_wait3A_75 : memref<80x128xf32, #tpu.memory_space<hbm>>) dst(%arg9 : memref<80x128xf32, #tpu.memory_space<vmem>>)
        %dma_start3A_76 = arith.constant 20 : i32
        %dma_start3A_77 = arith.constant 0 : i32
        %dma_start3A_78 = tpu.memref_slice %arg8[%dma_start3A_76, %dma_start3A_77] : memref<25x80xi32, #tpu.memory_space<vmem>> -> memref<1x80xi32, #tpu.memory_space<vmem>>
        %dma_start3A_79 = tpu.memref_squeeze %dma_start3A_78 : memref<1x80xi32, #tpu.memory_space<vmem>> -> memref<80xi32, #tpu.memory_space<vmem>>
        %dma_start3A_80 = arith.constant 0 : i32
        %dma_start3A_81 = arith.constant 0 : i32
        %dma_start3A_82 = tpu.memref_slice %arg13[%dma_start3A_80, %dma_start3A_81] : memref<10240x128xf32, #tpu.memory_space<vmem_shared>> -> memref<10240x128xf32, #tpu.memory_space<vmem_shared>>
        tpu.enqueue_indirect_dma source(%arg9 : memref<80x128xf32, #tpu.memory_space<vmem>>) target(%dma_start3A_82 : memref<10240x128xf32, #tpu.memory_space<vmem_shared>>) offsets(%dma_start3A_79 : memref<80xi32, #tpu.memory_space<vmem>>) semaphore(%arg18 : memref<!tpu.dma_semaphore, #tpu.memory_space<semaphore_mem>>) {add = true}
        %dma_wait3A_83 = arith.constant 0 : i32
        %dma_wait3A_84 = arith.constant 0 : i32
        %dma_wait3A_85 = tpu.memref_slice %arg8[%dma_wait3A_83, %dma_wait3A_84] : memref<25x80xi32, #tpu.memory_space<vmem>> -> memref<1x80xi32, #tpu.memory_space<vmem>>
        %dma_wait3A_86 = tpu.memref_squeeze %dma_wait3A_85 : memref<1x80xi32, #tpu.memory_space<vmem>> -> memref<80xi32, #tpu.memory_space<vmem>>
        %dma_wait3A_87 = arith.constant 0 : i32
        %dma_wait3A_88 = arith.constant 0 : i32
        %dma_wait3A_89 = tpu.memref_slice %arg13[%dma_wait3A_87, %dma_wait3A_88] : memref<10240x128xf32, #tpu.memory_space<vmem_shared>> -> memref<10240x128xf32, #tpu.memory_space<vmem_shared>>
        tpu.wait_indirect_dma semaphore(%arg18 : memref<!tpu.dma_semaphore, #tpu.memory_space<semaphore_mem>>) src(%arg9 : memref<80x128xf32, #tpu.memory_space<vmem>>) dst(%dma_wait3A_89 : memref<10240x128xf32, #tpu.memory_space<vmem_shared>>)
        %dma_start3A_90 = arith.constant 24 : i32
        %dma_start3A_91 = arith.constant 0 : i32
        %dma_start3A_92 = tpu.memref_slice %arg7[%dma_start3A_90, %dma_start3A_91] : memref<25x80xi32, #tpu.memory_space<vmem>> -> memref<1x80xi32, #tpu.memory_space<vmem>>
        %dma_start3A_93 = tpu.memref_squeeze %dma_start3A_92 : memref<1x80xi32, #tpu.memory_space<vmem>> -> memref<80xi32, #tpu.memory_space<vmem>>
        %dma_start3A_94 = arith.constant 0 : i32
        %dma_start3A_95 = arith.constant 0 : i32
        %dma_start3A_96 = tpu.memref_slice %arg3[%dma_start3A_94, %dma_start3A_95] : memref<10240x128xf32, #tpu.memory_space<hbm>> -> memref<10240x128xf32, #tpu.memory_space<hbm>>
        tpu.enqueue_indirect_dma source(%dma_start3A_96 : memref<10240x128xf32, #tpu.memory_space<hbm>>) target(%arg9 : memref<80x128xf32, #tpu.memory_space<vmem>>) offsets(%dma_start3A_93 : memref<80xi32, #tpu.memory_space<vmem>>) semaphore(%arg14 : memref<!tpu.dma_semaphore, #tpu.memory_space<semaphore_mem>>)
        %dma_wait3A_97 = arith.constant 0 : i32
        %dma_wait3A_98 = arith.constant 0 : i32
        %dma_wait3A_99 = tpu.memref_slice %arg3[%dma_wait3A_97, %dma_wait3A_98] : memref<10240x128xf32, #tpu.memory_space<hbm>> -> memref<80x128xf32, #tpu.memory_space<hbm>>
        %dma_wait3A_100 = arith.constant 0 : i32
        %dma_wait3A_101 = arith.constant 0 : i32
        %dma_wait3A_102 = tpu.memref_slice %arg3[%dma_wait3A_100, %dma_wait3A_101] : memref<10240x128xf32, #tpu.memory_space<hbm>> -> memref<80x128xf32, #tpu.memory_space<hbm>>
        tpu.wait_dma2 semaphore(%arg15 : memref<!tpu.dma_semaphore, #tpu.memory_space<semaphore_mem>>) src(%dma_wait3A_102 : memref<80x128xf32, #tpu.memory_space<hbm>>) dst(%arg10 : memref<80x128xf32, #tpu.memory_space<vmem>>)
        %dma_start3A_103 = arith.constant 21 : i32
        %dma_start3A_104 = arith.constant 0 : i32
        %dma_start3A_105 = tpu.memref_slice %arg8[%dma_start3A_103, %dma_start3A_104] : memref<25x80xi32, #tpu.memory_space<vmem>> -> memref<1x80xi32, #tpu.memory_space<vmem>>
        %dma_start3A_106 = tpu.memref_squeeze %dma_start3A_105 : memref<1x80xi32, #tpu.memory_space<vmem>> -> memref<80xi32, #tpu.memory_space<vmem>>
        %dma_start3A_107 = arith.constant 0 : i32
        %dma_start3A_108 = arith.constant 0 : i32
        %dma_start3A_109 = tpu.memref_slice %arg13[%dma_start3A_107, %dma_start3A_108] : memref<10240x128xf32, #tpu.memory_space<vmem_shared>> -> memref<10240x128xf32, #tpu.memory_space<vmem_shared>>
        tpu.enqueue_indirect_dma source(%arg10 : memref<80x128xf32, #tpu.memory_space<vmem>>) target(%dma_start3A_109 : memref<10240x128xf32, #tpu.memory_space<vmem_shared>>) offsets(%dma_start3A_106 : memref<80xi32, #tpu.memory_space<vmem>>) semaphore(%arg19 : memref<!tpu.dma_semaphore, #tpu.memory_space<semaphore_mem>>) {add = true}
        %dma_wait3A_110 = arith.constant 0 : i32
        %dma_wait3A_111 = arith.constant 0 : i32
        %dma_wait3A_112 = tpu.memref_slice %arg3[%dma_wait3A_110, %dma_wait3A_111] : memref<10240x128xf32, #tpu.memory_space<hbm>> -> memref<80x128xf32, #tpu.memory_space<hbm>>
        %dma_wait3A_113 = arith.constant 0 : i32
        %dma_wait3A_114 = arith.constant 0 : i32
        %dma_wait3A_115 = tpu.memref_slice %arg3[%dma_wait3A_113, %dma_wait3A_114] : memref<10240x128xf32, #tpu.memory_space<hbm>> -> memref<80x128xf32, #tpu.memory_space<hbm>>
        tpu.wait_dma2 semaphore(%arg16 : memref<!tpu.dma_semaphore, #tpu.memory_space<semaphore_mem>>) src(%dma_wait3A_115 : memref<80x128xf32, #tpu.memory_space<hbm>>) dst(%arg11 : memref<80x128xf32, #tpu.memory_space<vmem>>)
        %dma_start3A_116 = arith.constant 22 : i32
        %dma_start3A_117 = arith.constant 0 : i32
        %dma_start3A_118 = tpu.memref_slice %arg8[%dma_start3A_116, %dma_start3A_117] : memref<25x80xi32, #tpu.memory_space<vmem>> -> memref<1x80xi32, #tpu.memory_space<vmem>>
        %dma_start3A_119 = tpu.memref_squeeze %dma_start3A_118 : memref<1x80xi32, #tpu.memory_space<vmem>> -> memref<80xi32, #tpu.memory_space<vmem>>
        %dma_start3A_120 = arith.constant 0 : i32
        %dma_start3A_121 = arith.constant 0 : i32
        %dma_start3A_122 = tpu.memref_slice %arg13[%dma_start3A_120, %dma_start3A_121] : memref<10240x128xf32, #tpu.memory_space<vmem_shared>> -> memref<10240x128xf32, #tpu.memory_space<vmem_shared>>
        tpu.enqueue_indirect_dma source(%arg11 : memref<80x128xf32, #tpu.memory_space<vmem>>) target(%dma_start3A_122 : memref<10240x128xf32, #tpu.memory_space<vmem_shared>>) offsets(%dma_start3A_119 : memref<80xi32, #tpu.memory_space<vmem>>) semaphore(%arg20 : memref<!tpu.dma_semaphore, #tpu.memory_space<semaphore_mem>>) {add = true}
        %dma_wait3A_123 = arith.constant 0 : i32
        %dma_wait3A_124 = arith.constant 0 : i32
        %dma_wait3A_125 = tpu.memref_slice %arg3[%dma_wait3A_123, %dma_wait3A_124] : memref<10240x128xf32, #tpu.memory_space<hbm>> -> memref<80x128xf32, #tpu.memory_space<hbm>>
        %dma_wait3A_126 = arith.constant 0 : i32
        %dma_wait3A_127 = arith.constant 0 : i32
        %dma_wait3A_128 = tpu.memref_slice %arg3[%dma_wait3A_126, %dma_wait3A_127] : memref<10240x128xf32, #tpu.memory_space<hbm>> -> memref<80x128xf32, #tpu.memory_space<hbm>>
        tpu.wait_dma2 semaphore(%arg17 : memref<!tpu.dma_semaphore, #tpu.memory_space<semaphore_mem>>) src(%dma_wait3A_128 : memref<80x128xf32, #tpu.memory_space<hbm>>) dst(%arg12 : memref<80x128xf32, #tpu.memory_space<vmem>>)
        %dma_start3A_129 = arith.constant 23 : i32
        %dma_start3A_130 = arith.constant 0 : i32
        %dma_start3A_131 = tpu.memref_slice %arg8[%dma_start3A_129, %dma_start3A_130] : memref<25x80xi32, #tpu.memory_space<vmem>> -> memref<1x80xi32, #tpu.memory_space<vmem>>
        %dma_start3A_132 = tpu.memref_squeeze %dma_start3A_131 : memref<1x80xi32, #tpu.memory_space<vmem>> -> memref<80xi32, #tpu.memory_space<vmem>>
        %dma_start3A_133 = arith.constant 0 : i32
        %dma_start3A_134 = arith.constant 0 : i32
        %dma_start3A_135 = tpu.memref_slice %arg13[%dma_start3A_133, %dma_start3A_134] : memref<10240x128xf32, #tpu.memory_space<vmem_shared>> -> memref<10240x128xf32, #tpu.memory_space<vmem_shared>>
        tpu.enqueue_indirect_dma source(%arg12 : memref<80x128xf32, #tpu.memory_space<vmem>>) target(%dma_start3A_135 : memref<10240x128xf32, #tpu.memory_space<vmem_shared>>) offsets(%dma_start3A_132 : memref<80xi32, #tpu.memory_space<vmem>>) semaphore(%arg21 : memref<!tpu.dma_semaphore, #tpu.memory_space<semaphore_mem>>) {add = true}
        %dma_wait3A_136 = arith.constant 0 : i32
        %dma_wait3A_137 = arith.constant 0 : i32
        %dma_wait3A_138 = tpu.memref_slice %arg3[%dma_wait3A_136, %dma_wait3A_137] : memref<10240x128xf32, #tpu.memory_space<hbm>> -> memref<80x128xf32, #tpu.memory_space<hbm>>
        %dma_wait3A_139 = arith.constant 0 : i32
        %dma_wait3A_140 = arith.constant 0 : i32
        %dma_wait3A_141 = tpu.memref_slice %arg3[%dma_wait3A_139, %dma_wait3A_140] : memref<10240x128xf32, #tpu.memory_space<hbm>> -> memref<80x128xf32, #tpu.memory_space<hbm>>
        tpu.wait_dma2 semaphore(%arg14 : memref<!tpu.dma_semaphore, #tpu.memory_space<semaphore_mem>>) src(%dma_wait3A_141 : memref<80x128xf32, #tpu.memory_space<hbm>>) dst(%arg9 : memref<80x128xf32, #tpu.memory_space<vmem>>)
        %dma_start3A_142 = arith.constant 24 : i32
        %dma_start3A_143 = arith.constant 0 : i32
        %dma_start3A_144 = tpu.memref_slice %arg8[%dma_start3A_142, %dma_start3A_143] : memref<25x80xi32, #tpu.memory_space<vmem>> -> memref<1x80xi32, #tpu.memory_space<vmem>>
        %dma_start3A_145 = tpu.memref_squeeze %dma_start3A_144 : memref<1x80xi32, #tpu.memory_space<vmem>> -> memref<80xi32, #tpu.memory_space<vmem>>
        %dma_start3A_146 = arith.constant 0 : i32
        %dma_start3A_147 = arith.constant 0 : i32
        %dma_start3A_148 = tpu.memref_slice %arg13[%dma_start3A_146, %dma_start3A_147] : memref<10240x128xf32, #tpu.memory_space<vmem_shared>> -> memref<10240x128xf32, #tpu.memory_space<vmem_shared>>
        tpu.enqueue_indirect_dma source(%arg9 : memref<80x128xf32, #tpu.memory_space<vmem>>) target(%dma_start3A_148 : memref<10240x128xf32, #tpu.memory_space<vmem_shared>>) offsets(%dma_start3A_145 : memref<80xi32, #tpu.memory_space<vmem>>) semaphore(%arg18 : memref<!tpu.dma_semaphore, #tpu.memory_space<semaphore_mem>>) {add = true}
        %dma_wait3A_149 = arith.constant 0 : i32
        %dma_wait3A_150 = arith.constant 0 : i32
        %dma_wait3A_151 = tpu.memref_slice %arg8[%dma_wait3A_149, %dma_wait3A_150] : memref<25x80xi32, #tpu.memory_space<vmem>> -> memref<1x80xi32, #tpu.memory_space<vmem>>
        %dma_wait3A_152 = tpu.memref_squeeze %dma_wait3A_151 : memref<1x80xi32, #tpu.memory_space<vmem>> -> memref<80xi32, #tpu.memory_space<vmem>>
        %dma_wait3A_153 = arith.constant 0 : i32
        %dma_wait3A_154 = arith.constant 0 : i32
        %dma_wait3A_155 = tpu.memref_slice %arg13[%dma_wait3A_153, %dma_wait3A_154] : memref<10240x128xf32, #tpu.memory_space<vmem_shared>> -> memref<10240x128xf32, #tpu.memory_space<vmem_shared>>
        tpu.wait_indirect_dma semaphore(%arg18 : memref<!tpu.dma_semaphore, #tpu.memory_space<semaphore_mem>>) src(%arg9 : memref<80x128xf32, #tpu.memory_space<vmem>>) dst(%dma_wait3A_155 : memref<10240x128xf32, #tpu.memory_space<vmem_shared>>)
        %dma_wait3A_156 = arith.constant 0 : i32
        %dma_wait3A_157 = arith.constant 0 : i32
        %dma_wait3A_158 = tpu.memref_slice %arg8[%dma_wait3A_156, %dma_wait3A_157] : memref<25x80xi32, #tpu.memory_space<vmem>> -> memref<1x80xi32, #tpu.memory_space<vmem>>
        %dma_wait3A_159 = tpu.memref_squeeze %dma_wait3A_158 : memref<1x80xi32, #tpu.memory_space<vmem>> -> memref<80xi32, #tpu.memory_space<vmem>>
        %dma_wait3A_160 = arith.constant 0 : i32
        %dma_wait3A_161 = arith.constant 0 : i32
        %dma_wait3A_162 = tpu.memref_slice %arg13[%dma_wait3A_160, %dma_wait3A_161] : memref<10240x128xf32, #tpu.memory_space<vmem_shared>> -> memref<10240x128xf32, #tpu.memory_space<vmem_shared>>
        tpu.wait_indirect_dma semaphore(%arg19 : memref<!tpu.dma_semaphore, #tpu.memory_space<semaphore_mem>>) src(%arg10 : memref<80x128xf32, #tpu.memory_space<vmem>>) dst(%dma_wait3A_162 : memref<10240x128xf32, #tpu.memory_space<vmem_shared>>)
        %dma_wait3A_163 = arith.constant 0 : i32
        %dma_wait3A_164 = arith.constant 0 : i32
        %dma_wait3A_165 = tpu.memref_slice %arg8[%dma_wait3A_163, %dma_wait3A_164] : memref<25x80xi32, #tpu.memory_space<vmem>> -> memref<1x80xi32, #tpu.memory_space<vmem>>
        %dma_wait3A_166 = tpu.memref_squeeze %dma_wait3A_165 : memref<1x80xi32, #tpu.memory_space<vmem>> -> memref<80xi32, #tpu.memory_space<vmem>>
        %dma_wait3A_167 = arith.constant 0 : i32
        %dma_wait3A_168 = arith.constant 0 : i32
        %dma_wait3A_169 = tpu.memref_slice %arg13[%dma_wait3A_167, %dma_wait3A_168] : memref<10240x128xf32, #tpu.memory_space<vmem_shared>> -> memref<10240x128xf32, #tpu.memory_space<vmem_shared>>
        tpu.wait_indirect_dma semaphore(%arg20 : memref<!tpu.dma_semaphore, #tpu.memory_space<semaphore_mem>>) src(%arg11 : memref<80x128xf32, #tpu.memory_space<vmem>>) dst(%dma_wait3A_169 : memref<10240x128xf32, #tpu.memory_space<vmem_shared>>)
        %dma_wait3A_170 = arith.constant 0 : i32
        %dma_wait3A_171 = arith.constant 0 : i32
        %dma_wait3A_172 = tpu.memref_slice %arg8[%dma_wait3A_170, %dma_wait3A_171] : memref<25x80xi32, #tpu.memory_space<vmem>> -> memref<1x80xi32, #tpu.memory_space<vmem>>
        %dma_wait3A_173 = tpu.memref_squeeze %dma_wait3A_172 : memref<1x80xi32, #tpu.memory_space<vmem>> -> memref<80xi32, #tpu.memory_space<vmem>>
        %dma_wait3A_174 = arith.constant 0 : i32
        %dma_wait3A_175 = arith.constant 0 : i32
        %dma_wait3A_176 = tpu.memref_slice %arg13[%dma_wait3A_174, %dma_wait3A_175] : memref<10240x128xf32, #tpu.memory_space<vmem_shared>> -> memref<10240x128xf32, #tpu.memory_space<vmem_shared>>
        tpu.wait_indirect_dma semaphore(%arg21 : memref<!tpu.dma_semaphore, #tpu.memory_space<semaphore_mem>>) src(%arg12 : memref<80x128xf32, #tpu.memory_space<vmem>>) dst(%dma_wait3A_176 : memref<10240x128xf32, #tpu.memory_space<vmem_shared>>)
      }
      %scan3A_35 = arith.constant 5 : i32
    } else {
    }
    %eq3A_14 = arith.constant 1 : i32
    %eq3A_15 = arith.cmpi eq, %arg0, %eq3A_14 : i32
    %convert_element_type3A_16 = arith.extui %eq3A_15 : i1 to i32
    %cond3A_17 = arith.constant 0 : i32
    %cond3A_18 = arith.cmpi ne, %convert_element_type3A_16, %cond3A_17 : i32
    scf.if %cond3A_18 {
      %scan3A_30 = arith.constant 0 : i32
      %scan3A_31 = arith.constant 0 : i32
      %scan3A_32 = arith.constant 5 : i32
      %scan3A_33 = arith.addi %scan3A_31, %scan3A_32 : i32
      %scan3A_34 = arith.constant 1 : i32
      scf.for %scan3A_36 = %scan3A_31 to %scan3A_33 step %scan3A_34  : i32 {
        %run_scoped3A = arith.constant 0 : i32
        "tpu.region"() ({
          %run_scoped3A_177 = tpu.sem_alloc : memref<!tpu.dma_semaphore, #tpu.memory_space<semaphore_mem>>
          %dma_start3A_178 = arith.constant 0 : i32
          %dma_start3A_179 = arith.constant 0 : i32
          %dma_start3A_180 = tpu.memref_slice %arg2[%run_scoped3A, %arg1, %scan3A_36, %dma_start3A_178, %dma_start3A_179] : memref<2x16x5x25x80xi32, #tpu.memory_space<hbm>> -> memref<1x1x1x25x80xi32, #tpu.memory_space<hbm>>
          %dma_start3A_181 = tpu.memref_squeeze %dma_start3A_180 : memref<1x1x1x25x80xi32, #tpu.memory_space<hbm>> -> memref<25x80xi32, #tpu.memory_space<hbm>>
          %dma_start3A_182 = arith.constant 0 : i32
          %dma_start3A_183 = arith.constant 0 : i32
          %dma_start3A_184 = tpu.memref_slice %arg2[%run_scoped3A, %arg1, %scan3A_36, %dma_start3A_182, %dma_start3A_183] : memref<2x16x5x25x80xi32, #tpu.memory_space<hbm>> -> memref<1x1x1x25x80xi32, #tpu.memory_space<hbm>>
          %dma_start3A_185 = tpu.memref_squeeze %dma_start3A_184 : memref<1x1x1x25x80xi32, #tpu.memory_space<hbm>> -> memref<25x80xi32, #tpu.memory_space<hbm>>
          tpu.enqueue_dma source(%dma_start3A_185 : memref<25x80xi32, #tpu.memory_space<hbm>>) target(%arg7 : memref<25x80xi32, #tpu.memory_space<vmem>>) target_semaphore(%run_scoped3A_177 : memref<!tpu.dma_semaphore, #tpu.memory_space<semaphore_mem>>)
          %dma_wait3A_186 = arith.constant 0 : i32
          %dma_wait3A_187 = arith.constant 0 : i32
          %dma_wait3A_188 = tpu.memref_slice %arg2[%run_scoped3A, %arg1, %scan3A_36, %dma_wait3A_186, %dma_wait3A_187] : memref<2x16x5x25x80xi32, #tpu.memory_space<hbm>> -> memref<1x1x1x25x80xi32, #tpu.memory_space<hbm>>
          %dma_wait3A_189 = tpu.memref_squeeze %dma_wait3A_188 : memref<1x1x1x25x80xi32, #tpu.memory_space<hbm>> -> memref<25x80xi32, #tpu.memory_space<hbm>>
          %dma_wait3A_190 = arith.constant 0 : i32
          %dma_wait3A_191 = arith.constant 0 : i32
          %dma_wait3A_192 = tpu.memref_slice %arg2[%run_scoped3A, %arg1, %scan3A_36, %dma_wait3A_190, %dma_wait3A_191] : memref<2x16x5x25x80xi32, #tpu.memory_space<hbm>> -> memref<1x1x1x25x80xi32, #tpu.memory_space<hbm>>
          %dma_wait3A_193 = tpu.memref_squeeze %dma_wait3A_192 : memref<1x1x1x25x80xi32, #tpu.memory_space<hbm>> -> memref<25x80xi32, #tpu.memory_space<hbm>>
          tpu.wait_dma2 semaphore(%run_scoped3A_177 : memref<!tpu.dma_semaphore, #tpu.memory_space<semaphore_mem>>) src(%dma_wait3A_193 : memref<25x80xi32, #tpu.memory_space<hbm>>) dst(%arg7 : memref<25x80xi32, #tpu.memory_space<vmem>>)
          tpu.yield
        }) : () -> ()
        %run_scoped3A_37 = arith.constant 1 : i32
        "tpu.region"() ({
          %run_scoped3A_177 = tpu.sem_alloc : memref<!tpu.dma_semaphore, #tpu.memory_space<semaphore_mem>>
          %dma_start3A_178 = arith.constant 0 : i32
          %dma_start3A_179 = arith.constant 0 : i32
          %dma_start3A_180 = tpu.memref_slice %arg2[%run_scoped3A_37, %arg1, %scan3A_36, %dma_start3A_178, %dma_start3A_179] : memref<2x16x5x25x80xi32, #tpu.memory_space<hbm>> -> memref<1x1x1x25x80xi32, #tpu.memory_space<hbm>>
          %dma_start3A_181 = tpu.memref_squeeze %dma_start3A_180 : memref<1x1x1x25x80xi32, #tpu.memory_space<hbm>> -> memref<25x80xi32, #tpu.memory_space<hbm>>
          %dma_start3A_182 = arith.constant 0 : i32
          %dma_start3A_183 = arith.constant 0 : i32
          %dma_start3A_184 = tpu.memref_slice %arg2[%run_scoped3A_37, %arg1, %scan3A_36, %dma_start3A_182, %dma_start3A_183] : memref<2x16x5x25x80xi32, #tpu.memory_space<hbm>> -> memref<1x1x1x25x80xi32, #tpu.memory_space<hbm>>
          %dma_start3A_185 = tpu.memref_squeeze %dma_start3A_184 : memref<1x1x1x25x80xi32, #tpu.memory_space<hbm>> -> memref<25x80xi32, #tpu.memory_space<hbm>>
          tpu.enqueue_dma source(%dma_start3A_185 : memref<25x80xi32, #tpu.memory_space<hbm>>) target(%arg8 : memref<25x80xi32, #tpu.memory_space<vmem>>) target_semaphore(%run_scoped3A_177 : memref<!tpu.dma_semaphore, #tpu.memory_space<semaphore_mem>>)
          %dma_wait3A_186 = arith.constant 0 : i32
          %dma_wait3A_187 = arith.constant 0 : i32
          %dma_wait3A_188 = tpu.memref_slice %arg2[%run_scoped3A_37, %arg1, %scan3A_36, %dma_wait3A_186, %dma_wait3A_187] : memref<2x16x5x25x80xi32, #tpu.memory_space<hbm>> -> memref<1x1x1x25x80xi32, #tpu.memory_space<hbm>>
          %dma_wait3A_189 = tpu.memref_squeeze %dma_wait3A_188 : memref<1x1x1x25x80xi32, #tpu.memory_space<hbm>> -> memref<25x80xi32, #tpu.memory_space<hbm>>
          %dma_wait3A_190 = arith.constant 0 : i32
          %dma_wait3A_191 = arith.constant 0 : i32
          %dma_wait3A_192 = tpu.memref_slice %arg2[%run_scoped3A_37, %arg1, %scan3A_36, %dma_wait3A_190, %dma_wait3A_191] : memref<2x16x5x25x80xi32, #tpu.memory_space<hbm>> -> memref<1x1x1x25x80xi32, #tpu.memory_space<hbm>>
          %dma_wait3A_193 = tpu.memref_squeeze %dma_wait3A_192 : memref<1x1x1x25x80xi32, #tpu.memory_space<hbm>> -> memref<25x80xi32, #tpu.memory_space<hbm>>
          tpu.wait_dma2 semaphore(%run_scoped3A_177 : memref<!tpu.dma_semaphore, #tpu.memory_space<semaphore_mem>>) src(%dma_wait3A_193 : memref<25x80xi32, #tpu.memory_space<hbm>>) dst(%arg8 : memref<25x80xi32, #tpu.memory_space<vmem>>)
          tpu.yield
        }) : () -> ()
        %dma_start3A = arith.constant 0 : i32
        %dma_start3A_38 = arith.constant 0 : i32
        %dma_start3A_39 = tpu.memref_slice %arg7[%dma_start3A, %dma_start3A_38] : memref<25x80xi32, #tpu.memory_space<vmem>> -> memref<1x80xi32, #tpu.memory_space<vmem>>
        %dma_start3A_40 = tpu.memref_squeeze %dma_start3A_39 : memref<1x80xi32, #tpu.memory_space<vmem>> -> memref<80xi32, #tpu.memory_space<vmem>>
        %dma_start3A_41 = arith.constant 0 : i32
        %dma_start3A_42 = arith.constant 0 : i32
        %dma_start3A_43 = tpu.memref_slice %arg4[%dma_start3A_41, %dma_start3A_42] : memref<10240x128xf32, #tpu.memory_space<hbm>> -> memref<10240x128xf32, #tpu.memory_space<hbm>>
        tpu.enqueue_indirect_dma source(%dma_start3A_43 : memref<10240x128xf32, #tpu.memory_space<hbm>>) target(%arg9 : memref<80x128xf32, #tpu.memory_space<vmem>>) offsets(%dma_start3A_40 : memref<80xi32, #tpu.memory_space<vmem>>) semaphore(%arg14 : memref<!tpu.dma_semaphore, #tpu.memory_space<semaphore_mem>>)
        %dma_start3A_44 = arith.constant 1 : i32
        %dma_start3A_45 = arith.constant 0 : i32
        %dma_start3A_46 = tpu.memref_slice %arg7[%dma_start3A_44, %dma_start3A_45] : memref<25x80xi32, #tpu.memory_space<vmem>> -> memref<1x80xi32, #tpu.memory_space<vmem>>
        %dma_start3A_47 = tpu.memref_squeeze %dma_start3A_46 : memref<1x80xi32, #tpu.memory_space<vmem>> -> memref<80xi32, #tpu.memory_space<vmem>>
        %dma_start3A_48 = arith.constant 0 : i32
        %dma_start3A_49 = arith.constant 0 : i32
        %dma_start3A_50 = tpu.memref_slice %arg4[%dma_start3A_48, %dma_start3A_49] : memref<10240x128xf32, #tpu.memory_space<hbm>> -> memref<10240x128xf32, #tpu.memory_space<hbm>>
        tpu.enqueue_indirect_dma source(%dma_start3A_50 : memref<10240x128xf32, #tpu.memory_space<hbm>>) target(%arg10 : memref<80x128xf32, #tpu.memory_space<vmem>>) offsets(%dma_start3A_47 : memref<80xi32, #tpu.memory_space<vmem>>) semaphore(%arg15 : memref<!tpu.dma_semaphore, #tpu.memory_space<semaphore_mem>>)
        %dma_start3A_51 = arith.constant 2 : i32
        %dma_start3A_52 = arith.constant 0 : i32
        %dma_start3A_53 = tpu.memref_slice %arg7[%dma_start3A_51, %dma_start3A_52] : memref<25x80xi32, #tpu.memory_space<vmem>> -> memref<1x80xi32, #tpu.memory_space<vmem>>
        %dma_start3A_54 = tpu.memref_squeeze %dma_start3A_53 : memref<1x80xi32, #tpu.memory_space<vmem>> -> memref<80xi32, #tpu.memory_space<vmem>>
        %dma_start3A_55 = arith.constant 0 : i32
        %dma_start3A_56 = arith.constant 0 : i32
        %dma_start3A_57 = tpu.memref_slice %arg4[%dma_start3A_55, %dma_start3A_56] : memref<10240x128xf32, #tpu.memory_space<hbm>> -> memref<10240x128xf32, #tpu.memory_space<hbm>>
        tpu.enqueue_indirect_dma source(%dma_start3A_57 : memref<10240x128xf32, #tpu.memory_space<hbm>>) target(%arg11 : memref<80x128xf32, #tpu.memory_space<vmem>>) offsets(%dma_start3A_54 : memref<80xi32, #tpu.memory_space<vmem>>) semaphore(%arg16 : memref<!tpu.dma_semaphore, #tpu.memory_space<semaphore_mem>>)
        %dma_start3A_58 = arith.constant 3 : i32
        %dma_start3A_59 = arith.constant 0 : i32
        %dma_start3A_60 = tpu.memref_slice %arg7[%dma_start3A_58, %dma_start3A_59] : memref<25x80xi32, #tpu.memory_space<vmem>> -> memref<1x80xi32, #tpu.memory_space<vmem>>
        %dma_start3A_61 = tpu.memref_squeeze %dma_start3A_60 : memref<1x80xi32, #tpu.memory_space<vmem>> -> memref<80xi32, #tpu.memory_space<vmem>>
        %dma_start3A_62 = arith.constant 0 : i32
        %dma_start3A_63 = arith.constant 0 : i32
        %dma_start3A_64 = tpu.memref_slice %arg4[%dma_start3A_62, %dma_start3A_63] : memref<10240x128xf32, #tpu.memory_space<hbm>> -> memref<10240x128xf32, #tpu.memory_space<hbm>>
        tpu.enqueue_indirect_dma source(%dma_start3A_64 : memref<10240x128xf32, #tpu.memory_space<hbm>>) target(%arg12 : memref<80x128xf32, #tpu.memory_space<vmem>>) offsets(%dma_start3A_61 : memref<80xi32, #tpu.memory_space<vmem>>) semaphore(%arg17 : memref<!tpu.dma_semaphore, #tpu.memory_space<semaphore_mem>>)
        %scan3A_65 = arith.constant 0 : i32
        %scan3A_66 = arith.constant 0 : i32
        %scan3A_67 = arith.constant 5 : i32
        %scan3A_68 = arith.addi %scan3A_66, %scan3A_67 : i32
        %scan3A_69 = arith.constant 1 : i32
        scf.for %scan3A_177 = %scan3A_66 to %scan3A_68 step %scan3A_69  : i32 {
          %dma_wait3A_178 = arith.constant 0 : i32
          %dma_wait3A_179 = arith.constant 0 : i32
          %dma_wait3A_180 = tpu.memref_slice %arg4[%dma_wait3A_178, %dma_wait3A_179] : memref<10240x128xf32, #tpu.memory_space<hbm>> -> memref<80x128xf32, #tpu.memory_space<hbm>>
          %dma_wait3A_181 = arith.constant 0 : i32
          %dma_wait3A_182 = arith.constant 0 : i32
          %dma_wait3A_183 = tpu.memref_slice %arg4[%dma_wait3A_181, %dma_wait3A_182] : memref<10240x128xf32, #tpu.memory_space<hbm>> -> memref<80x128xf32, #tpu.memory_space<hbm>>
          tpu.wait_dma2 semaphore(%arg14 : memref<!tpu.dma_semaphore, #tpu.memory_space<semaphore_mem>>) src(%dma_wait3A_183 : memref<80x128xf32, #tpu.memory_space<hbm>>) dst(%arg9 : memref<80x128xf32, #tpu.memory_space<vmem>>)
          %mul3A_184 = arith.constant 4 : i32
          %mul3A_185 = arith.muli %mul3A_184, %scan3A_177 : i32
          %add3A = arith.constant 0 : i32
          %add3A_186 = arith.addi %mul3A_185, %add3A : i32
          %dma_start3A_187 = arith.constant 0 : i32
          %dma_start3A_188 = tpu.memref_slice %arg8[%add3A_186, %dma_start3A_187] : memref<25x80xi32, #tpu.memory_space<vmem>> -> memref<1x80xi32, #tpu.memory_space<vmem>>
          %dma_start3A_189 = tpu.memref_squeeze %dma_start3A_188 : memref<1x80xi32, #tpu.memory_space<vmem>> -> memref<80xi32, #tpu.memory_space<vmem>>
          %dma_start3A_190 = arith.constant 0 : i32
          %dma_start3A_191 = arith.constant 0 : i32
          %dma_start3A_192 = tpu.memref_slice %arg13[%dma_start3A_190, %dma_start3A_191] : memref<10240x128xf32, #tpu.memory_space<vmem_shared>> -> memref<10240x128xf32, #tpu.memory_space<vmem_shared>>
          tpu.enqueue_indirect_dma source(%arg9 : memref<80x128xf32, #tpu.memory_space<vmem>>) target(%dma_start3A_192 : memref<10240x128xf32, #tpu.memory_space<vmem_shared>>) offsets(%dma_start3A_189 : memref<80xi32, #tpu.memory_space<vmem>>) semaphore(%arg18 : memref<!tpu.dma_semaphore, #tpu.memory_space<semaphore_mem>>) {add = true}
          %dma_wait3A_193 = arith.constant 0 : i32
          %dma_wait3A_194 = arith.constant 0 : i32
          %dma_wait3A_195 = tpu.memref_slice %arg4[%dma_wait3A_193, %dma_wait3A_194] : memref<10240x128xf32, #tpu.memory_space<hbm>> -> memref<80x128xf32, #tpu.memory_space<hbm>>
          %dma_wait3A_196 = arith.constant 0 : i32
          %dma_wait3A_197 = arith.constant 0 : i32
          %dma_wait3A_198 = tpu.memref_slice %arg4[%dma_wait3A_196, %dma_wait3A_197] : memref<10240x128xf32, #tpu.memory_space<hbm>> -> memref<80x128xf32, #tpu.memory_space<hbm>>
          tpu.wait_dma2 semaphore(%arg15 : memref<!tpu.dma_semaphore, #tpu.memory_space<semaphore_mem>>) src(%dma_wait3A_198 : memref<80x128xf32, #tpu.memory_space<hbm>>) dst(%arg10 : memref<80x128xf32, #tpu.memory_space<vmem>>)
          %mul3A_199 = arith.constant 4 : i32
          %mul3A_200 = arith.muli %mul3A_199, %scan3A_177 : i32
          %add3A_201 = arith.constant 1 : i32
          %add3A_202 = arith.addi %mul3A_200, %add3A_201 : i32
          %dma_start3A_203 = arith.constant 0 : i32
          %dma_start3A_204 = tpu.memref_slice %arg8[%add3A_202, %dma_start3A_203] : memref<25x80xi32, #tpu.memory_space<vmem>> -> memref<1x80xi32, #tpu.memory_space<vmem>>
          %dma_start3A_205 = tpu.memref_squeeze %dma_start3A_204 : memref<1x80xi32, #tpu.memory_space<vmem>> -> memref<80xi32, #tpu.memory_space<vmem>>
          %dma_start3A_206 = arith.constant 0 : i32
          %dma_start3A_207 = arith.constant 0 : i32
          %dma_start3A_208 = tpu.memref_slice %arg13[%dma_start3A_206, %dma_start3A_207] : memref<10240x128xf32, #tpu.memory_space<vmem_shared>> -> memref<10240x128xf32, #tpu.memory_space<vmem_shared>>
          tpu.enqueue_indirect_dma source(%arg10 : memref<80x128xf32, #tpu.memory_space<vmem>>) target(%dma_start3A_208 : memref<10240x128xf32, #tpu.memory_space<vmem_shared>>) offsets(%dma_start3A_205 : memref<80xi32, #tpu.memory_space<vmem>>) semaphore(%arg19 : memref<!tpu.dma_semaphore, #tpu.memory_space<semaphore_mem>>) {add = true}
          %dma_wait3A_209 = arith.constant 0 : i32
          %dma_wait3A_210 = arith.constant 0 : i32
          %dma_wait3A_211 = tpu.memref_slice %arg4[%dma_wait3A_209, %dma_wait3A_210] : memref<10240x128xf32, #tpu.memory_space<hbm>> -> memref<80x128xf32, #tpu.memory_space<hbm>>
          %dma_wait3A_212 = arith.constant 0 : i32
          %dma_wait3A_213 = arith.constant 0 : i32
          %dma_wait3A_214 = tpu.memref_slice %arg4[%dma_wait3A_212, %dma_wait3A_213] : memref<10240x128xf32, #tpu.memory_space<hbm>> -> memref<80x128xf32, #tpu.memory_space<hbm>>
          tpu.wait_dma2 semaphore(%arg16 : memref<!tpu.dma_semaphore, #tpu.memory_space<semaphore_mem>>) src(%dma_wait3A_214 : memref<80x128xf32, #tpu.memory_space<hbm>>) dst(%arg11 : memref<80x128xf32, #tpu.memory_space<vmem>>)
          %mul3A_215 = arith.constant 4 : i32
          %mul3A_216 = arith.muli %mul3A_215, %scan3A_177 : i32
          %add3A_217 = arith.constant 2 : i32
          %add3A_218 = arith.addi %mul3A_216, %add3A_217 : i32
          %dma_start3A_219 = arith.constant 0 : i32
          %dma_start3A_220 = tpu.memref_slice %arg8[%add3A_218, %dma_start3A_219] : memref<25x80xi32, #tpu.memory_space<vmem>> -> memref<1x80xi32, #tpu.memory_space<vmem>>
          %dma_start3A_221 = tpu.memref_squeeze %dma_start3A_220 : memref<1x80xi32, #tpu.memory_space<vmem>> -> memref<80xi32, #tpu.memory_space<vmem>>
          %dma_start3A_222 = arith.constant 0 : i32
          %dma_start3A_223 = arith.constant 0 : i32
          %dma_start3A_224 = tpu.memref_slice %arg13[%dma_start3A_222, %dma_start3A_223] : memref<10240x128xf32, #tpu.memory_space<vmem_shared>> -> memref<10240x128xf32, #tpu.memory_space<vmem_shared>>
          tpu.enqueue_indirect_dma source(%arg11 : memref<80x128xf32, #tpu.memory_space<vmem>>) target(%dma_start3A_224 : memref<10240x128xf32, #tpu.memory_space<vmem_shared>>) offsets(%dma_start3A_221 : memref<80xi32, #tpu.memory_space<vmem>>) semaphore(%arg20 : memref<!tpu.dma_semaphore, #tpu.memory_space<semaphore_mem>>) {add = true}
          %dma_wait3A_225 = arith.constant 0 : i32
          %dma_wait3A_226 = arith.constant 0 : i32
          %dma_wait3A_227 = tpu.memref_slice %arg4[%dma_wait3A_225, %dma_wait3A_226] : memref<10240x128xf32, #tpu.memory_space<hbm>> -> memref<80x128xf32, #tpu.memory_space<hbm>>
          %dma_wait3A_228 = arith.constant 0 : i32
          %dma_wait3A_229 = arith.constant 0 : i32
          %dma_wait3A_230 = tpu.memref_slice %arg4[%dma_wait3A_228, %dma_wait3A_229] : memref<10240x128xf32, #tpu.memory_space<hbm>> -> memref<80x128xf32, #tpu.memory_space<hbm>>
          tpu.wait_dma2 semaphore(%arg17 : memref<!tpu.dma_semaphore, #tpu.memory_space<semaphore_mem>>) src(%dma_wait3A_230 : memref<80x128xf32, #tpu.memory_space<hbm>>) dst(%arg12 : memref<80x128xf32, #tpu.memory_space<vmem>>)
          %mul3A_231 = arith.constant 4 : i32
          %mul3A_232 = arith.muli %mul3A_231, %scan3A_177 : i32
          %add3A_233 = arith.constant 3 : i32
          %add3A_234 = arith.addi %mul3A_232, %add3A_233 : i32
          %dma_start3A_235 = arith.constant 0 : i32
          %dma_start3A_236 = tpu.memref_slice %arg8[%add3A_234, %dma_start3A_235] : memref<25x80xi32, #tpu.memory_space<vmem>> -> memref<1x80xi32, #tpu.memory_space<vmem>>
          %dma_start3A_237 = tpu.memref_squeeze %dma_start3A_236 : memref<1x80xi32, #tpu.memory_space<vmem>> -> memref<80xi32, #tpu.memory_space<vmem>>
          %dma_start3A_238 = arith.constant 0 : i32
          %dma_start3A_239 = arith.constant 0 : i32
          %dma_start3A_240 = tpu.memref_slice %arg13[%dma_start3A_238, %dma_start3A_239] : memref<10240x128xf32, #tpu.memory_space<vmem_shared>> -> memref<10240x128xf32, #tpu.memory_space<vmem_shared>>
          tpu.enqueue_indirect_dma source(%arg12 : memref<80x128xf32, #tpu.memory_space<vmem>>) target(%dma_start3A_240 : memref<10240x128xf32, #tpu.memory_space<vmem_shared>>) offsets(%dma_start3A_237 : memref<80xi32, #tpu.memory_space<vmem>>) semaphore(%arg21 : memref<!tpu.dma_semaphore, #tpu.memory_space<semaphore_mem>>) {add = true}
          %dma_wait3A_241 = arith.constant 0 : i32
          %dma_wait3A_242 = arith.constant 0 : i32
          %dma_wait3A_243 = tpu.memref_slice %arg8[%dma_wait3A_241, %dma_wait3A_242] : memref<25x80xi32, #tpu.memory_space<vmem>> -> memref<1x80xi32, #tpu.memory_space<vmem>>
          %dma_wait3A_244 = tpu.memref_squeeze %dma_wait3A_243 : memref<1x80xi32, #tpu.memory_space<vmem>> -> memref<80xi32, #tpu.memory_space<vmem>>
          %dma_wait3A_245 = arith.constant 0 : i32
          %dma_wait3A_246 = arith.constant 0 : i32
          %dma_wait3A_247 = tpu.memref_slice %arg13[%dma_wait3A_245, %dma_wait3A_246] : memref<10240x128xf32, #tpu.memory_space<vmem_shared>> -> memref<10240x128xf32, #tpu.memory_space<vmem_shared>>
          tpu.wait_indirect_dma semaphore(%arg18 : memref<!tpu.dma_semaphore, #tpu.memory_space<semaphore_mem>>) src(%arg9 : memref<80x128xf32, #tpu.memory_space<vmem>>) dst(%dma_wait3A_247 : memref<10240x128xf32, #tpu.memory_space<vmem_shared>>)
          %mul3A_248 = arith.constant 4 : i32
          %mul3A_249 = arith.muli %mul3A_248, %scan3A_177 : i32
          %add3A_250 = arith.constant 0 : i32
          %add3A_251 = arith.addi %mul3A_249, %add3A_250 : i32
          %add3A_252 = arith.constant 4 : i32
          %add3A_253 = arith.addi %add3A_251, %add3A_252 : i32
          %dma_start3A_254 = arith.constant 0 : i32
          %dma_start3A_255 = tpu.memref_slice %arg7[%add3A_253, %dma_start3A_254] : memref<25x80xi32, #tpu.memory_space<vmem>> -> memref<1x80xi32, #tpu.memory_space<vmem>>
          %dma_start3A_256 = tpu.memref_squeeze %dma_start3A_255 : memref<1x80xi32, #tpu.memory_space<vmem>> -> memref<80xi32, #tpu.memory_space<vmem>>
          %dma_start3A_257 = arith.constant 0 : i32
          %dma_start3A_258 = arith.constant 0 : i32
          %dma_start3A_259 = tpu.memref_slice %arg4[%dma_start3A_257, %dma_start3A_258] : memref<10240x128xf32, #tpu.memory_space<hbm>> -> memref<10240x128xf32, #tpu.memory_space<hbm>>
          tpu.enqueue_indirect_dma source(%dma_start3A_259 : memref<10240x128xf32, #tpu.memory_space<hbm>>) target(%arg9 : memref<80x128xf32, #tpu.memory_space<vmem>>) offsets(%dma_start3A_256 : memref<80xi32, #tpu.memory_space<vmem>>) semaphore(%arg14 : memref<!tpu.dma_semaphore, #tpu.memory_space<semaphore_mem>>)
          %dma_wait3A_260 = arith.constant 0 : i32
          %dma_wait3A_261 = arith.constant 0 : i32
          %dma_wait3A_262 = tpu.memref_slice %arg8[%dma_wait3A_260, %dma_wait3A_261] : memref<25x80xi32, #tpu.memory_space<vmem>> -> memref<1x80xi32, #tpu.memory_space<vmem>>
          %dma_wait3A_263 = tpu.memref_squeeze %dma_wait3A_262 : memref<1x80xi32, #tpu.memory_space<vmem>> -> memref<80xi32, #tpu.memory_space<vmem>>
          %dma_wait3A_264 = arith.constant 0 : i32
          %dma_wait3A_265 = arith.constant 0 : i32
          %dma_wait3A_266 = tpu.memref_slice %arg13[%dma_wait3A_264, %dma_wait3A_265] : memref<10240x128xf32, #tpu.memory_space<vmem_shared>> -> memref<10240x128xf32, #tpu.memory_space<vmem_shared>>
          tpu.wait_indirect_dma semaphore(%arg19 : memref<!tpu.dma_semaphore, #tpu.memory_space<semaphore_mem>>) src(%arg10 : memref<80x128xf32, #tpu.memory_space<vmem>>) dst(%dma_wait3A_266 : memref<10240x128xf32, #tpu.memory_space<vmem_shared>>)
          %mul3A_267 = arith.constant 4 : i32
          %mul3A_268 = arith.muli %mul3A_267, %scan3A_177 : i32
          %add3A_269 = arith.constant 1 : i32
          %add3A_270 = arith.addi %mul3A_268, %add3A_269 : i32
          %add3A_271 = arith.constant 4 : i32
          %add3A_272 = arith.addi %add3A_270, %add3A_271 : i32
          %dma_start3A_273 = arith.constant 0 : i32
          %dma_start3A_274 = tpu.memref_slice %arg7[%add3A_272, %dma_start3A_273] : memref<25x80xi32, #tpu.memory_space<vmem>> -> memref<1x80xi32, #tpu.memory_space<vmem>>
          %dma_start3A_275 = tpu.memref_squeeze %dma_start3A_274 : memref<1x80xi32, #tpu.memory_space<vmem>> -> memref<80xi32, #tpu.memory_space<vmem>>
          %dma_start3A_276 = arith.constant 0 : i32
          %dma_start3A_277 = arith.constant 0 : i32
          %dma_start3A_278 = tpu.memref_slice %arg4[%dma_start3A_276, %dma_start3A_277] : memref<10240x128xf32, #tpu.memory_space<hbm>> -> memref<10240x128xf32, #tpu.memory_space<hbm>>
          tpu.enqueue_indirect_dma source(%dma_start3A_278 : memref<10240x128xf32, #tpu.memory_space<hbm>>) target(%arg10 : memref<80x128xf32, #tpu.memory_space<vmem>>) offsets(%dma_start3A_275 : memref<80xi32, #tpu.memory_space<vmem>>) semaphore(%arg15 : memref<!tpu.dma_semaphore, #tpu.memory_space<semaphore_mem>>)
          %dma_wait3A_279 = arith.constant 0 : i32
          %dma_wait3A_280 = arith.constant 0 : i32
          %dma_wait3A_281 = tpu.memref_slice %arg8[%dma_wait3A_279, %dma_wait3A_280] : memref<25x80xi32, #tpu.memory_space<vmem>> -> memref<1x80xi32, #tpu.memory_space<vmem>>
          %dma_wait3A_282 = tpu.memref_squeeze %dma_wait3A_281 : memref<1x80xi32, #tpu.memory_space<vmem>> -> memref<80xi32, #tpu.memory_space<vmem>>
          %dma_wait3A_283 = arith.constant 0 : i32
          %dma_wait3A_284 = arith.constant 0 : i32
          %dma_wait3A_285 = tpu.memref_slice %arg13[%dma_wait3A_283, %dma_wait3A_284] : memref<10240x128xf32, #tpu.memory_space<vmem_shared>> -> memref<10240x128xf32, #tpu.memory_space<vmem_shared>>
          tpu.wait_indirect_dma semaphore(%arg20 : memref<!tpu.dma_semaphore, #tpu.memory_space<semaphore_mem>>) src(%arg11 : memref<80x128xf32, #tpu.memory_space<vmem>>) dst(%dma_wait3A_285 : memref<10240x128xf32, #tpu.memory_space<vmem_shared>>)
          %mul3A_286 = arith.constant 4 : i32
          %mul3A_287 = arith.muli %mul3A_286, %scan3A_177 : i32
          %add3A_288 = arith.constant 2 : i32
          %add3A_289 = arith.addi %mul3A_287, %add3A_288 : i32
          %add3A_290 = arith.constant 4 : i32
          %add3A_291 = arith.addi %add3A_289, %add3A_290 : i32
          %dma_start3A_292 = arith.constant 0 : i32
          %dma_start3A_293 = tpu.memref_slice %arg7[%add3A_291, %dma_start3A_292] : memref<25x80xi32, #tpu.memory_space<vmem>> -> memref<1x80xi32, #tpu.memory_space<vmem>>
          %dma_start3A_294 = tpu.memref_squeeze %dma_start3A_293 : memref<1x80xi32, #tpu.memory_space<vmem>> -> memref<80xi32, #tpu.memory_space<vmem>>
          %dma_start3A_295 = arith.constant 0 : i32
          %dma_start3A_296 = arith.constant 0 : i32
          %dma_start3A_297 = tpu.memref_slice %arg4[%dma_start3A_295, %dma_start3A_296] : memref<10240x128xf32, #tpu.memory_space<hbm>> -> memref<10240x128xf32, #tpu.memory_space<hbm>>
          tpu.enqueue_indirect_dma source(%dma_start3A_297 : memref<10240x128xf32, #tpu.memory_space<hbm>>) target(%arg11 : memref<80x128xf32, #tpu.memory_space<vmem>>) offsets(%dma_start3A_294 : memref<80xi32, #tpu.memory_space<vmem>>) semaphore(%arg16 : memref<!tpu.dma_semaphore, #tpu.memory_space<semaphore_mem>>)
          %dma_wait3A_298 = arith.constant 0 : i32
          %dma_wait3A_299 = arith.constant 0 : i32
          %dma_wait3A_300 = tpu.memref_slice %arg8[%dma_wait3A_298, %dma_wait3A_299] : memref<25x80xi32, #tpu.memory_space<vmem>> -> memref<1x80xi32, #tpu.memory_space<vmem>>
          %dma_wait3A_301 = tpu.memref_squeeze %dma_wait3A_300 : memref<1x80xi32, #tpu.memory_space<vmem>> -> memref<80xi32, #tpu.memory_space<vmem>>
          %dma_wait3A_302 = arith.constant 0 : i32
          %dma_wait3A_303 = arith.constant 0 : i32
          %dma_wait3A_304 = tpu.memref_slice %arg13[%dma_wait3A_302, %dma_wait3A_303] : memref<10240x128xf32, #tpu.memory_space<vmem_shared>> -> memref<10240x128xf32, #tpu.memory_space<vmem_shared>>
          tpu.wait_indirect_dma semaphore(%arg21 : memref<!tpu.dma_semaphore, #tpu.memory_space<semaphore_mem>>) src(%arg12 : memref<80x128xf32, #tpu.memory_space<vmem>>) dst(%dma_wait3A_304 : memref<10240x128xf32, #tpu.memory_space<vmem_shared>>)
          %mul3A_305 = arith.constant 4 : i32
          %mul3A_306 = arith.muli %mul3A_305, %scan3A_177 : i32
          %add3A_307 = arith.constant 3 : i32
          %add3A_308 = arith.addi %mul3A_306, %add3A_307 : i32
          %add3A_309 = arith.constant 4 : i32
          %add3A_310 = arith.addi %add3A_308, %add3A_309 : i32
          %dma_start3A_311 = arith.constant 0 : i32
          %dma_start3A_312 = tpu.memref_slice %arg7[%add3A_310, %dma_start3A_311] : memref<25x80xi32, #tpu.memory_space<vmem>> -> memref<1x80xi32, #tpu.memory_space<vmem>>
          %dma_start3A_313 = tpu.memref_squeeze %dma_start3A_312 : memref<1x80xi32, #tpu.memory_space<vmem>> -> memref<80xi32, #tpu.memory_space<vmem>>
          %dma_start3A_314 = arith.constant 0 : i32
          %dma_start3A_315 = arith.constant 0 : i32
          %dma_start3A_316 = tpu.memref_slice %arg4[%dma_start3A_314, %dma_start3A_315] : memref<10240x128xf32, #tpu.memory_space<hbm>> -> memref<10240x128xf32, #tpu.memory_space<hbm>>
          tpu.enqueue_indirect_dma source(%dma_start3A_316 : memref<10240x128xf32, #tpu.memory_space<hbm>>) target(%arg12 : memref<80x128xf32, #tpu.memory_space<vmem>>) offsets(%dma_start3A_313 : memref<80xi32, #tpu.memory_space<vmem>>) semaphore(%arg17 : memref<!tpu.dma_semaphore, #tpu.memory_space<semaphore_mem>>)
        }
        %scan3A_70 = arith.constant 5 : i32
        %dma_wait3A = arith.constant 0 : i32
        %dma_wait3A_71 = arith.constant 0 : i32
        %dma_wait3A_72 = tpu.memref_slice %arg4[%dma_wait3A, %dma_wait3A_71] : memref<10240x128xf32, #tpu.memory_space<hbm>> -> memref<80x128xf32, #tpu.memory_space<hbm>>
        %dma_wait3A_73 = arith.constant 0 : i32
        %dma_wait3A_74 = arith.constant 0 : i32
        %dma_wait3A_75 = tpu.memref_slice %arg4[%dma_wait3A_73, %dma_wait3A_74] : memref<10240x128xf32, #tpu.memory_space<hbm>> -> memref<80x128xf32, #tpu.memory_space<hbm>>
        tpu.wait_dma2 semaphore(%arg14 : memref<!tpu.dma_semaphore, #tpu.memory_space<semaphore_mem>>) src(%dma_wait3A_75 : memref<80x128xf32, #tpu.memory_space<hbm>>) dst(%arg9 : memref<80x128xf32, #tpu.memory_space<vmem>>)
        %dma_start3A_76 = arith.constant 20 : i32
        %dma_start3A_77 = arith.constant 0 : i32
        %dma_start3A_78 = tpu.memref_slice %arg8[%dma_start3A_76, %dma_start3A_77] : memref<25x80xi32, #tpu.memory_space<vmem>> -> memref<1x80xi32, #tpu.memory_space<vmem>>
        %dma_start3A_79 = tpu.memref_squeeze %dma_start3A_78 : memref<1x80xi32, #tpu.memory_space<vmem>> -> memref<80xi32, #tpu.memory_space<vmem>>
        %dma_start3A_80 = arith.constant 0 : i32
        %dma_start3A_81 = arith.constant 0 : i32
        %dma_start3A_82 = tpu.memref_slice %arg13[%dma_start3A_80, %dma_start3A_81] : memref<10240x128xf32, #tpu.memory_space<vmem_shared>> -> memref<10240x128xf32, #tpu.memory_space<vmem_shared>>
        tpu.enqueue_indirect_dma source(%arg9 : memref<80x128xf32, #tpu.memory_space<vmem>>) target(%dma_start3A_82 : memref<10240x128xf32, #tpu.memory_space<vmem_shared>>) offsets(%dma_start3A_79 : memref<80xi32, #tpu.memory_space<vmem>>) semaphore(%arg18 : memref<!tpu.dma_semaphore, #tpu.memory_space<semaphore_mem>>) {add = true}
        %dma_wait3A_83 = arith.constant 0 : i32
        %dma_wait3A_84 = arith.constant 0 : i32
        %dma_wait3A_85 = tpu.memref_slice %arg8[%dma_wait3A_83, %dma_wait3A_84] : memref<25x80xi32, #tpu.memory_space<vmem>> -> memref<1x80xi32, #tpu.memory_space<vmem>>
        %dma_wait3A_86 = tpu.memref_squeeze %dma_wait3A_85 : memref<1x80xi32, #tpu.memory_space<vmem>> -> memref<80xi32, #tpu.memory_space<vmem>>
        %dma_wait3A_87 = arith.constant 0 : i32
        %dma_wait3A_88 = arith.constant 0 : i32
        %dma_wait3A_89 = tpu.memref_slice %arg13[%dma_wait3A_87, %dma_wait3A_88] : memref<10240x128xf32, #tpu.memory_space<vmem_shared>> -> memref<10240x128xf32, #tpu.memory_space<vmem_shared>>
        tpu.wait_indirect_dma semaphore(%arg18 : memref<!tpu.dma_semaphore, #tpu.memory_space<semaphore_mem>>) src(%arg9 : memref<80x128xf32, #tpu.memory_space<vmem>>) dst(%dma_wait3A_89 : memref<10240x128xf32, #tpu.memory_space<vmem_shared>>)
        %dma_start3A_90 = arith.constant 24 : i32
        %dma_start3A_91 = arith.constant 0 : i32
        %dma_start3A_92 = tpu.memref_slice %arg7[%dma_start3A_90, %dma_start3A_91] : memref<25x80xi32, #tpu.memory_space<vmem>> -> memref<1x80xi32, #tpu.memory_space<vmem>>
        %dma_start3A_93 = tpu.memref_squeeze %dma_start3A_92 : memref<1x80xi32, #tpu.memory_space<vmem>> -> memref<80xi32, #tpu.memory_space<vmem>>
        %dma_start3A_94 = arith.constant 0 : i32
        %dma_start3A_95 = arith.constant 0 : i32
        %dma_start3A_96 = tpu.memref_slice %arg4[%dma_start3A_94, %dma_start3A_95] : memref<10240x128xf32, #tpu.memory_space<hbm>> -> memref<10240x128xf32, #tpu.memory_space<hbm>>
        tpu.enqueue_indirect_dma source(%dma_start3A_96 : memref<10240x128xf32, #tpu.memory_space<hbm>>) target(%arg9 : memref<80x128xf32, #tpu.memory_space<vmem>>) offsets(%dma_start3A_93 : memref<80xi32, #tpu.memory_space<vmem>>) semaphore(%arg14 : memref<!tpu.dma_semaphore, #tpu.memory_space<semaphore_mem>>)
        %dma_wait3A_97 = arith.constant 0 : i32
        %dma_wait3A_98 = arith.constant 0 : i32
        %dma_wait3A_99 = tpu.memref_slice %arg4[%dma_wait3A_97, %dma_wait3A_98] : memref<10240x128xf32, #tpu.memory_space<hbm>> -> memref<80x128xf32, #tpu.memory_space<hbm>>
        %dma_wait3A_100 = arith.constant 0 : i32
        %dma_wait3A_101 = arith.constant 0 : i32
        %dma_wait3A_102 = tpu.memref_slice %arg4[%dma_wait3A_100, %dma_wait3A_101] : memref<10240x128xf32, #tpu.memory_space<hbm>> -> memref<80x128xf32, #tpu.memory_space<hbm>>
        tpu.wait_dma2 semaphore(%arg15 : memref<!tpu.dma_semaphore, #tpu.memory_space<semaphore_mem>>) src(%dma_wait3A_102 : memref<80x128xf32, #tpu.memory_space<hbm>>) dst(%arg10 : memref<80x128xf32, #tpu.memory_space<vmem>>)
        %dma_start3A_103 = arith.constant 21 : i32
        %dma_start3A_104 = arith.constant 0 : i32
        %dma_start3A_105 = tpu.memref_slice %arg8[%dma_start3A_103, %dma_start3A_104] : memref<25x80xi32, #tpu.memory_space<vmem>> -> memref<1x80xi32, #tpu.memory_space<vmem>>
        %dma_start3A_106 = tpu.memref_squeeze %dma_start3A_105 : memref<1x80xi32, #tpu.memory_space<vmem>> -> memref<80xi32, #tpu.memory_space<vmem>>
        %dma_start3A_107 = arith.constant 0 : i32
        %dma_start3A_108 = arith.constant 0 : i32
        %dma_start3A_109 = tpu.memref_slice %arg13[%dma_start3A_107, %dma_start3A_108] : memref<10240x128xf32, #tpu.memory_space<vmem_shared>> -> memref<10240x128xf32, #tpu.memory_space<vmem_shared>>
        tpu.enqueue_indirect_dma source(%arg10 : memref<80x128xf32, #tpu.memory_space<vmem>>) target(%dma_start3A_109 : memref<10240x128xf32, #tpu.memory_space<vmem_shared>>) offsets(%dma_start3A_106 : memref<80xi32, #tpu.memory_space<vmem>>) semaphore(%arg19 : memref<!tpu.dma_semaphore, #tpu.memory_space<semaphore_mem>>) {add = true}
        %dma_wait3A_110 = arith.constant 0 : i32
        %dma_wait3A_111 = arith.constant 0 : i32
        %dma_wait3A_112 = tpu.memref_slice %arg4[%dma_wait3A_110, %dma_wait3A_111] : memref<10240x128xf32, #tpu.memory_space<hbm>> -> memref<80x128xf32, #tpu.memory_space<hbm>>
        %dma_wait3A_113 = arith.constant 0 : i32
        %dma_wait3A_114 = arith.constant 0 : i32
        %dma_wait3A_115 = tpu.memref_slice %arg4[%dma_wait3A_113, %dma_wait3A_114] : memref<10240x128xf32, #tpu.memory_space<hbm>> -> memref<80x128xf32, #tpu.memory_space<hbm>>
        tpu.wait_dma2 semaphore(%arg16 : memref<!tpu.dma_semaphore, #tpu.memory_space<semaphore_mem>>) src(%dma_wait3A_115 : memref<80x128xf32, #tpu.memory_space<hbm>>) dst(%arg11 : memref<80x128xf32, #tpu.memory_space<vmem>>)
        %dma_start3A_116 = arith.constant 22 : i32
        %dma_start3A_117 = arith.constant 0 : i32
        %dma_start3A_118 = tpu.memref_slice %arg8[%dma_start3A_116, %dma_start3A_117] : memref<25x80xi32, #tpu.memory_space<vmem>> -> memref<1x80xi32, #tpu.memory_space<vmem>>
        %dma_start3A_119 = tpu.memref_squeeze %dma_start3A_118 : memref<1x80xi32, #tpu.memory_space<vmem>> -> memref<80xi32, #tpu.memory_space<vmem>>
        %dma_start3A_120 = arith.constant 0 : i32
        %dma_start3A_121 = arith.constant 0 : i32
        %dma_start3A_122 = tpu.memref_slice %arg13[%dma_start3A_120, %dma_start3A_121] : memref<10240x128xf32, #tpu.memory_space<vmem_shared>> -> memref<10240x128xf32, #tpu.memory_space<vmem_shared>>
        tpu.enqueue_indirect_dma source(%arg11 : memref<80x128xf32, #tpu.memory_space<vmem>>) target(%dma_start3A_122 : memref<10240x128xf32, #tpu.memory_space<vmem_shared>>) offsets(%dma_start3A_119 : memref<80xi32, #tpu.memory_space<vmem>>) semaphore(%arg20 : memref<!tpu.dma_semaphore, #tpu.memory_space<semaphore_mem>>) {add = true}
        %dma_wait3A_123 = arith.constant 0 : i32
        %dma_wait3A_124 = arith.constant 0 : i32
        %dma_wait3A_125 = tpu.memref_slice %arg4[%dma_wait3A_123, %dma_wait3A_124] : memref<10240x128xf32, #tpu.memory_space<hbm>> -> memref<80x128xf32, #tpu.memory_space<hbm>>
        %dma_wait3A_126 = arith.constant 0 : i32
        %dma_wait3A_127 = arith.constant 0 : i32
        %dma_wait3A_128 = tpu.memref_slice %arg4[%dma_wait3A_126, %dma_wait3A_127] : memref<10240x128xf32, #tpu.memory_space<hbm>> -> memref<80x128xf32, #tpu.memory_space<hbm>>
        tpu.wait_dma2 semaphore(%arg17 : memref<!tpu.dma_semaphore, #tpu.memory_space<semaphore_mem>>) src(%dma_wait3A_128 : memref<80x128xf32, #tpu.memory_space<hbm>>) dst(%arg12 : memref<80x128xf32, #tpu.memory_space<vmem>>)
        %dma_start3A_129 = arith.constant 23 : i32
        %dma_start3A_130 = arith.constant 0 : i32
        %dma_start3A_131 = tpu.memref_slice %arg8[%dma_start3A_129, %dma_start3A_130] : memref<25x80xi32, #tpu.memory_space<vmem>> -> memref<1x80xi32, #tpu.memory_space<vmem>>
        %dma_start3A_132 = tpu.memref_squeeze %dma_start3A_131 : memref<1x80xi32, #tpu.memory_space<vmem>> -> memref<80xi32, #tpu.memory_space<vmem>>
        %dma_start3A_133 = arith.constant 0 : i32
        %dma_start3A_134 = arith.constant 0 : i32
        %dma_start3A_135 = tpu.memref_slice %arg13[%dma_start3A_133, %dma_start3A_134] : memref<10240x128xf32, #tpu.memory_space<vmem_shared>> -> memref<10240x128xf32, #tpu.memory_space<vmem_shared>>
        tpu.enqueue_indirect_dma source(%arg12 : memref<80x128xf32, #tpu.memory_space<vmem>>) target(%dma_start3A_135 : memref<10240x128xf32, #tpu.memory_space<vmem_shared>>) offsets(%dma_start3A_132 : memref<80xi32, #tpu.memory_space<vmem>>) semaphore(%arg21 : memref<!tpu.dma_semaphore, #tpu.memory_space<semaphore_mem>>) {add = true}
        %dma_wait3A_136 = arith.constant 0 : i32
        %dma_wait3A_137 = arith.constant 0 : i32
        %dma_wait3A_138 = tpu.memref_slice %arg4[%dma_wait3A_136, %dma_wait3A_137] : memref<10240x128xf32, #tpu.memory_space<hbm>> -> memref<80x128xf32, #tpu.memory_space<hbm>>
        %dma_wait3A_139 = arith.constant 0 : i32
        %dma_wait3A_140 = arith.constant 0 : i32
        %dma_wait3A_141 = tpu.memref_slice %arg4[%dma_wait3A_139, %dma_wait3A_140] : memref<10240x128xf32, #tpu.memory_space<hbm>> -> memref<80x128xf32, #tpu.memory_space<hbm>>
        tpu.wait_dma2 semaphore(%arg14 : memref<!tpu.dma_semaphore, #tpu.memory_space<semaphore_mem>>) src(%dma_wait3A_141 : memref<80x128xf32, #tpu.memory_space<hbm>>) dst(%arg9 : memref<80x128xf32, #tpu.memory_space<vmem>>)
        %dma_start3A_142 = arith.constant 24 : i32
        %dma_start3A_143 = arith.constant 0 : i32
        %dma_start3A_144 = tpu.memref_slice %arg8[%dma_start3A_142, %dma_start3A_143] : memref<25x80xi32, #tpu.memory_space<vmem>> -> memref<1x80xi32, #tpu.memory_space<vmem>>
        %dma_start3A_145 = tpu.memref_squeeze %dma_start3A_144 : memref<1x80xi32, #tpu.memory_space<vmem>> -> memref<80xi32, #tpu.memory_space<vmem>>
        %dma_start3A_146 = arith.constant 0 : i32
        %dma_start3A_147 = arith.constant 0 : i32
        %dma_start3A_148 = tpu.memref_slice %arg13[%dma_start3A_146, %dma_start3A_147] : memref<10240x128xf32, #tpu.memory_space<vmem_shared>> -> memref<10240x128xf32, #tpu.memory_space<vmem_shared>>
        tpu.enqueue_indirect_dma source(%arg9 : memref<80x128xf32, #tpu.memory_space<vmem>>) target(%dma_start3A_148 : memref<10240x128xf32, #tpu.memory_space<vmem_shared>>) offsets(%dma_start3A_145 : memref<80xi32, #tpu.memory_space<vmem>>) semaphore(%arg18 : memref<!tpu.dma_semaphore, #tpu.memory_space<semaphore_mem>>) {add = true}
        %dma_wait3A_149 = arith.constant 0 : i32
        %dma_wait3A_150 = arith.constant 0 : i32
        %dma_wait3A_151 = tpu.memref_slice %arg8[%dma_wait3A_149, %dma_wait3A_150] : memref<25x80xi32, #tpu.memory_space<vmem>> -> memref<1x80xi32, #tpu.memory_space<vmem>>
        %dma_wait3A_152 = tpu.memref_squeeze %dma_wait3A_151 : memref<1x80xi32, #tpu.memory_space<vmem>> -> memref<80xi32, #tpu.memory_space<vmem>>
        %dma_wait3A_153 = arith.constant 0 : i32
        %dma_wait3A_154 = arith.constant 0 : i32
        %dma_wait3A_155 = tpu.memref_slice %arg13[%dma_wait3A_153, %dma_wait3A_154] : memref<10240x128xf32, #tpu.memory_space<vmem_shared>> -> memref<10240x128xf32, #tpu.memory_space<vmem_shared>>
        tpu.wait_indirect_dma semaphore(%arg18 : memref<!tpu.dma_semaphore, #tpu.memory_space<semaphore_mem>>) src(%arg9 : memref<80x128xf32, #tpu.memory_space<vmem>>) dst(%dma_wait3A_155 : memref<10240x128xf32, #tpu.memory_space<vmem_shared>>)
        %dma_wait3A_156 = arith.constant 0 : i32
        %dma_wait3A_157 = arith.constant 0 : i32
        %dma_wait3A_158 = tpu.memref_slice %arg8[%dma_wait3A_156, %dma_wait3A_157] : memref<25x80xi32, #tpu.memory_space<vmem>> -> memref<1x80xi32, #tpu.memory_space<vmem>>
        %dma_wait3A_159 = tpu.memref_squeeze %dma_wait3A_158 : memref<1x80xi32, #tpu.memory_space<vmem>> -> memref<80xi32, #tpu.memory_space<vmem>>
        %dma_wait3A_160 = arith.constant 0 : i32
        %dma_wait3A_161 = arith.constant 0 : i32
        %dma_wait3A_162 = tpu.memref_slice %arg13[%dma_wait3A_160, %dma_wait3A_161] : memref<10240x128xf32, #tpu.memory_space<vmem_shared>> -> memref<10240x128xf32, #tpu.memory_space<vmem_shared>>
        tpu.wait_indirect_dma semaphore(%arg19 : memref<!tpu.dma_semaphore, #tpu.memory_space<semaphore_mem>>) src(%arg10 : memref<80x128xf32, #tpu.memory_space<vmem>>) dst(%dma_wait3A_162 : memref<10240x128xf32, #tpu.memory_space<vmem_shared>>)
        %dma_wait3A_163 = arith.constant 0 : i32
        %dma_wait3A_164 = arith.constant 0 : i32
        %dma_wait3A_165 = tpu.memref_slice %arg8[%dma_wait3A_163, %dma_wait3A_164] : memref<25x80xi32, #tpu.memory_space<vmem>> -> memref<1x80xi32, #tpu.memory_space<vmem>>
        %dma_wait3A_166 = tpu.memref_squeeze %dma_wait3A_165 : memref<1x80xi32, #tpu.memory_space<vmem>> -> memref<80xi32, #tpu.memory_space<vmem>>
        %dma_wait3A_167 = arith.constant 0 : i32
        %dma_wait3A_168 = arith.constant 0 : i32
        %dma_wait3A_169 = tpu.memref_slice %arg13[%dma_wait3A_167, %dma_wait3A_168] : memref<10240x128xf32, #tpu.memory_space<vmem_shared>> -> memref<10240x128xf32, #tpu.memory_space<vmem_shared>>
        tpu.wait_indirect_dma semaphore(%arg20 : memref<!tpu.dma_semaphore, #tpu.memory_space<semaphore_mem>>) src(%arg11 : memref<80x128xf32, #tpu.memory_space<vmem>>) dst(%dma_wait3A_169 : memref<10240x128xf32, #tpu.memory_space<vmem_shared>>)
        %dma_wait3A_170 = arith.constant 0 : i32
        %dma_wait3A_171 = arith.constant 0 : i32
        %dma_wait3A_172 = tpu.memref_slice %arg8[%dma_wait3A_170, %dma_wait3A_171] : memref<25x80xi32, #tpu.memory_space<vmem>> -> memref<1x80xi32, #tpu.memory_space<vmem>>
        %dma_wait3A_173 = tpu.memref_squeeze %dma_wait3A_172 : memref<1x80xi32, #tpu.memory_space<vmem>> -> memref<80xi32, #tpu.memory_space<vmem>>
        %dma_wait3A_174 = arith.constant 0 : i32
        %dma_wait3A_175 = arith.constant 0 : i32
        %dma_wait3A_176 = tpu.memref_slice %arg13[%dma_wait3A_174, %dma_wait3A_175] : memref<10240x128xf32, #tpu.memory_space<vmem_shared>> -> memref<10240x128xf32, #tpu.memory_space<vmem_shared>>
        tpu.wait_indirect_dma semaphore(%arg21 : memref<!tpu.dma_semaphore, #tpu.memory_space<semaphore_mem>>) src(%arg12 : memref<80x128xf32, #tpu.memory_space<vmem>>) dst(%dma_wait3A_176 : memref<10240x128xf32, #tpu.memory_space<vmem_shared>>)
      }
      %scan3A_35 = arith.constant 5 : i32
    } else {
    }
    %barrier3A_19 = arith.constant 0 : index
    tpu.barrier barrier_id(%barrier3A_19)
    %eq3A_20 = arith.constant 0 : i32
    %eq3A_21 = arith.cmpi eq, %arg0, %eq3A_20 : i32
    %convert_element_type3A_22 = arith.extui %eq3A_21 : i1 to i32
    %cond3A_23 = arith.constant 0 : i32
    %cond3A_24 = arith.cmpi ne, %convert_element_type3A_22, %cond3A_23 : i32
    scf.if %cond3A_24 {
      "tpu.region"() ({
        %run_scoped3A = tpu.sem_alloc : memref<!tpu.dma_semaphore, #tpu.memory_space<semaphore_mem>>
        %dma_start3A = arith.constant 0 : i32
        %dma_start3A_30 = tpu.memref_slice %arg5[%mul3A_0, %dma_start3A] : memref<10240x128xf32, #tpu.memory_space<hbm>> -> memref<640x128xf32, #tpu.memory_space<hbm>>
        %dma_start3A_31 = arith.constant 0 : i32
        %dma_start3A_32 = tpu.memref_slice %arg13[%mul3A_0, %dma_start3A_31] : memref<10240x128xf32, #tpu.memory_space<vmem_shared>> -> memref<640x128xf32, #tpu.memory_space<vmem_shared>>
        tpu.enqueue_dma source(%dma_start3A_32 : memref<640x128xf32, #tpu.memory_space<vmem_shared>>) target(%dma_start3A_30 : memref<640x128xf32, #tpu.memory_space<hbm>>) target_semaphore(%run_scoped3A : memref<!tpu.dma_semaphore, #tpu.memory_space<semaphore_mem>>)
        %dma_wait3A = arith.constant 0 : i32
        %dma_wait3A_33 = tpu.memref_slice %arg5[%mul3A_0, %dma_wait3A] : memref<10240x128xf32, #tpu.memory_space<hbm>> -> memref<640x128xf32, #tpu.memory_space<hbm>>
        %dma_wait3A_34 = arith.constant 0 : i32
        %dma_wait3A_35 = tpu.memref_slice %arg13[%mul3A_0, %dma_wait3A_34] : memref<10240x128xf32, #tpu.memory_space<vmem_shared>> -> memref<640x128xf32, #tpu.memory_space<vmem_shared>>
        tpu.wait_dma2 semaphore(%run_scoped3A : memref<!tpu.dma_semaphore, #tpu.memory_space<semaphore_mem>>) src(%dma_wait3A_35 : memref<640x128xf32, #tpu.memory_space<vmem_shared>>) dst(%dma_wait3A_33 : memref<640x128xf32, #tpu.memory_space<hbm>>)
        tpu.yield
      }) : () -> ()
    } else {
    }
    %eq3A_25 = arith.constant 1 : i32
    %eq3A_26 = arith.cmpi eq, %arg0, %eq3A_25 : i32
    %convert_element_type3A_27 = arith.extui %eq3A_26 : i1 to i32
    %cond3A_28 = arith.constant 0 : i32
    %cond3A_29 = arith.cmpi ne, %convert_element_type3A_27, %cond3A_28 : i32
    scf.if %cond3A_29 {
      "tpu.region"() ({
        %run_scoped3A = tpu.sem_alloc : memref<!tpu.dma_semaphore, #tpu.memory_space<semaphore_mem>>
        %dma_start3A = arith.constant 0 : i32
        %dma_start3A_30 = tpu.memref_slice %arg6[%mul3A_0, %dma_start3A] : memref<10240x128xf32, #tpu.memory_space<hbm>> -> memref<640x128xf32, #tpu.memory_space<hbm>>
        %dma_start3A_31 = arith.constant 0 : i32
        %dma_start3A_32 = tpu.memref_slice %arg13[%mul3A_0, %dma_start3A_31] : memref<10240x128xf32, #tpu.memory_space<vmem_shared>> -> memref<640x128xf32, #tpu.memory_space<vmem_shared>>
        tpu.enqueue_dma source(%dma_start3A_32 : memref<640x128xf32, #tpu.memory_space<vmem_shared>>) target(%dma_start3A_30 : memref<640x128xf32, #tpu.memory_space<hbm>>) target_semaphore(%run_scoped3A : memref<!tpu.dma_semaphore, #tpu.memory_space<semaphore_mem>>)
        %dma_wait3A = arith.constant 0 : i32
        %dma_wait3A_33 = tpu.memref_slice %arg6[%mul3A_0, %dma_wait3A] : memref<10240x128xf32, #tpu.memory_space<hbm>> -> memref<640x128xf32, #tpu.memory_space<hbm>>
        %dma_wait3A_34 = arith.constant 0 : i32
        %dma_wait3A_35 = tpu.memref_slice %arg13[%mul3A_0, %dma_wait3A_34] : memref<10240x128xf32, #tpu.memory_space<vmem_shared>> -> memref<640x128xf32, #tpu.memory_space<vmem_shared>>
        tpu.wait_dma2 semaphore(%run_scoped3A : memref<!tpu.dma_semaphore, #tpu.memory_space<semaphore_mem>>) src(%dma_wait3A_35 : memref<640x128xf32, #tpu.memory_space<vmem_shared>>) dst(%dma_wait3A_33 : memref<640x128xf32, #tpu.memory_space<hbm>>)
        tpu.yield
      }) : () -> ()
    } else {
    }
    return
  }
}

module attributes {stable_mosaic.version = 14 : i64} {
  func.func @_scale_body(%arg0: i32, %arg1: memref<2048x1xf32, #tpu.memory_space<vmem>>, %arg2: memref<2048x256xf32, #tpu.memory_space<vmem>>, %arg3: memref<2048x128xf32, #tpu.memory_space<vmem>>, %arg4: memref<2048x128xf32, #tpu.memory_space<vmem>>) attributes {dimension_semantics = [#tpu.dimension_semantics<arbitrary>], iteration_bounds = array<i64: 5>, scalar_prefetch = 0 : i64, scratch_operands = 0 : i64, tpu.core_type = #tpu.core_type<tc>, window_params = [{transform_indices = @transform_0, window_bounds = array<i64: 2048, 1>}, {transform_indices = @transform_1, window_bounds = array<i64: 2048, 256>}, {transform_indices = @transform_2, window_bounds = array<i64: 2048, 128>}, {transform_indices = @transform_3, window_bounds = array<i64: 2048, 128>}]} {
    %get3A = arith.constant 0 : index
    %get3A_0 = arith.constant 0 : index
    %get3A_1 = vector.load %arg1[%get3A, %get3A_0] : memref<2048x1xf32, #tpu.memory_space<vmem>>, vector<2048x1xf32>
    %max3A = arith.constant 1.000000e+00 : f32
    %max3A_2 = vector.broadcast %max3A : f32 to vector<2048x1xf32>
    %max3A_3 = arith.maximumf %get3A_1, %max3A_2 : vector<2048x1xf32>
    %rsqrt3A = math.rsqrt %max3A_3 : vector<2048x1xf32>
    %get3A_4 = arith.constant 0 : index
    %get3A_5 = arith.constant 0 : index
    %get3A_6 = vector.load %arg2[%get3A_4, %get3A_5] : memref<2048x256xf32, #tpu.memory_space<vmem>>, vector<2048x256xf32>
    %mul3A = vector.broadcast %rsqrt3A : vector<2048x1xf32> to vector<2048x256xf32>
    %mul3A_7 = arith.mulf %get3A_6, %mul3A : vector<2048x256xf32>
    %slice3A = vector.extract_strided_slice %mul3A_7 {offsets = [0, 0], sizes = [2048, 128], strides = [1, 1]} : vector<2048x256xf32> to vector<2048x128xf32>
    %swap3A = arith.constant 0 : index
    %swap3A_8 = arith.constant 0 : index
    %swap3A_9 = vector.load %arg3[%swap3A, %swap3A_8] : memref<2048x128xf32, #tpu.memory_space<vmem>>, vector<2048x128xf32>
    tpu.vector_store %arg3[%swap3A, %swap3A_8], %slice3A {strides = array<i32>} : memref<2048x128xf32, #tpu.memory_space<vmem>>, vector<2048x128xf32>,
    %slice3A_10 = vector.extract_strided_slice %mul3A_7 {offsets = [0, 128], sizes = [2048, 128], strides = [1, 1]} : vector<2048x256xf32> to vector<2048x128xf32>
    %swap3A_11 = arith.constant 0 : index
    %swap3A_12 = arith.constant 0 : index
    %swap3A_13 = vector.load %arg4[%swap3A_11, %swap3A_12] : memref<2048x128xf32, #tpu.memory_space<vmem>>, vector<2048x128xf32>
    tpu.vector_store %arg4[%swap3A_11, %swap3A_12], %slice3A_10 {strides = array<i32>} : memref<2048x128xf32, #tpu.memory_space<vmem>>, vector<2048x128xf32>,
    return
  }
  func.func @transform_0(%arg0: i32) -> (i32, i32) {
    %c0_i32 = arith.constant 0 : i32
    %c0_i32_0 = arith.constant 0 : i32
    return %arg0, %c0_i32 : i32, i32
  }
  func.func @transform_1(%arg0: i32) -> (i32, i32) {
    %c0_i32 = arith.constant 0 : i32
    %c0_i32_0 = arith.constant 0 : i32
    return %arg0, %c0_i32 : i32, i32
  }
  func.func @transform_2(%arg0: i32) -> (i32, i32) {
    %c0_i32 = arith.constant 0 : i32
    %c0_i32_0 = arith.constant 0 : i32
    return %arg0, %c0_i32 : i32, i32
  }
  func.func @transform_3(%arg0: i32) -> (i32, i32) {
    %c0_i32 = arith.constant 0 : i32
    %c0_i32_0 = arith.constant 0 : i32
    return %arg0, %c0_i32 : i32, i32
  }
}

module attributes {stable_mosaic.version = 14 : i64} {
  func.func @_mm_bn_body(%arg0: i32, %arg1: i32, %arg2: memref<2048x1xf32, #tpu.memory_space<vmem>>, %arg3: memref<256x256xf32, #tpu.memory_space<vmem>>, %arg4: memref<1x256xf32, #tpu.memory_space<vmem>>, %arg5: memref<1x256xf32, #tpu.memory_space<vmem>>, %arg6: memref<1x256xf32, #tpu.memory_space<vmem>>, %arg7: memref<2048x128xf32, #tpu.memory_space<vmem>>, %arg8: memref<2048x128xf32, #tpu.memory_space<vmem>>, %arg9: memref<2048x256xf32, #tpu.memory_space<vmem>>, %arg10: memref<10240x256xf32, #tpu.memory_space<vmem>>, %arg11: memref<2x256xf32, #tpu.memory_space<vmem>>) attributes {dimension_semantics = [#tpu.dimension_semantics<arbitrary>, #tpu.dimension_semantics<arbitrary>], iteration_bounds = array<i64: 2, 5>, scalar_prefetch = 0 : i64, scratch_operands = 2 : i64, tpu.core_type = #tpu.core_type<tc>, window_params = [{transform_indices = @transform_0, window_bounds = array<i64: 2048, 1>}, {pipeline_mode = #tpu.pipeline_mode<synchronous>, transform_indices = @transform_1, window_bounds = array<i64: 256, 256>}, {pipeline_mode = #tpu.pipeline_mode<synchronous>, transform_indices = @transform_2, window_bounds = array<i64: 1, 256>}, {pipeline_mode = #tpu.pipeline_mode<synchronous>, transform_indices = @transform_3, window_bounds = array<i64: 1, 256>}, {pipeline_mode = #tpu.pipeline_mode<synchronous>, transform_indices = @transform_4, window_bounds = array<i64: 1, 256>}, {transform_indices = @transform_5, window_bounds = array<i64: 2048, 128>}, {transform_indices = @transform_6, window_bounds = array<i64: 2048, 128>}, {transform_indices = @transform_7, window_bounds = array<i64: 2048, 256>}]} {
    %eq3A = arith.constant 0 : i32
    %eq3A_0 = arith.cmpi eq, %arg0, %eq3A : i32
    %convert_element_type3A = arith.extui %eq3A_0 : i1 to i32
    %cond3A = arith.constant 0 : i32
    %cond3A_1 = arith.cmpi ne, %convert_element_type3A, %cond3A : i32
    scf.if %cond3A_1 {
      %get3A = arith.constant 0 : index
      %get3A_7 = arith.constant 0 : index
      %get3A_8 = vector.load %arg2[%get3A, %get3A_7] : memref<2048x1xf32, #tpu.memory_space<vmem>>, vector<2048x1xf32>
      %max3A = arith.constant 1.000000e+00 : f32
      %max3A_9 = vector.broadcast %max3A : f32 to vector<2048x1xf32>
      %max3A_10 = arith.maximumf %get3A_8, %max3A_9 : vector<2048x1xf32>
      %rsqrt3A = math.rsqrt %max3A_10 : vector<2048x1xf32>
      %get3A_11 = arith.constant 0 : index
      %get3A_12 = arith.constant 0 : index
      %get3A_13 = vector.load %arg7[%get3A_11, %get3A_12] : memref<2048x128xf32, #tpu.memory_space<vmem>>, vector<2048x128xf32>
      %get3A_14 = arith.constant 0 : index
      %get3A_15 = arith.constant 0 : index
      %get3A_16 = vector.load %arg8[%get3A_14, %get3A_15] : memref<2048x128xf32, #tpu.memory_space<vmem>>, vector<2048x128xf32>
      %concatenate3A = tpu.concatenate %get3A_13, %get3A_16 in 1 : vector<2048x128xf32>, vector<2048x128xf32> -> vector<2048x256xf32>
      %mul3A = vector.broadcast %rsqrt3A : vector<2048x1xf32> to vector<2048x256xf32>
      %mul3A_17 = arith.mulf %concatenate3A, %mul3A : vector<2048x256xf32>
      %get3A_18 = arith.constant 0 : index
      %get3A_19 = arith.constant 0 : index
      %get3A_20 = vector.load %arg3[%get3A_18, %get3A_19] : memref<256x256xf32, #tpu.memory_space<vmem>>, vector<256x256xf32>
      %dot_general3A = arith.constant dense<0.000000e+00> : vector<2048x256xf32>
      %dot_general3A_21 = tpu.matmul %mul3A_17, %get3A_20, %dot_general3A {dimension_numbers = #tpu.dot_dimension_numbers<[1], [0], [0], [1], [0, 0, 1, 1], [], []>, transpose_lhs_hint = false} : vector<2048x256xf32>, vector<256x256xf32>, vector<2048x256xf32> -> vector<2048x256xf32>
      %get3A_22 = arith.constant 0 : index
      %get3A_23 = arith.constant 0 : index
      %get3A_24 = vector.load %arg4[%get3A_22, %get3A_23] : memref<1x256xf32, #tpu.memory_space<vmem>>, vector<1x256xf32>
      %add3A = vector.broadcast %get3A_24 : vector<1x256xf32> to vector<2048x256xf32>
      %add3A_25 = arith.addf %dot_general3A_21, %add3A : vector<2048x256xf32>
      %mul3A_26 = arith.constant 2048 : i32
      %mul3A_27 = arith.muli %arg1, %mul3A_26 : i32
      %swap3A = arith.index_cast %mul3A_27 : i32 to index
      %swap3A_28 = arith.constant 0 : index
      %swap3A_29 = vector.load %arg10[%swap3A, %swap3A_28] : memref<10240x256xf32, #tpu.memory_space<vmem>>, vector<2048x256xf32>
      tpu.vector_store %arg10[%swap3A, %swap3A_28], %add3A_25 {strides = array<i32>} : memref<10240x256xf32, #tpu.memory_space<vmem>>, vector<2048x256xf32>,
      %swap3A_30 = arith.constant 0 : index
      %swap3A_31 = arith.constant 0 : index
      %swap3A_32 = vector.load %arg9[%swap3A_30, %swap3A_31] : memref<2048x256xf32, #tpu.memory_space<vmem>>, vector<2048x256xf32>
      tpu.vector_store %arg9[%swap3A_30, %swap3A_31], %add3A_25 {strides = array<i32>} : memref<2048x256xf32, #tpu.memory_space<vmem>>, vector<2048x256xf32>,
      %mul3A_33 = arith.constant 2048 : i32
      %mul3A_34 = arith.muli %arg1, %mul3A_33 : i32
      %iota3A = tpu.iota {dimensions = array<i32: 0>} : vector<2048x1xi32>
      %add3A_35 = vector.broadcast %mul3A_34 : i32 to vector<2048x1xi32>
      %add3A_36 = arith.addi %add3A_35, %iota3A : vector<2048x1xi32>
      %lt3A = arith.constant 10000 : i32
      %lt3A_37 = vector.broadcast %lt3A : i32 to vector<2048x1xi32>
      %lt3A_38 = arith.cmpi slt, %add3A_36, %lt3A_37 : vector<2048x1xi32>
      %jit3A = arith.constant 0.000000e+00 : f32
      %broadcast_in_dim3A = vector.shape_cast %lt3A_38 : vector<2048x1xi1> to vector<2048x1xi1>
      %broadcast_in_dim3A_39 = vector.broadcast %broadcast_in_dim3A : vector<2048x1xi1> to vector<2048x256xi1>
      %broadcast_in_dim3A_40 = vector.broadcast %jit3A : f32 to vector<2048x256xf32>
      %select_n3A = arith.select %broadcast_in_dim3A_39, %add3A_25, %broadcast_in_dim3A_40 : vector<2048x256xi1>, vector<2048x256xf32>
      %eq3A_41 = arith.constant 0 : i32
      %eq3A_42 = arith.cmpi eq, %arg1, %eq3A_41 : i32
      %convert_element_type3A_43 = arith.extui %eq3A_42 : i1 to i32
      %cond3A_44 = arith.constant 0 : i32
      %cond3A_45 = arith.cmpi ne, %convert_element_type3A_43, %cond3A_44 : i32
      scf.if %cond3A_45 {
        %broadcast_in_dim3A_59 = arith.constant 0.000000e+00 : f32
        %broadcast_in_dim3A_60 = vector.broadcast %broadcast_in_dim3A_59 : f32 to vector<2x256xf32>
        %swap3A_61 = arith.constant 0 : index
        %swap3A_62 = arith.constant 0 : index
        %swap3A_63 = vector.load %arg11[%swap3A_61, %swap3A_62] : memref<2x256xf32, #tpu.memory_space<vmem>>, vector<2x256xf32>
        tpu.vector_store %arg11[%swap3A_61, %swap3A_62], %broadcast_in_dim3A_60 {strides = array<i32>} : memref<2x256xf32, #tpu.memory_space<vmem>>, vector<2x256xf32>,
      } else {
      }
      %get3A_46 = arith.constant 0 : index
      %get3A_47 = arith.constant 0 : index
      %get3A_48 = vector.load %arg11[%get3A_46, %get3A_47] : memref<2x256xf32, #tpu.memory_space<vmem>>, vector<2x256xf32>
      %reduce_sum3A = arith.constant dense<0.000000e+00> : vector<256xf32>
      %reduce_sum3A_49 = vector.multi_reduction <add>, %select_n3A, %reduce_sum3A [0] : vector<2048x256xf32> to vector<256xf32>
      %mul3A_50 = arith.mulf %select_n3A, %select_n3A : vector<2048x256xf32>
      %reduce_sum3A_51 = arith.constant dense<0.000000e+00> : vector<256xf32>
      %reduce_sum3A_52 = vector.multi_reduction <add>, %mul3A_50, %reduce_sum3A_51 [0] : vector<2048x256xf32> to vector<256xf32>
      %stack3A = vector.shape_cast %reduce_sum3A_49 : vector<256xf32> to vector<1x256xf32>
      %stack3A_53 = vector.shape_cast %reduce_sum3A_52 : vector<256xf32> to vector<1x256xf32>
      %stack3A_54 = tpu.concatenate %stack3A, %stack3A_53 in 0 : vector<1x256xf32>, vector<1x256xf32> -> vector<2x256xf32>
      %add3A_55 = arith.addf %get3A_48, %stack3A_54 : vector<2x256xf32>
      %swap3A_56 = arith.constant 0 : index
      %swap3A_57 = arith.constant 0 : index
      %swap3A_58 = vector.load %arg11[%swap3A_56, %swap3A_57] : memref<2x256xf32, #tpu.memory_space<vmem>>, vector<2x256xf32>
      tpu.vector_store %arg11[%swap3A_56, %swap3A_57], %add3A_55 {strides = array<i32>} : memref<2x256xf32, #tpu.memory_space<vmem>>, vector<2x256xf32>,
    } else {
    }
    %eq3A_2 = arith.constant 1 : i32
    %eq3A_3 = arith.cmpi eq, %arg0, %eq3A_2 : i32
    %convert_element_type3A_4 = arith.extui %eq3A_3 : i1 to i32
    %cond3A_5 = arith.constant 0 : i32
    %cond3A_6 = arith.cmpi ne, %convert_element_type3A_4, %cond3A_5 : i32
    scf.if %cond3A_6 {
      %get3A = arith.constant 0 : index
      %get3A_7 = arith.constant 0 : index
      %get3A_8 = vector.load %arg11[%get3A, %get3A_7] : memref<2x256xf32, #tpu.memory_space<vmem>>, vector<1x256xf32>
      %get3A_9 = vector.shape_cast %get3A_8 : vector<1x256xf32> to vector<256xf32>
      %mul3A = arith.constant 9.99999974E-5 : f32
      %mul3A_10 = vector.broadcast %mul3A : f32 to vector<256xf32>
      %mul3A_11 = arith.mulf %get3A_9, %mul3A_10 : vector<256xf32>
      %get3A_12 = arith.constant 1 : index
      %get3A_13 = arith.constant 0 : index
      %get3A_14 = vector.load %arg11[%get3A_12, %get3A_13] : memref<2x256xf32, #tpu.memory_space<vmem>>, vector<1x256xf32>
      %get3A_15 = vector.shape_cast %get3A_14 : vector<1x256xf32> to vector<256xf32>
      %mul3A_16 = arith.constant 9.99999974E-5 : f32
      %mul3A_17 = vector.broadcast %mul3A_16 : f32 to vector<256xf32>
      %mul3A_18 = arith.mulf %get3A_15, %mul3A_17 : vector<256xf32>
      %mul3A_19 = arith.mulf %mul3A_11, %mul3A_11 : vector<256xf32>
      %sub3A = arith.subf %mul3A_18, %mul3A_19 : vector<256xf32>
      %add3A = arith.constant 9.99999974E-6 : f32
      %add3A_20 = vector.broadcast %add3A : f32 to vector<256xf32>
      %add3A_21 = arith.addf %sub3A, %add3A_20 : vector<256xf32>
      %rsqrt3A = math.rsqrt %add3A_21 : vector<256xf32>
      %mul3A_22 = arith.constant 2048 : i32
      %mul3A_23 = arith.muli %arg1, %mul3A_22 : i32
      %get3A_24 = arith.index_cast %mul3A_23 : i32 to index
      %get3A_25 = arith.constant 0 : index
      %get3A_26 = vector.load %arg10[%get3A_24, %get3A_25] : memref<10240x256xf32, #tpu.memory_space<vmem>>, vector<2048x256xf32>
      %broadcast_in_dim3A = vector.shape_cast %mul3A_11 : vector<256xf32> to vector<1x256xf32>
      %sub3A_27 = vector.broadcast %broadcast_in_dim3A : vector<1x256xf32> to vector<2048x256xf32>
      %sub3A_28 = arith.subf %get3A_26, %sub3A_27 : vector<2048x256xf32>
      %get3A_29 = arith.constant 0 : index
      %get3A_30 = arith.constant 0 : index
      %get3A_31 = vector.load %arg5[%get3A_29, %get3A_30] : memref<1x256xf32, #tpu.memory_space<vmem>>, vector<1x256xf32>
      %get3A_32 = vector.shape_cast %get3A_31 : vector<1x256xf32> to vector<256xf32>
      %mul3A_33 = arith.mulf %rsqrt3A, %get3A_32 : vector<256xf32>
      %broadcast_in_dim3A_34 = vector.shape_cast %mul3A_33 : vector<256xf32> to vector<1x256xf32>
      %mul3A_35 = vector.broadcast %broadcast_in_dim3A_34 : vector<1x256xf32> to vector<2048x256xf32>
      %mul3A_36 = arith.mulf %sub3A_28, %mul3A_35 : vector<2048x256xf32>
      %get3A_37 = arith.constant 0 : index
      %get3A_38 = arith.constant 0 : index
      %get3A_39 = vector.load %arg6[%get3A_37, %get3A_38] : memref<1x256xf32, #tpu.memory_space<vmem>>, vector<1x256xf32>
      %get3A_40 = vector.shape_cast %get3A_39 : vector<1x256xf32> to vector<256xf32>
      %broadcast_in_dim3A_41 = vector.shape_cast %get3A_40 : vector<256xf32> to vector<1x256xf32>
      %add3A_42 = vector.broadcast %broadcast_in_dim3A_41 : vector<1x256xf32> to vector<2048x256xf32>
      %add3A_43 = arith.addf %mul3A_36, %add3A_42 : vector<2048x256xf32>
      %swap3A = arith.constant 0 : index
      %swap3A_44 = arith.constant 0 : index
      %swap3A_45 = vector.load %arg9[%swap3A, %swap3A_44] : memref<2048x256xf32, #tpu.memory_space<vmem>>, vector<2048x256xf32>
      tpu.vector_store %arg9[%swap3A, %swap3A_44], %add3A_43 {strides = array<i32>} : memref<2048x256xf32, #tpu.memory_space<vmem>>, vector<2048x256xf32>,
    } else {
    }
    return
  }
  func.func @transform_0(%arg0: i32, %arg1: i32) -> (i32, i32) {
    %add3A = arith.constant 5 : i32
    %add3A_0 = arith.addi %add3A, %arg1 : i32
    %c0_i32 = arith.constant 0 : i32
    %c0_i32_1 = arith.constant 0 : i32
    return %add3A_0, %c0_i32 : i32, i32
  }
  func.func @transform_1(%arg0: i32, %arg1: i32) -> (i32, i32) {
    %c0_i32 = arith.constant 0 : i32
    %c0_i32_0 = arith.constant 0 : i32
    %c0_i32_1 = arith.constant 0 : i32
    return %c0_i32, %c0_i32_0 : i32, i32
  }
  func.func @transform_2(%arg0: i32, %arg1: i32) -> (i32, i32) {
    %c0_i32 = arith.constant 0 : i32
    %c0_i32_0 = arith.constant 0 : i32
    %c0_i32_1 = arith.constant 0 : i32
    return %c0_i32, %c0_i32_0 : i32, i32
  }
  func.func @transform_3(%arg0: i32, %arg1: i32) -> (i32, i32) {
    %c0_i32 = arith.constant 0 : i32
    %c0_i32_0 = arith.constant 0 : i32
    %c0_i32_1 = arith.constant 0 : i32
    return %c0_i32, %c0_i32_0 : i32, i32
  }
  func.func @transform_4(%arg0: i32, %arg1: i32) -> (i32, i32) {
    %c0_i32 = arith.constant 0 : i32
    %c0_i32_0 = arith.constant 0 : i32
    %c0_i32_1 = arith.constant 0 : i32
    return %c0_i32, %c0_i32_0 : i32, i32
  }
  func.func @transform_5(%arg0: i32, %arg1: i32) -> (i32, i32) {
    %sub3A = arith.constant 1 : i32
    %sub3A_0 = arith.subi %sub3A, %arg0 : i32
    %mul3A = arith.muli %arg1, %sub3A_0 : i32
    %c0_i32 = arith.constant 0 : i32
    %c0_i32_1 = arith.constant 0 : i32
    return %mul3A, %c0_i32 : i32, i32
  }
  func.func @transform_6(%arg0: i32, %arg1: i32) -> (i32, i32) {
    %sub3A = arith.constant 1 : i32
    %sub3A_0 = arith.subi %sub3A, %arg0 : i32
    %mul3A = arith.muli %arg1, %sub3A_0 : i32
    %c0_i32 = arith.constant 0 : i32
    %c0_i32_1 = arith.constant 0 : i32
    return %mul3A, %c0_i32 : i32, i32
  }
  func.func @transform_7(%arg0: i32, %arg1: i32) -> (i32, i32) {
    %mul3A = arith.muli %arg1, %arg0 : i32
    %c0_i32 = arith.constant 0 : i32
    %c0_i32_0 = arith.constant 0 : i32
    return %mul3A, %c0_i32 : i32, i32
  }
}

</mosaic_0001>

<sc_bundles>
// kernel: kernel.6.cloned.1.call-start
scs
__scs_entry_jumppad:
0x0: {  	(pc) =	sbr.rel $0x88, $3  }
0x1: {  	(tag) =	ssettag $0x0;
	lr =	simm.s32 $0x1  }
0x2: {  	[smem:$0x3F9B] =	sst lr;
	_ =	strace $0xD0000000  }
0x3: {  	_ = 	snop  }
0x4: {  	_ = 	snop  }
0x5: {  	_ = 	snop  }
0x6: {  	_ = 	snop  }
0x7: {  	_ = 	snop  }
__scs_overlays_trampoline_lowered:
0x8: {  	[smem:$0x3FAA] =	sst s0  }
0x9: {  	[smem:$0x3FAB] =	sst s1  }
0xa: {  	[smem:$0x3FAC] =	sst s2  }
0xb: {  	[smem:$0x3FAD] =	sst s3  }
0xc: {  	[smem:$0x3FAE] =	sst s4  }
0xd: {  	[smem:$0x3FAF] =	sst s5  }
0xe: {  	[smem:$0x3FB0] =	sst s6  }
0xf: {  	[smem:$0x3FB1] =	sst s7  }
0x10: {  	[smem:$0x3FB2] =	sst s8  }
0x11: {  	[smem:$0x3FB3] =	sst s9;
	s0 =	simm.s32 @!p0 $0x0  }
0x12: {  	s1 =	sld [smem:$0x3F99];
	s0 =	simm.s32 @p0 $0x1  }
0x13: {  	[smem:$0x3FB4] =	sst s0;
	s0 =	simm.s32 @!p1 $0x0  }
0x14: {  	s2 =	sld [smem:$0x3F98];
	s0 =	simm.s32 @p1 $0x1  }
0x15: {  	[smem:$0x3FB5] =	sst s0;
	s0 =	simm.s32 @!p2 $0x0  }
0x16: {  	s3 =	sld [smem:$0x3FDB];
	s0 =	simm.s32 @p2 $0x1  }
0x17: {  	s4 =	simm.s32 $0x1BF5;
	[smem:$0x3FB7] =	sst s0  }
0x18: {  	s0 =	sld [smem:$0x3F9A];
	_ =	swait.ge [sflag:s4], $0x0  }
0x19: {  	s7 =	sld [smem:$0x3F9B]  }
0x1a: {  	s8 =	sadd.s32 $0xFFFFE003, lr  }
0x1b: {  	s9 =	sadd.s32 $0xFFFFFEF7, lr;
	s5 =	simm.s32 $0xFFFFFFFF;
	p2 =	slt.u32 s8, $0xFFFFF086  }
0x1c: {  	p1 =	slt.u32 s9, $0xF7A;
	s5 =	simm.s32 @!p2 $0x0  }
0x1d: {  	s5 =	simm.s32 @p1 $0x1;
	p0 =	seq.s32 s7, s2  }
0x1e: {  	s7 =	smul.u32 @!p0 $0xF7A, s2;
	p2 =	seq.s32 @!p0 s5, $0x0  }
0x1f: {  	s9 =	smul.u32 $0xF7A, s1;
	s8 =	simm.s32 @!p0 $0x1BF5;
	p2 =	por !p2, p0  }
0x20: {  	[sflag:s8] =	ssyncset.s32 @!p0 $0xFFFFF086;
	s6 =	sadd.s32 @!p0 s3, s7;
	s7 =	simm.s32 @!p0 $0x108  }
0x21: {  	s3 =	sadd.s32 s3, s9;
	s6 =	sadd.s32 @!p0 $0x88, s6;
	s7 =	simm.s32 @p2 $0x1082  }
0x22: {  	[simem:s7], [sflag:s8] =	dma.local @!p0 [hbm:s6], $0xF7A  }
0x23: {  	s9 =	sor.u32 $0xD0000000, s2;
	s6 =	simm.s32 $0x108;
	_ =	swait.ge @!p0 [sflag:s8], $0x0  }
0x24: {  	s3 =	sadd.s32 $0x88, s3;
	s6 =	simm.s32 @!p1 $0x1082;
	[sflag:s4] =	ssyncset.s32 $0xFFFFF086  }
0x25: {  	[simem:s6], [sflag:s4] =	dma.local [hbm:s3], $0xF7A  }
0x26: {  	[smem:$0x3F9B] =	sst s1;
	(tag) =	ssettag s2;
	_ =	strace s9  }
0x27: {  	s1 =	sld [smem:$0x3FAB]  }
0x28: {  	s2 =	sld [smem:$0x3FAC]  }
0x29: {  	s4 =	sld [smem:$0x3FAE]  }
0x2a: {  	p0 =	seq.s32 s5, $0x0;
	s5 =	sld [smem:$0x3FAF]  }
0x2b: {  	s6 =	sld [smem:$0x3FB0]  }
0x2c: {  	s7 =	sld [smem:$0x3FB1]  }
0x2d: {  	s3 =	simm.s32 $0x108;
	s8 =	sld [smem:$0x3FB2]  }
0x2e: {  	s3 =	simm.s32 @!p0 $0x1082;
	s9 =	sld [smem:$0x3FB3]  }
0x2f: {  	lr =	sadd.s32 s0, s3;
	s0 =	sld [smem:$0x3FAA]  }
0x30: {  	s3 =	sld [smem:$0x3FAD]  }
0x31: {  	[smem:$0x3FB6] =	sst s10  }
0x32: {  	s10 =	sld [smem:$0x3FB4];
	_ =	sdelay $0x3  }
0x33: {  	p0 =	seq.s32 s10, $0x1;
	s10 =	sld [smem:$0x3FB6];
	_ =	sdelay $0x3  }
0x34: {  	[smem:$0x3FB6] =	sst s10  }
0x35: {  	s10 =	sld [smem:$0x3FB5];
	_ =	sdelay $0x3  }
0x36: {  	p1 =	seq.s32 s10, $0x1;
	s10 =	sld [smem:$0x3FB6];
	_ =	sdelay $0x3  }
0x37: {  	[smem:$0x3FB6] =	sst s10  }
0x38: {  	s10 =	sld [smem:$0x3FB7]  }
0x39: {  	_ = 	snop;
	(pc) =	sbr.ind lr, $3  }
0x3a: {  	_ = 	snop  }
0x3b: {  	_ = 	snop  }
0x3c: {  	p2 =	seq.s32 s10, $0x1;
	s10 =	sld [smem:$0x3FB6]  }
0x3d: {  	_ =	shalt  }
0x3e: {  	_ =	shalt  }
0x3f: {  	_ =	shalt  }
0x40: {  	_ =	shalt  }
0x41: {  	_ =	shalt  }
0x42: {  	_ =	shalt  }
0x43: {  	_ =	shalt  }
0x44: {  	_ =	shalt  }
0x45: {  	_ =	shalt  }
0x46: {  	_ =	shalt  }
0x47: {  	_ =	shalt  }
0x48: {  	_ =	shalt  }
0x49: {  	_ =	shalt  }
0x4a: {  	_ =	shalt  }
0x4b: {  	_ =	shalt  }
0x4c: {  	_ =	shalt  }
0x4d: {  	_ =	shalt  }
0x4e: {  	_ =	shalt  }
0x4f: {  	_ =	shalt  }
0x50: {  	_ =	shalt  }
0x51: {  	_ =	shalt  }
0x52: {  	_ =	shalt  }
0x53: {  	_ =	shalt  }
0x54: {  	_ =	shalt  }
0x55: {  	_ =	shalt  }
0x56: {  	_ =	shalt  }
0x57: {  	_ =	shalt  }
0x58: {  	_ =	shalt  }
0x59: {  	_ =	shalt  }
0x5a: {  	_ =	shalt  }
0x5b: {  	_ =	shalt  }
0x5c: {  	_ =	shalt  }
0x5d: {  	_ =	shalt  }
0x5e: {  	_ =	shalt  }
0x5f: {  	_ =	shalt  }
0x60: {  	_ =	shalt  }
0x61: {  	_ =	shalt  }
0x62: {  	_ =	shalt  }
0x63: {  	_ =	shalt  }
0x64: {  	_ =	shalt  }
0x65: {  	_ =	shalt  }
0x66: {  	_ =	shalt  }
0x67: {  	_ =	shalt  }
0x68: {  	_ =	shalt  }
0x69: {  	_ =	shalt  }
0x6a: {  	_ =	shalt  }
0x6b: {  	_ =	shalt  }
0x6c: {  	_ =	shalt  }
0x6d: {  	_ =	shalt  }
0x6e: {  	_ =	shalt  }
0x6f: {  	_ =	shalt  }
0x70: {  	_ =	shalt  }
0x71: {  	_ =	shalt  }
0x72: {  	_ =	shalt  }
0x73: {  	_ =	shalt  }
0x74: {  	_ =	shalt  }
0x75: {  	_ =	shalt  }
0x76: {  	_ =	shalt  }
0x77: {  	_ =	shalt  }
0x78: {  	_ =	shalt  }
0x79: {  	_ =	shalt  }
0x7a: {  	_ =	shalt  }
0x7b: {  	_ =	shalt  }
0x7c: {  	_ =	shalt  }
0x7d: {  	_ =	shalt  }
0x7e: {  	_ =	shalt  }
0x7f: {  	_ =	shalt  }
0x80: {  	_ =	shalt  }
0x81: {  	_ =	shalt  }
0x82: {  	_ =	shalt  }
0x83: {  	_ =	shalt  }
0x84: {  	_ =	shalt  }
0x85: {  	_ =	shalt  }
0x86: {  	_ =	shalt  }
0x87: {  	_ =	shalt  }
.Lfunc_end0:
.L_simem_size_0:
called_computation_lowered:
.L_overlay_start_0:
0x88: {  	s2 =	sld [smem:$0x3FD9]  }
0x89: {  	s3 =	sld [smem:$0x3FFE];
	_ =	sdelay $0x1  }
0x8a: {  	s1 =	srdreg.scid  }
0x8b: {  	s0 =	sand.u32 $0x1, s1  }
0x8c: {  	s17 =	sshll.u32 s0, $0xA;
	s2 =	sadd.s32 s3, s2  }
0x8d: {  	s2 =	sadd.s32 s2, s17  }
0x8e: {  	[smem:$0x3FC2] =	sst s2  }
0x8f: {  	_ = 	snop  }
0x90: {  	s2 =	sld [smem:$0x3FD0];
	(tm) =	ssettm $0x1  }
0x91: {  	s18 =	sld [smem:$0x3FFB];
	_ =	sdelay $0x3  }
0x92: {  	_ =	strace s18  }
0x93: {  	s3 =	sld [smem:$0x3FFC];
	_ =	sdelay $0x3  }
0x94: {  	_ =	strace s3  }
0x95: {  	s3 =	sld [smem:$0x3FFD];
	_ =	sdelay $0x3  }
0x96: {  	_ =	strace s3  }
0x97: {  	_ =	strace $0x8FFFFFFF  }
0x98: {  	s19 =	sld [smem:$0x3FDB];
	_ =	sdelay $0x1  }
0x99: {  	s4 =	simm.s32 $_scs_section_size  }
0x9a: {  	s5 =	simm.s32 $_size__tile_overlayer_lowered;
	s6 =	simm.s32 $_tile_overlayer_lowered  }
0x9b: {  	s22 =	simm.s32 $0x1BFF;
	s21 =	sshll.u32 s6, $0x1;
	s3 =	sadd.s32 s4, s19  }
0x9c: {  	s7 =	simm.s32 $0x0;
	s20 =	sshll.u32 s5, $0x1;
	s5 =	sadd.s32 s21, s3  }
0x9d: {  	[timem:s7], [sflag:s22] =	dma.local [hbm:s5], s20  }
0x9e: {  	_ =	swait.ge [sflag:s22], s20  }
0x9f: {  	s4 =	ssub.s32 $0x0, s20;
	[sflag:s22] =	ssyncset.done $0x0  }
0xa0: {  	[sflag:s22] =	ssyncadd.s32 s4;
	_ =	sdelay $0x1  }
0xa1: {  	s23 =	simm.s32 $0x1B8B  }
0xa2: {  	_ =	swait.ge [sflag:s23], $0x1  }
0xa3: {  	[sflag:s23] =	ssyncset.done $0x0  }
0xa4: {  	s25 =	simm.s32 $0x1B8E;
	s24 =	sld [smem:$0x3FFE];
	[sflag:s23] =	ssyncadd.s32 $0xFFFFFFFF  }
0xa5: {  	s26 =	simm.s32 $execute0_lowered;
	[smem:$0x3FD2] =	sst s25  }
0xa6: {  	s5 =	sshll.u32 s26, $0x1;
	_ =	strace $0x80000046;
	[dreg:$0x1] =	wrdreg $0xFFFFFFFF  }
0xa7: {  	s28 =	simm.s32 $_size_execute0_lowered;
	s3 =	sadd.s32 s3, s5;
	[dreg:$0x0] =	wrdreg $0x0  }
0xa8: {  	s5 =	sshll.u32 s28, $0x1;
	[dreg:$0x2] =	wrdreg s3  }
0xa9: {  	[dreg:$0x3] =	wrdreg s5  }
0xaa: {  	[dreg:$0x4] =	wrdreg $0xC0  }
0xab: {  	_ =	task [dreg:s7], $0x5FFFF  }
0xac: {  	[dreg:$0x1] =	wrdreg $0xFFFFFFFF  }
0xad: {  	[dreg:$0x0] =	wrdreg $0x60  }
0xae: {  	[dreg:$0x2] =	wrdreg s2  }
0xaf: {  	[dreg:$0x3] =	wrdreg s24  }
0xb0: {  	[dreg:$0x4] =	wrdreg $0x48800  }
0xb1: {  	[dreg:$0x5] =	wrdreg $0x9  }
0xb2: {  	_ =	task.clear_ibuf [dreg:s7], $0x6FFFF;
	_ =	strace $0x90000046  }
0xb3: {  	s29 =	simm.s32 $0x9;
	_ =	strace $0x80000048  }
0xb4: {  	_ =	swait.ge [sflag:s29], $0x1  }
0xb5: {  	[sflag:s29] =	ssyncadd.s32 $0xFFFFFFFF  }
0xb6: {  	_ =	strace $0x90000048  }
0xb7: {  	_ =	sfence  }
0xb8: {  	s30 =	sld [smem:$0x0];
	_ =	sdelay $0x2  }
0xb9: {  	s31 =	sshll.u32 s1, $0xD;
	s1 =	sshrl.u32 s1, $0x2  }
0xba: {  	s3 =	sand.u32 $0x4000, s31;
	s1 =	sadd.s32 s1, s30  }
0xbb: {  	s0 =	sor.u32 s3, s0;
	s1 =	sshll.u32 s1, $0x11  }
0xbc: {  	s0 =	sor.u32 s1, s0  }
0xbd: {  	s0 =	sadd.s32 $0x8F2B, s0  }
0xbe: {  	[sflag:s0] =	ssyncadd.remote.s32 $0x1  }
0xbf: {  	_ =	sfence.sel $0xFFFF  }
0xc0: {  	[dreg:$0x0] =	wrdreg $0xFFFFFFFF;
	(pc) =	sbr.abs _section_cstart, $3  }
0xc1: {  	[dreg:$0x1] =	wrdreg $0xFFFFFFFF  }
0xc2: {  	_ =	task.clear_ibuf [dreg:s7], $0x2FFFF;
	_ =	strace $0x9FFFFFFF  }
0xc3: {  	(tm) =	ssettm $0x7FFFFFFF  }
tec
execute0_lowered:
.L_overlay_start_1:
0x0: {  	(tag) =	ssettag $0x1  }
0x1: {  	s12 =	rddreg [dreg:$0x0]  }
0x2: {  	s3 =	rddreg [dreg:$0x1]  }
0x3: {  	s1 =	rddreg [dreg:$0x2]  }
0x4: {  	s8 =	srdreg.scid;
	s0 =	rddreg [dreg:$0x3]  }
0x5: {  	s2 =	simm.s32 $0x0;
	s19 =	stileid.u32;
	s16 =	simm.s32 $0x50  }
0x6: {  	s17 =	simm.s32 $0x4000;
	s18 =	simm.s32 $0x1;
	s4 =	sand.u32 $0x1, s8  }
0x7: {  	[smem:$0x7FF] =	sst s2;
	s14 =	sshll.u32 s19, $0xB;
	s7 =	sadd.s32 $0x2000, s1  }
0x8: {  	s10 =	sshll.u32 s8, $0xF;
	p0 =	seq.s32 s19, $0x0;
	p1 =	sne.s32 s19, $0x0  }
0x9: {  	s5 =	smul.u32 $0x2800, s4;
	s4 =	ssub.s32 $0x2, s4;
	s15 =	sand.u32 $0x8000, s10  }
0xa: {  	_ =	strace $0x80000047;
	s6 =	sshrl.u32 s4, $0x1;
	s15 =	sadd.s32 s15, s12  }
0xb: {  	s5 =	sshrl.u32 s5, $0x3;
	s31 =	ssub.s32 s4, s6;
	s4 =	sadd.s32 $0x800, s1  }
0xc: {  	s6 =	sadd.s32 $0x1800, s1;
	s13 =	sadd.s32 s5, s3;
	s3 =	smax.u32 s31, $0x1  }
0xd: {  	s5 =	sadd.s32 $0x1000, s1;
	s8 =	sadd.s32 $0x3800, s13;
	s9 =	sadd.s32 $0x3900, s13  }
0xe: {  	s10 =	sadd.s32 $0x3A00, s13;
	s11 =	sadd.s32 $0x3B00, s13;
	s12 =	sadd.s32 $0x3C00, s13  }
0xf: {  	v0 =	vimm.f32 $1.000000000e+00;
	v1 =	vimm.f32 $0.0e+00;
	s13 =	sadd.s32 s14, s15;
	s14 =	simm.s32 $0x4080;
	s15 =	simm.s32 $0x2  }
.LBB2_1:
.Ltmp0:
0x10: {  	[tilespmem:$0x4000] =	vst v0;
	(pc) =	sbr.rel @!p0 .LBB2_5-.Ltmp0, $4  }
0x11: {  	[tilespmem:$0x4010] =	vst v0  }
0x12: {  	[tilespmem:$0x4020] =	vst v0  }
0x13: {  	[tilespmem:$0x4030] =	vst v0  }
0x14: {  	[tilespmem:$0x4040] =	vst v0  }
0x15: {  	s19 =	simm.s32 $0x40;
	s20 =	simm.s32 $0x0  }
.LBB2_3:
0x16: {  	p2 =	seq.s32 s19, $0x1FC0;
	[tilespmem:s20+$0x4080] =	vst v1;
	s20 =	smov.u32 s19;
	s19 =	sadd.s32 $0x40, s19  }
.Ltmp1:
0x17: {  	(pc) =	sbr.rel @!p2 .LBB2_3-.Ltmp1, $2  }
0x18: {  	_ =	sdelay $0x2  }
0x19: {  	s20 =	sshra.s32 s20, $0x2  }
0x1a: {  	[tilespmem:s20+$0x4080] =	vst v1  }
0x1b: {  	[spmem:s1] =	stream.linear.scatter [tilespmem:s14], [sflag:$0x2], $0x800, $0x38;
	[tilespmem:$0x4B00] =	vst v63  }
0x1c: {  	_ =	swait.ge [sflag:s15], $0x800  }
0x1d: {  	[sflag:s15] =	ssyncset.done $0x0  }
0x1e: {  	[sflag:s15] =	ssyncadd.s32 $0xFFFFF800  }
0x1f: {  	[spmem:s4] =	stream.linear.scatter [tilespmem:s14], [sflag:$0x2], $0x800, $0x38;
	[tilespmem:$0x4B00] =	vst v63  }
0x20: {  	_ =	swait.ge [sflag:s15], $0x800  }
0x21: {  	[sflag:s15] =	ssyncset.done $0x0  }
0x22: {  	[sflag:s15] =	ssyncadd.s32 $0xFFFFF800  }
0x23: {  	[spmem:s5] =	stream.linear.scatter [tilespmem:s14], [sflag:$0x2], $0x800, $0x38;
	[tilespmem:$0x4B00] =	vst v63  }
0x24: {  	_ =	swait.ge [sflag:s15], $0x800  }
0x25: {  	[sflag:s15] =	ssyncset.done $0x0  }
0x26: {  	[sflag:s15] =	ssyncadd.s32 $0xFFFFF800  }
0x27: {  	[spmem:s6] =	stream.linear.scatter [tilespmem:s14], [sflag:$0x2], $0x800, $0x38;
	[tilespmem:$0x4B00] =	vst v63  }
0x28: {  	_ =	swait.ge [sflag:s15], $0x800  }
0x29: {  	[sflag:s15] =	ssyncset.done $0x0  }
0x2a: {  	[sflag:s15] =	ssyncadd.s32 $0xFFFFF800  }
0x2b: {  	[spmem:s7] =	stream.linear.scatter [tilespmem:s14], [sflag:$0x2], $0x800, $0x38;
	[tilespmem:$0x4B00] =	vst v63  }
0x2c: {  	_ =	swait.ge [sflag:s15], $0x800  }
0x2d: {  	[sflag:s15] =	ssyncset.done $0x0  }
0x2e: {  	[sflag:s15] =	ssyncadd.s32 $0xFFFFF800  }
.LBB2_5:
0x2f: {  	[bflag:$0x0] =	sbarrier.arrive $0xFFFF;
	s19 =	simm.s32 $0x0  }
0x30: {  	[tilespmem:s19], [sflag:$0x2] =	stream.linear.gather [hbm4b:s13+s19], $0x3E80, $0x38;
	[tilespmem:$0x4B00] =	vst v63  }
0x31: {  	_ =	swait.ge [sflag:s15], $0x3E80  }
0x32: {  	[sflag:s15] =	ssyncset.done $0x0  }
0x33: {  	[sflag:s15] =	ssyncadd.s32 $0xFFFFC180  }
.LBB2_6:
0x34: {  	p2 =	sne.s32 s19, $0xF800  }
.Ltmp2:
0x35: {  	_ = 	snop;
	(pc) =	sbr.rel @p2 .LBB2_6-.Ltmp2, $3  }
0x36: {  	_ =	sdelay $0x1  }
0x37: {  	s20 =	sshra.s32 s19, $0x2;
	s19 =	sadd.s32 $0x200, s19  }
0x38: {  	[spmem:s1] =	stream.indirect.scatter.add.f32 [tilespmem:s17], [sflag:$0x1], $0x1, s20, s16, $0xb8;
	[tilespmem:$0x4B00] =	vst v63  }
0x39: {  	_ =	swait.ge [sflag:s18], $0x50  }
0x3a: {  	s19 =	simm.s32 $0x7C;
	[sflag:s18] =	ssyncset.done $0x0  }
.LBB2_8:
0x3b: {  	p2 =	sne.s32 s19, $0x1;
	s19 =	sadd.s32 $0xFFFFFFFF, s19;
	[sflag:s18] =	ssyncadd.s32 $0xFFFFFFB0  }
.Ltmp3:
0x3c: {  	(pc) =	sbr.rel @p2 .LBB2_8-.Ltmp3, $3  }
0x3d: {  	_ =	sdelay $0x1  }
0x3e: {  	_ =	swait.ge [sflag:s18], $0x50  }
0x3f: {  	[sflag:s18] =	ssyncset.done $0x0  }
0x40: {  	[sflag:s18] =	ssyncadd.s32 $0xFFFFFFB0  }
0x41: {  	s19 =	simm.s32 @!p1 $0x4080;
	s20 =	simm.s32 @!p1 $0x2;
	[bflag:$0x0] =	sbarrier.arrive $0xFFFF  }
0x42: {  	[tilespmem:s19], [sflag:$0x2] =	stream.linear.gather @!p1 [spmem:s1], $0x800, $0x38;
	[tilespmem:$0x4B00] =	vst v63  }
0x43: {  	_ =	swait.ge @!p1 [sflag:s20], $0x800  }
0x44: {  	[sflag:s20] =	ssyncset.done @!p1 $0x0  }
0x45: {  	s21 =	simm.s32 @!p1 $0x0;
	[sflag:s20] =	ssyncadd.s32 @!p1 $0xFFFFF800  }
0x46: {  	[hbm4b:s8+s21] =	stream.linear.scatter @!p1 [tilespmem:s19], [sflag:$0x2], $0x800, $0x38;
	[tilespmem:$0x4B00] =	vst v63  }
0x47: {  	_ =	swait.ge @!p1 [sflag:s20], $0x800  }
0x48: {  	[sflag:s20] =	ssyncset.done @!p1 $0x0  }
0x49: {  	[sflag:s20] =	ssyncadd.s32 @!p1 $0xFFFFF800  }
0x4a: {  	[tilespmem:s19], [sflag:$0x2] =	stream.linear.gather @!p1 [spmem:s4], $0x800, $0x38;
	[tilespmem:$0x4B00] =	vst v63  }
0x4b: {  	_ =	swait.ge @!p1 [sflag:s20], $0x800  }
0x4c: {  	[sflag:s20] =	ssyncset.done @!p1 $0x0  }
0x4d: {  	[sflag:s20] =	ssyncadd.s32 @!p1 $0xFFFFF800  }
0x4e: {  	[hbm4b:s9+s21] =	stream.linear.scatter @!p1 [tilespmem:s19], [sflag:$0x2], $0x800, $0x38;
	[tilespmem:$0x4B00] =	vst v63  }
0x4f: {  	_ =	swait.ge @!p1 [sflag:s20], $0x800  }
0x50: {  	[sflag:s20] =	ssyncset.done @!p1 $0x0  }
0x51: {  	[sflag:s20] =	ssyncadd.s32 @!p1 $0xFFFFF800  }
0x52: {  	[tilespmem:s19], [sflag:$0x2] =	stream.linear.gather @!p1 [spmem:s5], $0x800, $0x38;
	[tilespmem:$0x4B00] =	vst v63  }
0x53: {  	_ =	swait.ge @!p1 [sflag:s20], $0x800  }
0x54: {  	[sflag:s20] =	ssyncset.done @!p1 $0x0  }
0x55: {  	[sflag:s20] =	ssyncadd.s32 @!p1 $0xFFFFF800  }
0x56: {  	[hbm4b:s10+s21] =	stream.linear.scatter @!p1 [tilespmem:s19], [sflag:$0x2], $0x800, $0x38;
	[tilespmem:$0x4B00] =	vst v63  }
0x57: {  	_ =	swait.ge @!p1 [sflag:s20], $0x800  }
0x58: {  	[sflag:s20] =	ssyncset.done @!p1 $0x0  }
0x59: {  	[sflag:s20] =	ssyncadd.s32 @!p1 $0xFFFFF800  }
0x5a: {  	[tilespmem:s19], [sflag:$0x2] =	stream.linear.gather @!p1 [spmem:s6], $0x800, $0x38;
	[tilespmem:$0x4B00] =	vst v63  }
0x5b: {  	_ =	swait.ge @!p1 [sflag:s20], $0x800  }
0x5c: {  	[sflag:s20] =	ssyncset.done @!p1 $0x0  }
0x5d: {  	[sflag:s20] =	ssyncadd.s32 @!p1 $0xFFFFF800  }
0x5e: {  	[hbm4b:s11+s21] =	stream.linear.scatter @!p1 [tilespmem:s19], [sflag:$0x2], $0x800, $0x38;
	[tilespmem:$0x4B00] =	vst v63  }
0x5f: {  	_ =	swait.ge @!p1 [sflag:s20], $0x800  }
0x60: {  	[sflag:s20] =	ssyncset.done @!p1 $0x0  }
0x61: {  	[sflag:s20] =	ssyncadd.s32 @!p1 $0xFFFFF800  }
0x62: {  	[tilespmem:s19], [sflag:$0x2] =	stream.linear.gather @!p1 [spmem:s7], $0x800, $0x38;
	[tilespmem:$0x4B00] =	vst v63  }
0x63: {  	s2 =	sadd.s32 $0x1, s2;
	_ =	swait.ge @!p1 [sflag:s20], $0x800  }
0x64: {  	p2 =	sne.s32 s2, s3;
	[sflag:s20] =	ssyncset.done @!p1 $0x0  }
.Ltmp4:
0x65: {  	[sflag:s20] =	ssyncadd.s32 @!p1 $0xFFFFF800;
	(pc) =	sbr.rel @p2 .LBB2_1-.Ltmp4, $4  }
0x66: {  	[hbm4b:s12+s21] =	stream.linear.scatter @!p1 [tilespmem:s19], [sflag:$0x2], $0x800, $0x38;
	[tilespmem:$0x4B00] =	vst v63  }
0x67: {  	_ =	swait.ge @!p1 [sflag:s20], $0x800  }
0x68: {  	[sflag:s20] =	ssyncset.done @!p1 $0x0  }
0x69: {  	[sflag:s20] =	ssyncadd.s32 @!p1 $0xFFFFF800  }
0x6a: {  	_ =	sfence.sel $0x180000  }
0x6b: {  	[bflag:$0x0] =	sbarrier.arrive $0xFFFF  }
0x6c: {  	_ =	strace $0x90000047  }
0x6d: {  	s0 =	sadd.s32 @!p1 $0x100000, s0;
	[bflag:$0x2] =	sbarrier.arrive $0xFFFF  }
0x6e: {  	[sflag:s0] =	ssyncadd.tile.s32 @!p1 $0x1;
	_ =	shalt  }
.Lfunc_end2:
_tile_overlayer_lowered:
.L_overlay_start_2:
0x6f: {  	(tag) =	ssettag $0x2  }
0x70: {  	s0 =	rddreg [dreg:$0x0];
	s2 =	stileid.u32  }
0x71: {  	s1 =	rddreg [dreg:$0x1];
	p0 =	sne.s32 s2, $0x0  }
0x72: {  	s3 =	rddreg [dreg:$0x2];
	[bflag:$0x3] =	sbarrier.arrive $0xFFFF;
	s2 =	simm.s32 @!p0 $0x1C02  }
0x73: {  	[timem:s3], [sflag:s2] =	dma.local @!p0 [hbm:s0], s1  }
0x74: {  	s0 =	simm.s32 @!p0 $0x2  }
0x75: {  	_ =	swait.ge @!p0 [sflag:s0], s1  }
0x76: {  	s1 =	ssub.s32 @!p0 $0x0, s1;
	[sflag:s0] =	ssyncset.done @!p0 $0x0  }
0x77: {  	[sflag:s0] =	ssyncadd.s32 @!p0 s1  }
0x78: {  	[bflag:$0x3] =	sbarrier.arrive $0xFFFF  }
0x79: {  	_ =	shalt  }

// kernel: kernel.9.cloned.1.call-start
scs
__scs_entry_jumppad:
0x0: {  	(pc) =	sbr.rel $0x88, $3  }
0x1: {  	(tag) =	ssettag $0x0;
	lr =	simm.s32 $0x1  }
0x2: {  	[smem:$0x3F9B] =	sst lr;
	_ =	strace $0xD0000000  }
0x3: {  	_ = 	snop  }
0x4: {  	_ = 	snop  }
0x5: {  	_ = 	snop  }
0x6: {  	_ = 	snop  }
0x7: {  	_ = 	snop  }
__scs_overlays_trampoline_lowered:
0x8: {  	[smem:$0x3FAA] =	sst s0  }
0x9: {  	[smem:$0x3FAB] =	sst s1  }
0xa: {  	[smem:$0x3FAC] =	sst s2  }
0xb: {  	[smem:$0x3FAD] =	sst s3  }
0xc: {  	[smem:$0x3FAE] =	sst s4  }
0xd: {  	[smem:$0x3FAF] =	sst s5  }
0xe: {  	[smem:$0x3FB0] =	sst s6  }
0xf: {  	[smem:$0x3FB1] =	sst s7  }
0x10: {  	[smem:$0x3FB2] =	sst s8  }
0x11: {  	[smem:$0x3FB3] =	sst s9;
	s0 =	simm.s32 @!p0 $0x0  }
0x12: {  	s1 =	sld [smem:$0x3F99];
	s0 =	simm.s32 @p0 $0x1  }
0x13: {  	[smem:$0x3FB4] =	sst s0;
	s0 =	simm.s32 @!p1 $0x0  }
0x14: {  	s2 =	sld [smem:$0x3F98];
	s0 =	simm.s32 @p1 $0x1  }
0x15: {  	[smem:$0x3FB5] =	sst s0;
	s0 =	simm.s32 @!p2 $0x0  }
0x16: {  	s3 =	sld [smem:$0x3FDB];
	s0 =	simm.s32 @p2 $0x1  }
0x17: {  	s4 =	simm.s32 $0x1BF5;
	[smem:$0x3FB7] =	sst s0  }
0x18: {  	s0 =	sld [smem:$0x3F9A];
	_ =	swait.ge [sflag:s4], $0x0  }
0x19: {  	s7 =	sld [smem:$0x3F9B]  }
0x1a: {  	s8 =	sadd.s32 $0xFFFFE003, lr  }
0x1b: {  	s9 =	sadd.s32 $0xFFFFFEF7, lr;
	s5 =	simm.s32 $0xFFFFFFFF;
	p2 =	slt.u32 s8, $0xFFFFF086  }
0x1c: {  	p1 =	slt.u32 s9, $0xF7A;
	s5 =	simm.s32 @!p2 $0x0  }
0x1d: {  	s5 =	simm.s32 @p1 $0x1;
	p0 =	seq.s32 s7, s2  }
0x1e: {  	s7 =	smul.u32 @!p0 $0xF7A, s2;
	p2 =	seq.s32 @!p0 s5, $0x0  }
0x1f: {  	s9 =	smul.u32 $0xF7A, s1;
	s8 =	simm.s32 @!p0 $0x1BF5;
	p2 =	por !p2, p0  }
0x20: {  	[sflag:s8] =	ssyncset.s32 @!p0 $0xFFFFF086;
	s6 =	sadd.s32 @!p0 s3, s7;
	s7 =	simm.s32 @!p0 $0x108  }
0x21: {  	s3 =	sadd.s32 s3, s9;
	s6 =	sadd.s32 @!p0 $0x88, s6;
	s7 =	simm.s32 @p2 $0x1082  }
0x22: {  	[simem:s7], [sflag:s8] =	dma.local @!p0 [hbm:s6], $0xF7A  }
0x23: {  	s9 =	sor.u32 $0xD0000000, s2;
	s6 =	simm.s32 $0x108;
	_ =	swait.ge @!p0 [sflag:s8], $0x0  }
0x24: {  	s3 =	sadd.s32 $0x88, s3;
	s6 =	simm.s32 @!p1 $0x1082;
	[sflag:s4] =	ssyncset.s32 $0xFFFFF086  }
0x25: {  	[simem:s6], [sflag:s4] =	dma.local [hbm:s3], $0xF7A  }
0x26: {  	[smem:$0x3F9B] =	sst s1;
	(tag) =	ssettag s2;
	_ =	strace s9  }
0x27: {  	s1 =	sld [smem:$0x3FAB]  }
0x28: {  	s2 =	sld [smem:$0x3FAC]  }
0x29: {  	s4 =	sld [smem:$0x3FAE]  }
0x2a: {  	p0 =	seq.s32 s5, $0x0;
	s5 =	sld [smem:$0x3FAF]  }
0x2b: {  	s6 =	sld [smem:$0x3FB0]  }
0x2c: {  	s7 =	sld [smem:$0x3FB1]  }
0x2d: {  	s3 =	simm.s32 $0x108;
	s8 =	sld [smem:$0x3FB2]  }
0x2e: {  	s3 =	simm.s32 @!p0 $0x1082;
	s9 =	sld [smem:$0x3FB3]  }
0x2f: {  	lr =	sadd.s32 s0, s3;
	s0 =	sld [smem:$0x3FAA]  }
0x30: {  	s3 =	sld [smem:$0x3FAD]  }
0x31: {  	[smem:$0x3FB6] =	sst s10  }
0x32: {  	s10 =	sld [smem:$0x3FB4];
	_ =	sdelay $0x3  }
0x33: {  	p0 =	seq.s32 s10, $0x1;
	s10 =	sld [smem:$0x3FB6];
	_ =	sdelay $0x3  }
0x34: {  	[smem:$0x3FB6] =	sst s10  }
0x35: {  	s10 =	sld [smem:$0x3FB5];
	_ =	sdelay $0x3  }
0x36: {  	p1 =	seq.s32 s10, $0x1;
	s10 =	sld [smem:$0x3FB6];
	_ =	sdelay $0x3  }
0x37: {  	[smem:$0x3FB6] =	sst s10  }
0x38: {  	s10 =	sld [smem:$0x3FB7]  }
0x39: {  	_ = 	snop;
	(pc) =	sbr.ind lr, $3  }
0x3a: {  	_ = 	snop  }
0x3b: {  	_ = 	snop  }
0x3c: {  	p2 =	seq.s32 s10, $0x1;
	s10 =	sld [smem:$0x3FB6]  }
0x3d: {  	_ =	shalt  }
0x3e: {  	_ =	shalt  }
0x3f: {  	_ =	shalt  }
0x40: {  	_ =	shalt  }
0x41: {  	_ =	shalt  }
0x42: {  	_ =	shalt  }
0x43: {  	_ =	shalt  }
0x44: {  	_ =	shalt  }
0x45: {  	_ =	shalt  }
0x46: {  	_ =	shalt  }
0x47: {  	_ =	shalt  }
0x48: {  	_ =	shalt  }
0x49: {  	_ =	shalt  }
0x4a: {  	_ =	shalt  }
0x4b: {  	_ =	shalt  }
0x4c: {  	_ =	shalt  }
0x4d: {  	_ =	shalt  }
0x4e: {  	_ =	shalt  }
0x4f: {  	_ =	shalt  }
0x50: {  	_ =	shalt  }
0x51: {  	_ =	shalt  }
0x52: {  	_ =	shalt  }
0x53: {  	_ =	shalt  }
0x54: {  	_ =	shalt  }
0x55: {  	_ =	shalt  }
0x56: {  	_ =	shalt  }
0x57: {  	_ =	shalt  }
0x58: {  	_ =	shalt  }
0x59: {  	_ =	shalt  }
0x5a: {  	_ =	shalt  }
0x5b: {  	_ =	shalt  }
0x5c: {  	_ =	shalt  }
0x5d: {  	_ =	shalt  }
0x5e: {  	_ =	shalt  }
0x5f: {  	_ =	shalt  }
0x60: {  	_ =	shalt  }
0x61: {  	_ =	shalt  }
0x62: {  	_ =	shalt  }
0x63: {  	_ =	shalt  }
0x64: {  	_ =	shalt  }
0x65: {  	_ =	shalt  }
0x66: {  	_ =	shalt  }
0x67: {  	_ =	shalt  }
0x68: {  	_ =	shalt  }
0x69: {  	_ =	shalt  }
0x6a: {  	_ =	shalt  }
0x6b: {  	_ =	shalt  }
0x6c: {  	_ =	shalt  }
0x6d: {  	_ =	shalt  }
0x6e: {  	_ =	shalt  }
0x6f: {  	_ =	shalt  }
0x70: {  	_ =	shalt  }
0x71: {  	_ =	shalt  }
0x72: {  	_ =	shalt  }
0x73: {  	_ =	shalt  }
0x74: {  	_ =	shalt  }
0x75: {  	_ =	shalt  }
0x76: {  	_ =	shalt  }
0x77: {  	_ =	shalt  }
0x78: {  	_ =	shalt  }
0x79: {  	_ =	shalt  }
0x7a: {  	_ =	shalt  }
0x7b: {  	_ =	shalt  }
0x7c: {  	_ =	shalt  }
0x7d: {  	_ =	shalt  }
0x7e: {  	_ =	shalt  }
0x7f: {  	_ =	shalt  }
0x80: {  	_ =	shalt  }
0x81: {  	_ =	shalt  }
0x82: {  	_ =	shalt  }
0x83: {  	_ =	shalt  }
0x84: {  	_ =	shalt  }
0x85: {  	_ =	shalt  }
0x86: {  	_ =	shalt  }
0x87: {  	_ =	shalt  }
.Lfunc_end0:
.L_simem_size_0:
called_computation.1_lowered:
.L_overlay_start_0:
0x88: {  	s2 =	sld [smem:$0x3FD9]  }
0x89: {  	s3 =	sld [smem:$0x3FFE];
	_ =	sdelay $0x1  }
0x8a: {  	s1 =	srdreg.scid  }
0x8b: {  	s0 =	sand.u32 $0x1, s1  }
0x8c: {  	s17 =	sshll.u32 s0, $0xA;
	s2 =	sadd.s32 s3, s2  }
0x8d: {  	s2 =	sadd.s32 s2, s17  }
0x8e: {  	[smem:$0x3FC2] =	sst s2  }
0x8f: {  	_ = 	snop  }
0x90: {  	s2 =	sld [smem:$0x3FD0];
	(tm) =	ssettm $0x1  }
0x91: {  	s18 =	sld [smem:$0x3FFB];
	_ =	sdelay $0x3  }
0x92: {  	_ =	strace s18  }
0x93: {  	s3 =	sld [smem:$0x3FFC];
	_ =	sdelay $0x3  }
0x94: {  	_ =	strace s3  }
0x95: {  	s3 =	sld [smem:$0x3FFD];
	_ =	sdelay $0x3  }
0x96: {  	_ =	strace s3  }
0x97: {  	_ =	strace $0x8FFFFFFF  }
0x98: {  	s19 =	sld [smem:$0x3FDB];
	_ =	sdelay $0x1  }
0x99: {  	s4 =	simm.s32 $_scs_section_size  }
0x9a: {  	s5 =	simm.s32 $_size__tile_overlayer_lowered;
	s6 =	simm.s32 $_tile_overlayer_lowered  }
0x9b: {  	s22 =	simm.s32 $0x1BFF;
	s21 =	sshll.u32 s6, $0x1;
	s3 =	sadd.s32 s4, s19  }
0x9c: {  	s7 =	simm.s32 $0x0;
	s20 =	sshll.u32 s5, $0x1;
	s5 =	sadd.s32 s21, s3  }
0x9d: {  	[timem:s7], [sflag:s22] =	dma.local [hbm:s5], s20  }
0x9e: {  	_ =	swait.ge [sflag:s22], s20  }
0x9f: {  	s4 =	ssub.s32 $0x0, s20;
	[sflag:s22] =	ssyncset.done $0x0  }
0xa0: {  	[sflag:s22] =	ssyncadd.s32 s4;
	_ =	sdelay $0x1  }
0xa1: {  	s23 =	simm.s32 $0x1B8B  }
0xa2: {  	_ =	swait.ge [sflag:s23], $0x1  }
0xa3: {  	[sflag:s23] =	ssyncset.done $0x0  }
0xa4: {  	s25 =	simm.s32 $0x1B8E;
	s24 =	sld [smem:$0x3FFE];
	[sflag:s23] =	ssyncadd.s32 $0xFFFFFFFF  }
0xa5: {  	s26 =	simm.s32 $execute0_lowered;
	[smem:$0x3FD2] =	sst s25  }
0xa6: {  	s5 =	sshll.u32 s26, $0x1;
	_ =	strace $0x80000049;
	[dreg:$0x1] =	wrdreg $0xFFFFFFFF  }
0xa7: {  	s28 =	simm.s32 $_size_execute0_lowered;
	s3 =	sadd.s32 s3, s5;
	[dreg:$0x0] =	wrdreg $0x0  }
0xa8: {  	s5 =	sshll.u32 s28, $0x1;
	[dreg:$0x2] =	wrdreg s3  }
0xa9: {  	[dreg:$0x3] =	wrdreg s5  }
0xaa: {  	[dreg:$0x4] =	wrdreg $0xC0  }
0xab: {  	_ =	task [dreg:s7], $0x5FFFF  }
0xac: {  	[dreg:$0x1] =	wrdreg $0xFFFFFFFF  }
0xad: {  	[dreg:$0x0] =	wrdreg $0x60  }
0xae: {  	[dreg:$0x2] =	wrdreg s24  }
0xaf: {  	[dreg:$0x3] =	wrdreg s2  }
0xb0: {  	[dreg:$0x4] =	wrdreg $0xC0000  }
0xb1: {  	[dreg:$0x5] =	wrdreg $0x9  }
0xb2: {  	_ =	task.clear_ibuf [dreg:s7], $0x6FFFF;
	_ =	strace $0x90000049  }
0xb3: {  	s29 =	simm.s32 $0x9;
	_ =	strace $0x8000004B  }
0xb4: {  	_ =	swait.ge [sflag:s29], $0x1  }
0xb5: {  	[sflag:s29] =	ssyncadd.s32 $0xFFFFFFFF  }
0xb6: {  	_ =	strace $0x9000004B  }
0xb7: {  	_ =	sfence  }
0xb8: {  	s30 =	sld [smem:$0x0];
	_ =	sdelay $0x2  }
0xb9: {  	s31 =	sshll.u32 s1, $0xD;
	s1 =	sshrl.u32 s1, $0x2  }
0xba: {  	s3 =	sand.u32 $0x4000, s31;
	s1 =	sadd.s32 s1, s30  }
0xbb: {  	s0 =	sor.u32 s3, s0;
	s1 =	sshll.u32 s1, $0x11  }
0xbc: {  	s0 =	sor.u32 s1, s0  }
0xbd: {  	s0 =	sadd.s32 $0x8F2B, s0  }
0xbe: {  	[sflag:s0] =	ssyncadd.remote.s32 $0x1  }
0xbf: {  	_ =	sfence.sel $0xFFFF  }
0xc0: {  	[dreg:$0x0] =	wrdreg $0xFFFFFFFF;
	(pc) =	sbr.abs _section_cstart, $3  }
0xc1: {  	[dreg:$0x1] =	wrdreg $0xFFFFFFFF  }
0xc2: {  	_ =	task.clear_ibuf [dreg:s7], $0x2FFFF;
	_ =	strace $0x9FFFFFFF  }
0xc3: {  	(tm) =	ssettm $0x7FFFFFFF  }
tec
execute0_lowered:
.L_overlay_start_1:
0x0: {  	(tag) =	ssettag $0x1  }
0x1: {  	s0 =	rddreg [dreg:$0x0]  }
0x2: {  	s1 =	rddreg [dreg:$0x1]  }
0x3: {  	s3 =	rddreg [dreg:$0x2];
	s4 =	simm.s32 $0x0  }
0x4: {  	s10 =	stileid.u32;
	s5 =	srdreg.scid;
	s11 =	simm.s32 $0x100  }
0x5: {  	s15 =	simm.s32 $0x180;
	s29 =	simm.s32 $0x9800;
	s30 =	simm.s32 $0x1  }
0x6: {  	s31 =	simm.s32 $0x2;
	s12 =	simm.s32 $0x6;
	s14 =	simm.s32 $0x7  }
0x7: {  	s16 =	simm.s32 $0x8;
	s28 =	simm.s32 $0x0;
	s2 =	smul.u32 $0xA00, s10  }
0x8: {  	[smem:$0x7FF] =	sst s4;
	s6 =	sand.u32 $0x1, s5;
	s7 =	smul.u32 $0x50000, s10  }
0x9: {  	s5 =	sadd.s32 $0x68200, s0;
	s9 =	sadd.s32 $0x90200, s0;
	s19 =	smul.u32 $0x2800, s10  }
0xa: {  	s10 =	simm.s32 $0x5;
	_ =	strace $0x8000004A;
	s8 =	ssub.s32 $0x2, s6  }
0xb: {  	[dreg:$0x4] =	wrdreg s9;
	s2 =	sadd.s32 s2, s0;
	s17 =	sshrl.u32 s8, $0x1  }
0xc: {  	s7 =	sshrl.u32 s7, $0x2;
	s0 =	sadd.s32 $0xB8200, s0;
	[dreg:$0x7] =	wrdreg s19  }
0xd: {  	[dreg:$0x5] =	wrdreg s0;
	s18 =	ssub.s32 s8, s17;
	s13 =	sadd.s32 s7, s3  }
0xe: {  	p0 =	sne.s32 s6, $0x0;
	s0 =	smax.u32 s18, $0x1;
	[dreg:$0x6] =	wrdreg s13  }
0xf: {  	s6 =	simm.s32 $0x3;
	s20 =	sadd.s32 $0x2800, s13;
	[dreg:$0x8] =	wrdreg s0  }
0x10: {  	s19 =	simm.s32 $0x2000;
	s21 =	sadd.s32 $0x5000, s13;
	[dreg:$0x9] =	wrdreg s20  }
0x11: {  	s8 =	simm.s32 $0x1080;
	s22 =	sadd.s32 $0x7800, s13;
	[dreg:$0xa] =	wrdreg s21  }
0x12: {  	s17 =	simm.s32 $0x1100;
	s23 =	sadd.s32 $0xA000, s13;
	[dreg:$0xb] =	wrdreg s22  }
0x13: {  	s24 =	sadd.s32 $0xC800, s13;
	s25 =	sadd.s32 $0xF000, s13;
	[dreg:$0xc] =	wrdreg s23  }
.Ltmp0:
0x14: {  	s26 =	sadd.s32 $0x11800, s13;
	[dreg:$0xd] =	wrdreg s24;
	(pc) =	sbr.rel .LBB2_1-.Ltmp0, $4  }
0x15: {  	s18 =	sadd.s32 $0x4200, s2;
	s2 =	simm.s32 $0x4;
	[dreg:$0xe] =	wrdreg s25  }
0x16: {  	[dreg:$0xf] =	wrdreg s26;
	s20 =	simm.s32 $0x9;
	s21 =	simm.s32 $0x1000  }
0x17: {  	s22 =	simm.s32 $0x50;
	s24 =	simm.s32 $0x4800;
	s26 =	simm.s32 $0x7000  }
0x18: {  	v0 =	vimm.f32 $0.0e+00;
	s23 =	simm.s32 $0x1180;
	s25 =	simm.s32 $0x200;
	s0 =	simm.s32 $0x280  }
.LBB2_9:
0x19: {  	s7 =	sadd.s32 s7, s18;
	[sflag:s16] =	ssyncadd.s32 $0xFFFFD800  }
0x1a: {  	[tilespmem:s4], [sflag:$0x9] =	stream.linear.gather [hbm4b:s7+s4], $0xC80, $0x38;
	v63 =	vld [tilespmem:$0x0]  }
0x1b: {  	_ =	swait.ge [sflag:s20], $0xC80  }
0x1c: {  	[sflag:s20] =	ssyncset.done $0x0  }
0x1d: {  	s7 =	sadd.s32 $0xA000, s7;
	[sflag:s20] =	ssyncadd.s32 $0xFFFFF380  }
0x1e: {  	[tilespmem:s21], [sflag:$0x9] =	stream.linear.gather [hbm4b:s7+s4], $0xC80, $0x38;
	v63 =	vld [tilespmem:$0x0]  }
0x1f: {  	_ =	swait.ge [sflag:s20], $0xC80  }
0x20: {  	[sflag:s20] =	ssyncset.done $0x0  }
0x21: {  	[sflag:s20] =	ssyncadd.s32 $0xFFFFF380  }
0x22: {  	[tilespmem:s19], [sflag:$0x1] =	stream.indirect.gather [hbm4b:s5+s22], $0x80, s4, s22, $0xb8;
	v63 =	vld [tilespmem:$0x0]  }
0x23: {  	_ = 	snop  }
0x24: {  	[tilespmem:s24], [sflag:$0x2] =	stream.indirect.gather [hbm4b:s5+s22], $0x80, s13, s22, $0xb8;
	v63 =	vld [tilespmem:$0x0]  }
0x25: {  	_ = 	snop  }
0x26: {  	[tilespmem:s26], [sflag:$0x3] =	stream.indirect.gather [hbm4b:s5+s22], $0x80, s15, s22, $0xb8;
	v63 =	vld [tilespmem:$0x0]  }
0x27: {  	_ = 	snop  }
0x28: {  	[tilespmem:s29], [sflag:$0x4] =	stream.indirect.gather [hbm4b:s5+s22], $0x80, s17, s22, $0xb8;
	v63 =	vld [tilespmem:$0x0]  }
0x29: {  	_ =	swait.ge [sflag:s30], $0x2800  }
0x2a: {  	[sflag:s30] =	ssyncset.done $0x0  }
0x2b: {  	[sflag:s30] =	ssyncadd.s32 $0xFFFFD800  }
0x2c: {  	[spmem:s3] =	stream.indirect.scatter.add.f32 [tilespmem:s19], [sflag:$0x5], $0x80, s21, s22, $0xb8;
	v63 =	vld [tilespmem:$0x0]  }
0x2d: {  	_ =	swait.ge [sflag:s31], $0x2800  }
0x2e: {  	[sflag:s31] =	ssyncset.done $0x0  }
0x2f: {  	[sflag:s31] =	ssyncadd.s32 $0xFFFFD800  }
0x30: {  	[spmem:s3] =	stream.indirect.scatter.add.f32 [tilespmem:s24], [sflag:$0x6], $0x80, s8, s22, $0xb8;
	v63 =	vld [tilespmem:$0x0]  }
0x31: {  	_ =	swait.ge [sflag:s6], $0x2800  }
0x32: {  	[sflag:s6] =	ssyncset.done $0x0  }
0x33: {  	[sflag:s6] =	ssyncadd.s32 $0xFFFFD800  }
0x34: {  	[spmem:s3] =	stream.indirect.scatter.add.f32 [tilespmem:s26], [sflag:$0x7], $0x80, s23, s22, $0xb8;
	v63 =	vld [tilespmem:$0x0]  }
0x35: {  	_ =	swait.ge [sflag:s2], $0x2800  }
0x36: {  	[sflag:s2] =	ssyncset.done $0x0  }
0x37: {  	[sflag:s2] =	ssyncadd.s32 $0xFFFFD800  }
0x38: {  	[spmem:s3] =	stream.indirect.scatter.add.f32 [tilespmem:s29], [sflag:$0x8], $0x80, s25, s22, $0xb8;
	v63 =	vld [tilespmem:$0x0]  }
0x39: {  	_ =	swait.ge [sflag:s10], $0x2800  }
0x3a: {  	[sflag:s10] =	ssyncset.done $0x0  }
0x3b: {  	[sflag:s10] =	ssyncadd.s32 $0xFFFFD800  }
0x3c: {  	[tilespmem:s19], [sflag:$0x1] =	stream.indirect.gather [hbm4b:s5+s22], $0x80, s28, s22, $0xb8;
	v63 =	vld [tilespmem:$0x0]  }
0x3d: {  	_ =	swait.ge [sflag:s12], $0x2800  }
0x3e: {  	[sflag:s12] =	ssyncset.done $0x0  }
0x3f: {  	[sflag:s12] =	ssyncadd.s32 $0xFFFFD800  }
0x40: {  	[tilespmem:s24], [sflag:$0x2] =	stream.indirect.gather [hbm4b:s5+s22], $0x80, s0, s22, $0xb8;
	v63 =	vld [tilespmem:$0x0]  }
0x41: {  	_ =	swait.ge [sflag:s14], $0x2800  }
0x42: {  	[sflag:s14] =	ssyncset.done $0x0  }
0x43: {  	s15 =	simm.s32 $0x300;
	[sflag:s14] =	ssyncadd.s32 $0xFFFFD800  }
0x44: {  	[tilespmem:s26], [sflag:$0x3] =	stream.indirect.gather [hbm4b:s5+s22], $0x80, s15, s22, $0xb8;
	v63 =	vld [tilespmem:$0x0]  }
0x45: {  	_ =	swait.ge [sflag:s16], $0x2800  }
0x46: {  	[sflag:s16] =	ssyncset.done $0x0  }
0x47: {  	s17 =	simm.s32 $0x380;
	[sflag:s16] =	ssyncadd.s32 $0xFFFFD800  }
0x48: {  	[tilespmem:s29], [sflag:$0x4] =	stream.indirect.gather [hbm4b:s5+s22], $0x80, s17, s22, $0xb8;
	v63 =	vld [tilespmem:$0x0]  }
0x49: {  	_ =	swait.ge [sflag:s30], $0x2800  }
0x4a: {  	[sflag:s30] =	ssyncset.done $0x0  }
0x4b: {  	s23 =	simm.s32 $0x1200;
	[sflag:s30] =	ssyncadd.s32 $0xFFFFD800  }
0x4c: {  	[spmem:s3] =	stream.indirect.scatter.add.f32 [tilespmem:s19], [sflag:$0x5], $0x80, s23, s22, $0xb8;
	v63 =	vld [tilespmem:$0x0]  }
0x4d: {  	_ =	swait.ge [sflag:s31], $0x2800  }
0x4e: {  	[sflag:s31] =	ssyncset.done $0x0  }
0x4f: {  	s25 =	simm.s32 $0x1280;
	[sflag:s31] =	ssyncadd.s32 $0xFFFFD800  }
0x50: {  	[spmem:s3] =	stream.indirect.scatter.add.f32 [tilespmem:s24], [sflag:$0x6], $0x80, s25, s22, $0xb8;
	v63 =	vld [tilespmem:$0x0]  }
0x51: {  	_ =	swait.ge [sflag:s6], $0x2800  }
0x52: {  	[sflag:s6] =	ssyncset.done $0x0  }
0x53: {  	s7 =	simm.s32 $0x1300;
	[sflag:s6] =	ssyncadd.s32 $0xFFFFD800  }
0x54: {  	[spmem:s3] =	stream.indirect.scatter.add.f32 [tilespmem:s26], [sflag:$0x7], $0x80, s7, s22, $0xb8;
	v63 =	vld [tilespmem:$0x0]  }
0x55: {  	_ =	swait.ge [sflag:s2], $0x2800  }
0x56: {  	[sflag:s2] =	ssyncset.done $0x0  }
0x57: {  	s8 =	simm.s32 $0x1380;
	[sflag:s2] =	ssyncadd.s32 $0xFFFFD800  }
0x58: {  	[spmem:s3] =	stream.indirect.scatter.add.f32 [tilespmem:s29], [sflag:$0x8], $0x80, s8, s22, $0xb8;
	v63 =	vld [tilespmem:$0x0]  }
0x59: {  	_ =	swait.ge [sflag:s10], $0x2800  }
0x5a: {  	[sflag:s10] =	ssyncset.done $0x0  }
0x5b: {  	s9 =	simm.s32 $0x400;
	[sflag:s10] =	ssyncadd.s32 $0xFFFFD800  }
0x5c: {  	[tilespmem:s19], [sflag:$0x1] =	stream.indirect.gather [hbm4b:s5+s22], $0x80, s9, s22, $0xb8;
	v63 =	vld [tilespmem:$0x0]  }
0x5d: {  	_ =	swait.ge [sflag:s12], $0x2800  }
0x5e: {  	[sflag:s12] =	ssyncset.done $0x0  }
0x5f: {  	s11 =	simm.s32 $0x480;
	[sflag:s12] =	ssyncadd.s32 $0xFFFFD800  }
0x60: {  	[tilespmem:s24], [sflag:$0x2] =	stream.indirect.gather [hbm4b:s5+s22], $0x80, s11, s22, $0xb8;
	v63 =	vld [tilespmem:$0x0]  }
0x61: {  	_ =	swait.ge [sflag:s14], $0x2800  }
0x62: {  	[sflag:s14] =	ssyncset.done $0x0  }
0x63: {  	s13 =	simm.s32 $0x500;
	[sflag:s14] =	ssyncadd.s32 $0xFFFFD800  }
0x64: {  	[tilespmem:s26], [sflag:$0x3] =	stream.indirect.gather [hbm4b:s5+s22], $0x80, s13, s22, $0xb8;
	v63 =	vld [tilespmem:$0x0]  }
0x65: {  	_ =	swait.ge [sflag:s16], $0x2800  }
0x66: {  	[sflag:s16] =	ssyncset.done $0x0  }
0x67: {  	s15 =	simm.s32 $0x580;
	[sflag:s16] =	ssyncadd.s32 $0xFFFFD800  }
0x68: {  	[tilespmem:s29], [sflag:$0x4] =	stream.indirect.gather [hbm4b:s5+s22], $0x80, s15, s22, $0xb8;
	v63 =	vld [tilespmem:$0x0]  }
0x69: {  	_ =	swait.ge [sflag:s30], $0x2800  }
0x6a: {  	[sflag:s30] =	ssyncset.done $0x0  }
0x6b: {  	s17 =	simm.s32 $0x1400;
	[sflag:s30] =	ssyncadd.s32 $0xFFFFD800  }
0x6c: {  	[spmem:s3] =	stream.indirect.scatter.add.f32 [tilespmem:s19], [sflag:$0x5], $0x80, s17, s22, $0xb8;
	v63 =	vld [tilespmem:$0x0]  }
0x6d: {  	_ =	swait.ge [sflag:s31], $0x2800  }
0x6e: {  	[sflag:s31] =	ssyncset.done $0x0  }
0x6f: {  	s23 =	simm.s32 $0x1480;
	[sflag:s31] =	ssyncadd.s32 $0xFFFFD800  }
0x70: {  	[spmem:s3] =	stream.indirect.scatter.add.f32 [tilespmem:s24], [sflag:$0x6], $0x80, s23, s22, $0xb8;
	v63 =	vld [tilespmem:$0x0]  }
0x71: {  	_ =	swait.ge [sflag:s6], $0x2800  }
0x72: {  	[sflag:s6] =	ssyncset.done $0x0  }
0x73: {  	s25 =	simm.s32 $0x1500;
	[sflag:s6] =	ssyncadd.s32 $0xFFFFD800  }
0x74: {  	[spmem:s3] =	stream.indirect.scatter.add.f32 [tilespmem:s26], [sflag:$0x7], $0x80, s25, s22, $0xb8;
	v63 =	vld [tilespmem:$0x0]  }
0x75: {  	_ =	swait.ge [sflag:s2], $0x2800  }
0x76: {  	[sflag:s2] =	ssyncset.done $0x0  }
0x77: {  	s7 =	simm.s32 $0x1580;
	[sflag:s2] =	ssyncadd.s32 $0xFFFFD800  }
0x78: {  	[spmem:s3] =	stream.indirect.scatter.add.f32 [tilespmem:s29], [sflag:$0x8], $0x80, s7, s22, $0xb8;
	v63 =	vld [tilespmem:$0x0]  }
0x79: {  	_ =	swait.ge [sflag:s10], $0x2800  }
0x7a: {  	[sflag:s10] =	ssyncset.done $0x0  }
0x7b: {  	s8 =	simm.s32 $0x600;
	[sflag:s10] =	ssyncadd.s32 $0xFFFFD800  }
0x7c: {  	[tilespmem:s19], [sflag:$0x1] =	stream.indirect.gather [hbm4b:s5+s22], $0x80, s8, s22, $0xb8;
	v63 =	vld [tilespmem:$0x0]  }
0x7d: {  	_ =	swait.ge [sflag:s12], $0x2800  }
0x7e: {  	[sflag:s12] =	ssyncset.done $0x0  }
0x7f: {  	s9 =	simm.s32 $0x680;
	[sflag:s12] =	ssyncadd.s32 $0xFFFFD800  }
0x80: {  	[tilespmem:s24], [sflag:$0x2] =	stream.indirect.gather [hbm4b:s5+s22], $0x80, s9, s22, $0xb8;
	v63 =	vld [tilespmem:$0x0]  }
0x81: {  	_ =	swait.ge [sflag:s14], $0x2800  }
0x82: {  	[sflag:s14] =	ssyncset.done $0x0  }
0x83: {  	s11 =	simm.s32 $0x700;
	[sflag:s14] =	ssyncadd.s32 $0xFFFFD800  }
0x84: {  	[tilespmem:s26], [sflag:$0x3] =	stream.indirect.gather [hbm4b:s5+s22], $0x80, s11, s22, $0xb8;
	v63 =	vld [tilespmem:$0x0]  }
0x85: {  	_ =	swait.ge [sflag:s16], $0x2800  }
0x86: {  	[sflag:s16] =	ssyncset.done $0x0  }
0x87: {  	s13 =	simm.s32 $0x780;
	[sflag:s16] =	ssyncadd.s32 $0xFFFFD800  }
0x88: {  	[tilespmem:s29], [sflag:$0x4] =	stream.indirect.gather [hbm4b:s5+s22], $0x80, s13, s22, $0xb8;
	v63 =	vld [tilespmem:$0x0]  }
0x89: {  	_ =	swait.ge [sflag:s30], $0x2800  }
0x8a: {  	[sflag:s30] =	ssyncset.done $0x0  }
0x8b: {  	s15 =	simm.s32 $0x1600;
	[sflag:s30] =	ssyncadd.s32 $0xFFFFD800  }
0x8c: {  	[spmem:s3] =	stream.indirect.scatter.add.f32 [tilespmem:s19], [sflag:$0x5], $0x80, s15, s22, $0xb8;
	v63 =	vld [tilespmem:$0x0]  }
0x8d: {  	_ =	swait.ge [sflag:s31], $0x2800  }
0x8e: {  	[sflag:s31] =	ssyncset.done $0x0  }
0x8f: {  	s17 =	simm.s32 $0x1680;
	[sflag:s31] =	ssyncadd.s32 $0xFFFFD800  }
0x90: {  	[spmem:s3] =	stream.indirect.scatter.add.f32 [tilespmem:s24], [sflag:$0x6], $0x80, s17, s22, $0xb8;
	v63 =	vld [tilespmem:$0x0]  }
0x91: {  	_ =	swait.ge [sflag:s6], $0x2800  }
0x92: {  	[sflag:s6] =	ssyncset.done $0x0  }
0x93: {  	s23 =	simm.s32 $0x1700;
	[sflag:s6] =	ssyncadd.s32 $0xFFFFD800  }
0x94: {  	[spmem:s3] =	stream.indirect.scatter.add.f32 [tilespmem:s26], [sflag:$0x7], $0x80, s23, s22, $0xb8;
	v63 =	vld [tilespmem:$0x0]  }
0x95: {  	_ =	swait.ge [sflag:s2], $0x2800  }
0x96: {  	[sflag:s2] =	ssyncset.done $0x0  }
0x97: {  	s25 =	simm.s32 $0x1780;
	[sflag:s2] =	ssyncadd.s32 $0xFFFFD800  }
0x98: {  	[spmem:s3] =	stream.indirect.scatter.add.f32 [tilespmem:s29], [sflag:$0x8], $0x80, s25, s22, $0xb8;
	v63 =	vld [tilespmem:$0x0]  }
0x99: {  	_ =	swait.ge [sflag:s10], $0x2800  }
0x9a: {  	[sflag:s10] =	ssyncset.done $0x0  }
0x9b: {  	s7 =	simm.s32 $0x800;
	[sflag:s10] =	ssyncadd.s32 $0xFFFFD800  }
0x9c: {  	[tilespmem:s19], [sflag:$0x1] =	stream.indirect.gather [hbm4b:s5+s22], $0x80, s7, s22, $0xb8;
	v63 =	vld [tilespmem:$0x0]  }
0x9d: {  	_ =	swait.ge [sflag:s12], $0x2800  }
0x9e: {  	[sflag:s12] =	ssyncset.done $0x0  }
0x9f: {  	s8 =	simm.s32 $0x880;
	[sflag:s12] =	ssyncadd.s32 $0xFFFFD800  }
0xa0: {  	[tilespmem:s24], [sflag:$0x2] =	stream.indirect.gather [hbm4b:s5+s22], $0x80, s8, s22, $0xb8;
	v63 =	vld [tilespmem:$0x0]  }
0xa1: {  	_ =	swait.ge [sflag:s14], $0x2800  }
0xa2: {  	[sflag:s14] =	ssyncset.done $0x0  }
0xa3: {  	s9 =	simm.s32 $0x900;
	[sflag:s14] =	ssyncadd.s32 $0xFFFFD800  }
0xa4: {  	[tilespmem:s26], [sflag:$0x3] =	stream.indirect.gather [hbm4b:s5+s22], $0x80, s9, s22, $0xb8;
	v63 =	vld [tilespmem:$0x0]  }
0xa5: {  	_ =	swait.ge [sflag:s16], $0x2800  }
0xa6: {  	[sflag:s16] =	ssyncset.done $0x0  }
0xa7: {  	s11 =	simm.s32 $0x980;
	[sflag:s16] =	ssyncadd.s32 $0xFFFFD800  }
0xa8: {  	[tilespmem:s29], [sflag:$0x4] =	stream.indirect.gather [hbm4b:s5+s22], $0x80, s11, s22, $0xb8;
	v63 =	vld [tilespmem:$0x0]  }
0xa9: {  	_ =	swait.ge [sflag:s30], $0x2800  }
0xaa: {  	[sflag:s30] =	ssyncset.done $0x0  }
0xab: {  	s13 =	simm.s32 $0x1800;
	[sflag:s30] =	ssyncadd.s32 $0xFFFFD800  }
0xac: {  	[spmem:s3] =	stream.indirect.scatter.add.f32 [tilespmem:s19], [sflag:$0x5], $0x80, s13, s22, $0xb8;
	v63 =	vld [tilespmem:$0x0]  }
0xad: {  	_ =	swait.ge [sflag:s31], $0x2800  }
0xae: {  	[sflag:s31] =	ssyncset.done $0x0  }
0xaf: {  	s15 =	simm.s32 $0x1880;
	[sflag:s31] =	ssyncadd.s32 $0xFFFFD800  }
0xb0: {  	[spmem:s3] =	stream.indirect.scatter.add.f32 [tilespmem:s24], [sflag:$0x6], $0x80, s15, s22, $0xb8;
	v63 =	vld [tilespmem:$0x0]  }
0xb1: {  	_ =	swait.ge [sflag:s6], $0x2800  }
0xb2: {  	[sflag:s6] =	ssyncset.done $0x0  }
0xb3: {  	s17 =	simm.s32 $0x1900;
	[sflag:s6] =	ssyncadd.s32 $0xFFFFD800  }
0xb4: {  	[spmem:s3] =	stream.indirect.scatter.add.f32 [tilespmem:s26], [sflag:$0x7], $0x80, s17, s22, $0xb8;
	v63 =	vld [tilespmem:$0x0]  }
0xb5: {  	_ =	swait.ge [sflag:s2], $0x2800  }
0xb6: {  	[sflag:s2] =	ssyncset.done $0x0  }
0xb7: {  	s23 =	simm.s32 $0x1980;
	[sflag:s2] =	ssyncadd.s32 $0xFFFFD800  }
0xb8: {  	[spmem:s3] =	stream.indirect.scatter.add.f32 [tilespmem:s29], [sflag:$0x8], $0x80, s23, s22, $0xb8;
	v63 =	vld [tilespmem:$0x0]  }
0xb9: {  	_ =	swait.ge [sflag:s10], $0x2800  }
0xba: {  	[sflag:s10] =	ssyncset.done $0x0  }
0xbb: {  	s25 =	simm.s32 $0xA00;
	[sflag:s10] =	ssyncadd.s32 $0xFFFFD800  }
0xbc: {  	[tilespmem:s19], [sflag:$0x1] =	stream.indirect.gather [hbm4b:s5+s22], $0x80, s25, s22, $0xb8;
	v63 =	vld [tilespmem:$0x0]  }
0xbd: {  	_ =	swait.ge [sflag:s12], $0x2800  }
0xbe: {  	[sflag:s12] =	ssyncset.done $0x0  }
0xbf: {  	s7 =	simm.s32 $0xA80;
	[sflag:s12] =	ssyncadd.s32 $0xFFFFD800  }
0xc0: {  	[tilespmem:s24], [sflag:$0x2] =	stream.indirect.gather [hbm4b:s5+s22], $0x80, s7, s22, $0xb8;
	v63 =	vld [tilespmem:$0x0]  }
0xc1: {  	_ =	swait.ge [sflag:s14], $0x2800  }
0xc2: {  	[sflag:s14] =	ssyncset.done $0x0  }
0xc3: {  	s8 =	simm.s32 $0xB00;
	[sflag:s14] =	ssyncadd.s32 $0xFFFFD800  }
0xc4: {  	[tilespmem:s26], [sflag:$0x3] =	stream.indirect.gather [hbm4b:s5+s22], $0x80, s8, s22, $0xb8;
	v63 =	vld [tilespmem:$0x0]  }
0xc5: {  	_ =	swait.ge [sflag:s16], $0x2800  }
0xc6: {  	[sflag:s16] =	ssyncset.done $0x0  }
0xc7: {  	s9 =	simm.s32 $0xB80;
	[sflag:s16] =	ssyncadd.s32 $0xFFFFD800  }
0xc8: {  	[tilespmem:s29], [sflag:$0x4] =	stream.indirect.gather [hbm4b:s5+s22], $0x80, s9, s22, $0xb8;
	v63 =	vld [tilespmem:$0x0]  }
0xc9: {  	_ =	swait.ge [sflag:s30], $0x2800  }
0xca: {  	[sflag:s30] =	ssyncset.done $0x0  }
0xcb: {  	s11 =	simm.s32 $0x1A00;
	[sflag:s30] =	ssyncadd.s32 $0xFFFFD800  }
0xcc: {  	[spmem:s3] =	stream.indirect.scatter.add.f32 [tilespmem:s19], [sflag:$0x5], $0x80, s11, s22, $0xb8;
	v63 =	vld [tilespmem:$0x0]  }
0xcd: {  	_ =	swait.ge [sflag:s10], $0x2800  }
0xce: {  	[sflag:s10] =	ssyncset.done $0x0  }
0xcf: {  	s13 =	simm.s32 $0xC00;
	[sflag:s10] =	ssyncadd.s32 $0xFFFFD800  }
0xd0: {  	[tilespmem:s19], [sflag:$0x1] =	stream.indirect.gather [hbm4b:s5+s22], $0x80, s13, s22, $0xb8;
	v63 =	vld [tilespmem:$0x0]  }
0xd1: {  	_ =	swait.ge [sflag:s31], $0x2800  }
0xd2: {  	[sflag:s31] =	ssyncset.done $0x0  }
0xd3: {  	s15 =	simm.s32 $0x1A80;
	[sflag:s31] =	ssyncadd.s32 $0xFFFFD800  }
0xd4: {  	[spmem:s3] =	stream.indirect.scatter.add.f32 [tilespmem:s24], [sflag:$0x6], $0x80, s15, s22, $0xb8;
	v63 =	vld [tilespmem:$0x0]  }
0xd5: {  	_ =	swait.ge [sflag:s6], $0x2800  }
0xd6: {  	[sflag:s6] =	ssyncset.done $0x0  }
0xd7: {  	s17 =	simm.s32 $0x1B00;
	[sflag:s6] =	ssyncadd.s32 $0xFFFFD800  }
0xd8: {  	[spmem:s3] =	stream.indirect.scatter.add.f32 [tilespmem:s26], [sflag:$0x7], $0x80, s17, s22, $0xb8;
	v63 =	vld [tilespmem:$0x0]  }
0xd9: {  	_ =	swait.ge [sflag:s2], $0x2800  }
0xda: {  	[sflag:s2] =	ssyncset.done $0x0  }
0xdb: {  	s23 =	simm.s32 $0x1B80;
	[sflag:s2] =	ssyncadd.s32 $0xFFFFD800  }
0xdc: {  	[spmem:s3] =	stream.indirect.scatter.add.f32 [tilespmem:s29], [sflag:$0x8], $0x80, s23, s22, $0xb8;
	v63 =	vld [tilespmem:$0x0]  }
0xdd: {  	_ =	swait.ge [sflag:s30], $0x2800  }
0xde: {  	[sflag:s30] =	ssyncset.done $0x0  }
0xdf: {  	s25 =	simm.s32 $0x1C00;
	[sflag:s30] =	ssyncadd.s32 $0xFFFFD800  }
0xe0: {  	[spmem:s3] =	stream.indirect.scatter.add.f32 [tilespmem:s19], [sflag:$0x5], $0x80, s25, s22, $0xb8;
	v63 =	vld [tilespmem:$0x0]  }
0xe1: {  	_ =	swait.ge [sflag:s10], $0x2800  }
0xe2: {  	[sflag:s10] =	ssyncset.done $0x0  }
0xe3: {  	[sflag:s10] =	ssyncadd.s32 $0xFFFFD800  }
0xe4: {  	_ =	swait.ge [sflag:s12], $0x2800  }
0xe5: {  	[sflag:s12] =	ssyncset.done $0x0  }
0xe6: {  	[sflag:s12] =	ssyncadd.s32 $0xFFFFD800  }
0xe7: {  	_ =	swait.ge [sflag:s14], $0x2800  }
0xe8: {  	[sflag:s14] =	ssyncset.done $0x0  }
0xe9: {  	s0 =	simm.s32 $0x280;
	s8 =	simm.s32 $0x1080;
	[sflag:s14] =	ssyncadd.s32 $0xFFFFD800  }
0xea: {  	s15 =	simm.s32 $0x180;
	s17 =	simm.s32 $0x1100;
	_ =	swait.ge [sflag:s16], $0x2800  }
0xeb: {  	s23 =	simm.s32 $0x1180;
	[sflag:s16] =	ssyncset.done $0x0;
	s7 =	rddreg [dreg:$0x5]  }
0xec: {  	s25 =	simm.s32 $0x200;
	s28 =	rddreg [dreg:$0x10];
	[sflag:s16] =	ssyncadd.s32 $0xFFFFD800  }
.LBB2_10:
0xed: {  	s9 =	rddreg [dreg:$0x7];
	s13 =	stileid.u32;
	[bflag:$0x0] =	sbarrier.arrive $0xFFFF  }
0xee: {  	s7 =	sadd.s32 s7, s9;
	s9 =	sshll.u32 s13, $0x6;
	s13 =	rddreg [dreg:$0x6]  }
0xef: {  	s9 =	sor.u32 $0x1C09, s9;
	s11 =	sshrl.u32 s13, $0x3  }
0xf0: {  	[hbm:s7], [sflag:s9] =	dma.local [spmem:s11], $0x2800  }
0xf1: {  	_ =	swait.ge [sflag:s20], $0x2800  }
0xf2: {  	s28 =	sadd.s32 $0x1, s28;
	s11 =	rddreg [dreg:$0x8]  }
0xf3: {  	p1 =	sne.s32 s28, s11  }
.Ltmp1:
0xf4: {  	_ = 	snop;
	(pc) =	sbr.rel @!p1 .LBB2_11-.Ltmp1, $3  }
0xf5: {  	_ =	sdelay $0x1  }
0xf6: {  	[sflag:s20] =	ssyncset.done $0x0  }
0xf7: {  	[sflag:s20] =	ssyncadd.s32 $0xFFFFD800;
	s11 =	simm.s32 $0x100  }
.LBB2_1:
0xf8: {  	[dreg:$0x10] =	wrdreg s28;
	s7 =	simm.s32 $0x0;
	s9 =	simm.s32 $0x200  }
.LBB2_2:
0xf9: {  	p1 =	sne.s32 s9, $0x9E00;
	[tilespmem:s7+$0x2070] =	vst v0  }
0xfa: {  	[tilespmem:s7+$0x2000] =	vst v0  }
0xfb: {  	[tilespmem:s7+$0x2010] =	vst v0  }
.Ltmp2:
0xfc: {  	[tilespmem:s7+$0x2020] =	vst v0;
	(pc) =	sbr.rel @p1 .LBB2_2-.Ltmp2, $4  }
0xfd: {  	[tilespmem:s7+$0x2030] =	vst v0  }
0xfe: {  	[tilespmem:s7+$0x2040] =	vst v0  }
0xff: {  	[tilespmem:s7+$0x2050] =	vst v0  }
0x100: {  	[tilespmem:s7+$0x2060] =	vst v0;
	s7 =	sshra.s32 s9, $0x2;
	s9 =	sadd.s32 $0x200, s9  }
0x101: {  	[tilespmem:s7+$0x2070] =	vst v0  }
0x102: {  	[tilespmem:s7+$0x2000] =	vst v0  }
0x103: {  	[tilespmem:s7+$0x2010] =	vst v0  }
0x104: {  	[tilespmem:s7+$0x2020] =	vst v0  }
0x105: {  	[tilespmem:s7+$0x2030] =	vst v0  }
0x106: {  	[tilespmem:s7+$0x2040] =	vst v0  }
0x107: {  	[tilespmem:s7+$0x2050] =	vst v0  }
0x108: {  	[tilespmem:s7+$0x2060] =	vst v0  }
0x109: {  	[spmem:s13] =	stream.linear.scatter [tilespmem:s19], [sflag:$0x9], $0x2800, $0x38;
	v63 =	vld [tilespmem:$0x0]  }
0x10a: {  	_ =	swait.ge [sflag:s20], $0x2800  }
0x10b: {  	[sflag:s20] =	ssyncset.done $0x0  }
0x10c: {  	s28 =	rddreg [dreg:$0x9];
	[sflag:s20] =	ssyncadd.s32 $0xFFFFD800  }
0x10d: {  	[spmem:s28] =	stream.linear.scatter [tilespmem:s19], [sflag:$0x9], $0x2800, $0x38;
	v63 =	vld [tilespmem:$0x0]  }
0x10e: {  	_ =	swait.ge [sflag:s20], $0x2800  }
0x10f: {  	[sflag:s20] =	ssyncset.done $0x0  }
0x110: {  	s9 =	rddreg [dreg:$0xa];
	[sflag:s20] =	ssyncadd.s32 $0xFFFFD800  }
0x111: {  	[spmem:s9] =	stream.linear.scatter [tilespmem:s19], [sflag:$0x9], $0x2800, $0x38;
	v63 =	vld [tilespmem:$0x0]  }
0x112: {  	_ =	swait.ge [sflag:s20], $0x2800  }
0x113: {  	[sflag:s20] =	ssyncset.done $0x0  }
0x114: {  	s13 =	rddreg [dreg:$0xb];
	[sflag:s20] =	ssyncadd.s32 $0xFFFFD800  }
0x115: {  	[spmem:s13] =	stream.linear.scatter [tilespmem:s19], [sflag:$0x9], $0x2800, $0x38;
	v63 =	vld [tilespmem:$0x0]  }
0x116: {  	_ =	swait.ge [sflag:s20], $0x2800  }
0x117: {  	[sflag:s20] =	ssyncset.done $0x0  }
0x118: {  	s28 =	rddreg [dreg:$0xc];
	[sflag:s20] =	ssyncadd.s32 $0xFFFFD800  }
0x119: {  	[spmem:s28] =	stream.linear.scatter [tilespmem:s19], [sflag:$0x9], $0x2800, $0x38;
	v63 =	vld [tilespmem:$0x0]  }
0x11a: {  	_ =	swait.ge [sflag:s20], $0x2800  }
0x11b: {  	[sflag:s20] =	ssyncset.done $0x0  }
0x11c: {  	s9 =	rddreg [dreg:$0xd];
	[sflag:s20] =	ssyncadd.s32 $0xFFFFD800  }
0x11d: {  	[spmem:s9] =	stream.linear.scatter [tilespmem:s19], [sflag:$0x9], $0x2800, $0x38;
	v63 =	vld [tilespmem:$0x0]  }
0x11e: {  	_ =	swait.ge [sflag:s20], $0x2800  }
0x11f: {  	[sflag:s20] =	ssyncset.done $0x0  }
0x120: {  	s13 =	rddreg [dreg:$0xe];
	[sflag:s20] =	ssyncadd.s32 $0xFFFFD800  }
0x121: {  	[spmem:s13] =	stream.linear.scatter [tilespmem:s19], [sflag:$0x9], $0x2800, $0x38;
	v63 =	vld [tilespmem:$0x0]  }
0x122: {  	_ =	swait.ge [sflag:s20], $0x2800  }
0x123: {  	[sflag:s20] =	ssyncset.done $0x0  }
0x124: {  	s28 =	rddreg [dreg:$0xf];
	[sflag:s20] =	ssyncadd.s32 $0xFFFFD800  }
0x125: {  	[spmem:s28] =	stream.linear.scatter [tilespmem:s19], [sflag:$0x9], $0x2800, $0x38;
	v63 =	vld [tilespmem:$0x0]  }
.Ltmp3:
0x126: {  	_ =	swait.ge [sflag:s20], $0x2800;
	(pc) =	sbr.rel @p0 .LBB2_7-.Ltmp3, $4  }
0x127: {  	[sflag:s20] =	ssyncset.done $0x0  }
0x128: {  	[sflag:s20] =	ssyncadd.s32 $0xFFFFD800  }
0x129: {  	[bflag:$0x0] =	sbarrier.arrive $0xFFFF  }
0x12a: {  	s7 =	sadd.s32 $0x0, s18  }
0x12b: {  	[tilespmem:s4], [sflag:$0x9] =	stream.linear.gather [hbm4b:s7+s4], $0xC80, $0x38;
	v63 =	vld [tilespmem:$0x0]  }
0x12c: {  	_ =	swait.ge [sflag:s20], $0xC80  }
0x12d: {  	[sflag:s20] =	ssyncset.done $0x0  }
0x12e: {  	s9 =	sadd.s32 $0xA000, s7;
	[sflag:s20] =	ssyncadd.s32 $0xFFFFF380  }
0x12f: {  	[tilespmem:s21], [sflag:$0x9] =	stream.linear.gather [hbm4b:s9+s4], $0xC80, $0x38;
	v63 =	vld [tilespmem:$0x0]  }
0x130: {  	_ =	swait.ge [sflag:s20], $0xC80  }
0x131: {  	[sflag:s20] =	ssyncset.done $0x0  }
0x132: {  	[sflag:s20] =	ssyncadd.s32 $0xFFFFF380  }
0x133: {  	[tilespmem:s19], [sflag:$0x1] =	stream.indirect.gather [hbm4b:s1+s22], $0x80, s4, s22, $0xb8;
	v63 =	vld [tilespmem:$0x0]  }
0x134: {  	s13 =	simm.s32 $0x80  }
0x135: {  	[tilespmem:s24], [sflag:$0x2] =	stream.indirect.gather [hbm4b:s1+s22], $0x80, s13, s22, $0xb8;
	v63 =	vld [tilespmem:$0x0]  }
0x136: {  	_ = 	snop  }
0x137: {  	[tilespmem:s26], [sflag:$0x3] =	stream.indirect.gather [hbm4b:s1+s22], $0x80, s11, s22, $0xb8;
	v63 =	vld [tilespmem:$0x0]  }
0x138: {  	_ = 	snop  }
0x139: {  	[tilespmem:s29], [sflag:$0x4] =	stream.indirect.gather [hbm4b:s1+s22], $0x80, s15, s22, $0xb8;
	v63 =	vld [tilespmem:$0x0]  }
0x13a: {  	_ =	swait.ge [sflag:s30], $0x2800  }
0x13b: {  	[sflag:s30] =	ssyncset.done $0x0  }
0x13c: {  	[sflag:s30] =	ssyncadd.s32 $0xFFFFD800  }
0x13d: {  	[spmem:s3] =	stream.indirect.scatter.add.f32 [tilespmem:s19], [sflag:$0x5], $0x80, s21, s22, $0xb8;
	v63 =	vld [tilespmem:$0x0]  }
0x13e: {  	_ =	swait.ge [sflag:s31], $0x2800  }
0x13f: {  	[sflag:s31] =	ssyncset.done $0x0  }
0x140: {  	[sflag:s31] =	ssyncadd.s32 $0xFFFFD800  }
0x141: {  	[spmem:s3] =	stream.indirect.scatter.add.f32 [tilespmem:s24], [sflag:$0x6], $0x80, s8, s22, $0xb8;
	v63 =	vld [tilespmem:$0x0]  }
0x142: {  	_ =	swait.ge [sflag:s6], $0x2800  }
0x143: {  	[sflag:s6] =	ssyncset.done $0x0  }
0x144: {  	[sflag:s6] =	ssyncadd.s32 $0xFFFFD800  }
0x145: {  	[spmem:s3] =	stream.indirect.scatter.add.f32 [tilespmem:s26], [sflag:$0x7], $0x80, s17, s22, $0xb8;
	v63 =	vld [tilespmem:$0x0]  }
0x146: {  	_ =	swait.ge [sflag:s2], $0x2800  }
0x147: {  	[sflag:s2] =	ssyncset.done $0x0  }
0x148: {  	[sflag:s2] =	ssyncadd.s32 $0xFFFFD800  }
0x149: {  	[spmem:s3] =	stream.indirect.scatter.add.f32 [tilespmem:s29], [sflag:$0x8], $0x80, s23, s22, $0xb8;
	v63 =	vld [tilespmem:$0x0]  }
0x14a: {  	_ =	swait.ge [sflag:s10], $0x2800  }
0x14b: {  	[sflag:s10] =	ssyncset.done $0x0  }
0x14c: {  	[sflag:s10] =	ssyncadd.s32 $0xFFFFD800  }
0x14d: {  	[tilespmem:s19], [sflag:$0x1] =	stream.indirect.gather [hbm4b:s1+s22], $0x80, s25, s22, $0xb8;
	v63 =	vld [tilespmem:$0x0]  }
0x14e: {  	_ =	swait.ge [sflag:s12], $0x2800  }
0x14f: {  	[sflag:s12] =	ssyncset.done $0x0  }
0x150: {  	[sflag:s12] =	ssyncadd.s32 $0xFFFFD800  }
0x151: {  	[tilespmem:s24], [sflag:$0x2] =	stream.indirect.gather [hbm4b:s1+s22], $0x80, s0, s22, $0xb8;
	v63 =	vld [tilespmem:$0x0]  }
0x152: {  	_ =	swait.ge [sflag:s14], $0x2800  }
0x153: {  	[sflag:s14] =	ssyncset.done $0x0  }
0x154: {  	s15 =	simm.s32 $0x300;
	[sflag:s14] =	ssyncadd.s32 $0xFFFFD800  }
0x155: {  	[tilespmem:s26], [sflag:$0x3] =	stream.indirect.gather [hbm4b:s1+s22], $0x80, s15, s22, $0xb8;
	v63 =	vld [tilespmem:$0x0]  }
0x156: {  	_ =	swait.ge [sflag:s16], $0x2800  }
0x157: {  	[sflag:s16] =	ssyncset.done $0x0  }
0x158: {  	s17 =	simm.s32 $0x380;
	[sflag:s16] =	ssyncadd.s32 $0xFFFFD800  }
0x159: {  	[tilespmem:s29], [sflag:$0x4] =	stream.indirect.gather [hbm4b:s1+s22], $0x80, s17, s22, $0xb8;
	v63 =	vld [tilespmem:$0x0]  }
0x15a: {  	_ =	swait.ge [sflag:s30], $0x2800  }
0x15b: {  	[sflag:s30] =	ssyncset.done $0x0  }
0x15c: {  	s23 =	simm.s32 $0x1200;
	[sflag:s30] =	ssyncadd.s32 $0xFFFFD800  }
0x15d: {  	[spmem:s3] =	stream.indirect.scatter.add.f32 [tilespmem:s19], [sflag:$0x5], $0x80, s23, s22, $0xb8;
	v63 =	vld [tilespmem:$0x0]  }
0x15e: {  	_ =	swait.ge [sflag:s31], $0x2800  }
0x15f: {  	[sflag:s31] =	ssyncset.done $0x0  }
0x160: {  	s25 =	simm.s32 $0x1280;
	[sflag:s31] =	ssyncadd.s32 $0xFFFFD800  }
0x161: {  	[spmem:s3] =	stream.indirect.scatter.add.f32 [tilespmem:s24], [sflag:$0x6], $0x80, s25, s22, $0xb8;
	v63 =	vld [tilespmem:$0x0]  }
0x162: {  	_ =	swait.ge [sflag:s6], $0x2800  }
0x163: {  	[sflag:s6] =	ssyncset.done $0x0  }
0x164: {  	s7 =	simm.s32 $0x1300;
	[sflag:s6] =	ssyncadd.s32 $0xFFFFD800  }
0x165: {  	[spmem:s3] =	stream.indirect.scatter.add.f32 [tilespmem:s26], [sflag:$0x7], $0x80, s7, s22, $0xb8;
	v63 =	vld [tilespmem:$0x0]  }
0x166: {  	_ =	swait.ge [sflag:s2], $0x2800  }
0x167: {  	[sflag:s2] =	ssyncset.done $0x0  }
0x168: {  	s8 =	simm.s32 $0x1380;
	[sflag:s2] =	ssyncadd.s32 $0xFFFFD800  }
0x169: {  	[spmem:s3] =	stream.indirect.scatter.add.f32 [tilespmem:s29], [sflag:$0x8], $0x80, s8, s22, $0xb8;
	v63 =	vld [tilespmem:$0x0]  }
0x16a: {  	_ =	swait.ge [sflag:s10], $0x2800  }
0x16b: {  	[sflag:s10] =	ssyncset.done $0x0  }
0x16c: {  	s9 =	simm.s32 $0x400;
	[sflag:s10] =	ssyncadd.s32 $0xFFFFD800  }
0x16d: {  	[tilespmem:s19], [sflag:$0x1] =	stream.indirect.gather [hbm4b:s1+s22], $0x80, s9, s22, $0xb8;
	v63 =	vld [tilespmem:$0x0]  }
0x16e: {  	_ =	swait.ge [sflag:s12], $0x2800  }
0x16f: {  	[sflag:s12] =	ssyncset.done $0x0  }
0x170: {  	s11 =	simm.s32 $0x480;
	[sflag:s12] =	ssyncadd.s32 $0xFFFFD800  }
0x171: {  	[tilespmem:s24], [sflag:$0x2] =	stream.indirect.gather [hbm4b:s1+s22], $0x80, s11, s22, $0xb8;
	v63 =	vld [tilespmem:$0x0]  }
0x172: {  	_ =	swait.ge [sflag:s14], $0x2800  }
0x173: {  	[sflag:s14] =	ssyncset.done $0x0  }
0x174: {  	s13 =	simm.s32 $0x500;
	[sflag:s14] =	ssyncadd.s32 $0xFFFFD800  }
0x175: {  	[tilespmem:s26], [sflag:$0x3] =	stream.indirect.gather [hbm4b:s1+s22], $0x80, s13, s22, $0xb8;
	v63 =	vld [tilespmem:$0x0]  }
0x176: {  	_ =	swait.ge [sflag:s16], $0x2800  }
0x177: {  	[sflag:s16] =	ssyncset.done $0x0  }
0x178: {  	s15 =	simm.s32 $0x580;
	[sflag:s16] =	ssyncadd.s32 $0xFFFFD800  }
0x179: {  	[tilespmem:s29], [sflag:$0x4] =	stream.indirect.gather [hbm4b:s1+s22], $0x80, s15, s22, $0xb8;
	v63 =	vld [tilespmem:$0x0]  }
0x17a: {  	_ =	swait.ge [sflag:s30], $0x2800  }
0x17b: {  	[sflag:s30] =	ssyncset.done $0x0  }
0x17c: {  	s17 =	simm.s32 $0x1400;
	[sflag:s30] =	ssyncadd.s32 $0xFFFFD800  }
0x17d: {  	[spmem:s3] =	stream.indirect.scatter.add.f32 [tilespmem:s19], [sflag:$0x5], $0x80, s17, s22, $0xb8;
	v63 =	vld [tilespmem:$0x0]  }
0x17e: {  	_ =	swait.ge [sflag:s31], $0x2800  }
0x17f: {  	[sflag:s31] =	ssyncset.done $0x0  }
0x180: {  	s23 =	simm.s32 $0x1480;
	[sflag:s31] =	ssyncadd.s32 $0xFFFFD800  }
0x181: {  	[spmem:s3] =	stream.indirect.scatter.add.f32 [tilespmem:s24], [sflag:$0x6], $0x80, s23, s22, $0xb8;
	v63 =	vld [tilespmem:$0x0]  }
0x182: {  	_ =	swait.ge [sflag:s6], $0x2800  }
0x183: {  	[sflag:s6] =	ssyncset.done $0x0  }
0x184: {  	s25 =	simm.s32 $0x1500;
	[sflag:s6] =	ssyncadd.s32 $0xFFFFD800  }
0x185: {  	[spmem:s3] =	stream.indirect.scatter.add.f32 [tilespmem:s26], [sflag:$0x7], $0x80, s25, s22, $0xb8;
	v63 =	vld [tilespmem:$0x0]  }
0x186: {  	_ =	swait.ge [sflag:s2], $0x2800  }
0x187: {  	[sflag:s2] =	ssyncset.done $0x0  }
0x188: {  	s7 =	simm.s32 $0x1580;
	[sflag:s2] =	ssyncadd.s32 $0xFFFFD800  }
0x189: {  	[spmem:s3] =	stream.indirect.scatter.add.f32 [tilespmem:s29], [sflag:$0x8], $0x80, s7, s22, $0xb8;
	v63 =	vld [tilespmem:$0x0]  }
0x18a: {  	_ =	swait.ge [sflag:s10], $0x2800  }
0x18b: {  	[sflag:s10] =	ssyncset.done $0x0  }
0x18c: {  	s8 =	simm.s32 $0x600;
	[sflag:s10] =	ssyncadd.s32 $0xFFFFD800  }
0x18d: {  	[tilespmem:s19], [sflag:$0x1] =	stream.indirect.gather [hbm4b:s1+s22], $0x80, s8, s22, $0xb8;
	v63 =	vld [tilespmem:$0x0]  }
0x18e: {  	_ =	swait.ge [sflag:s12], $0x2800  }
0x18f: {  	[sflag:s12] =	ssyncset.done $0x0  }
0x190: {  	s9 =	simm.s32 $0x680;
	[sflag:s12] =	ssyncadd.s32 $0xFFFFD800  }
0x191: {  	[tilespmem:s24], [sflag:$0x2] =	stream.indirect.gather [hbm4b:s1+s22], $0x80, s9, s22, $0xb8;
	v63 =	vld [tilespmem:$0x0]  }
0x192: {  	_ =	swait.ge [sflag:s14], $0x2800  }
0x193: {  	[sflag:s14] =	ssyncset.done $0x0  }
0x194: {  	s11 =	simm.s32 $0x700;
	[sflag:s14] =	ssyncadd.s32 $0xFFFFD800  }
0x195: {  	[tilespmem:s26], [sflag:$0x3] =	stream.indirect.gather [hbm4b:s1+s22], $0x80, s11, s22, $0xb8;
	v63 =	vld [tilespmem:$0x0]  }
0x196: {  	_ =	swait.ge [sflag:s16], $0x2800  }
0x197: {  	[sflag:s16] =	ssyncset.done $0x0  }
0x198: {  	s13 =	simm.s32 $0x780;
	[sflag:s16] =	ssyncadd.s32 $0xFFFFD800  }
0x199: {  	[tilespmem:s29], [sflag:$0x4] =	stream.indirect.gather [hbm4b:s1+s22], $0x80, s13, s22, $0xb8;
	v63 =	vld [tilespmem:$0x0]  }
0x19a: {  	_ =	swait.ge [sflag:s30], $0x2800  }
0x19b: {  	[sflag:s30] =	ssyncset.done $0x0  }
0x19c: {  	s15 =	simm.s32 $0x1600;
	[sflag:s30] =	ssyncadd.s32 $0xFFFFD800  }
0x19d: {  	[spmem:s3] =	stream.indirect.scatter.add.f32 [tilespmem:s19], [sflag:$0x5], $0x80, s15, s22, $0xb8;
	v63 =	vld [tilespmem:$0x0]  }
0x19e: {  	_ =	swait.ge [sflag:s31], $0x2800  }
0x19f: {  	[sflag:s31] =	ssyncset.done $0x0  }
0x1a0: {  	s17 =	simm.s32 $0x1680;
	[sflag:s31] =	ssyncadd.s32 $0xFFFFD800  }
0x1a1: {  	[spmem:s3] =	stream.indirect.scatter.add.f32 [tilespmem:s24], [sflag:$0x6], $0x80, s17, s22, $0xb8;
	v63 =	vld [tilespmem:$0x0]  }
0x1a2: {  	_ =	swait.ge [sflag:s6], $0x2800  }
0x1a3: {  	[sflag:s6] =	ssyncset.done $0x0  }
0x1a4: {  	s23 =	simm.s32 $0x1700;
	[sflag:s6] =	ssyncadd.s32 $0xFFFFD800  }
0x1a5: {  	[spmem:s3] =	stream.indirect.scatter.add.f32 [tilespmem:s26], [sflag:$0x7], $0x80, s23, s22, $0xb8;
	v63 =	vld [tilespmem:$0x0]  }
0x1a6: {  	_ =	swait.ge [sflag:s2], $0x2800  }
0x1a7: {  	[sflag:s2] =	ssyncset.done $0x0  }
0x1a8: {  	s25 =	simm.s32 $0x1780;
	[sflag:s2] =	ssyncadd.s32 $0xFFFFD800  }
0x1a9: {  	[spmem:s3] =	stream.indirect.scatter.add.f32 [tilespmem:s29], [sflag:$0x8], $0x80, s25, s22, $0xb8;
	v63 =	vld [tilespmem:$0x0]  }
0x1aa: {  	_ =	swait.ge [sflag:s10], $0x2800  }
0x1ab: {  	[sflag:s10] =	ssyncset.done $0x0  }
0x1ac: {  	s7 =	simm.s32 $0x800;
	[sflag:s10] =	ssyncadd.s32 $0xFFFFD800  }
0x1ad: {  	[tilespmem:s19], [sflag:$0x1] =	stream.indirect.gather [hbm4b:s1+s22], $0x80, s7, s22, $0xb8;
	v63 =	vld [tilespmem:$0x0]  }
0x1ae: {  	_ =	swait.ge [sflag:s12], $0x2800  }
0x1af: {  	[sflag:s12] =	ssyncset.done $0x0  }
0x1b0: {  	s8 =	simm.s32 $0x880;
	[sflag:s12] =	ssyncadd.s32 $0xFFFFD800  }
0x1b1: {  	[tilespmem:s24], [sflag:$0x2] =	stream.indirect.gather [hbm4b:s1+s22], $0x80, s8, s22, $0xb8;
	v63 =	vld [tilespmem:$0x0]  }
0x1b2: {  	_ =	swait.ge [sflag:s14], $0x2800  }
0x1b3: {  	[sflag:s14] =	ssyncset.done $0x0  }
0x1b4: {  	s9 =	simm.s32 $0x900;
	[sflag:s14] =	ssyncadd.s32 $0xFFFFD800  }
0x1b5: {  	[tilespmem:s26], [sflag:$0x3] =	stream.indirect.gather [hbm4b:s1+s22], $0x80, s9, s22, $0xb8;
	v63 =	vld [tilespmem:$0x0]  }
0x1b6: {  	_ =	swait.ge [sflag:s16], $0x2800  }
0x1b7: {  	[sflag:s16] =	ssyncset.done $0x0  }
0x1b8: {  	s11 =	simm.s32 $0x980;
	[sflag:s16] =	ssyncadd.s32 $0xFFFFD800  }
0x1b9: {  	[tilespmem:s29], [sflag:$0x4] =	stream.indirect.gather [hbm4b:s1+s22], $0x80, s11, s22, $0xb8;
	v63 =	vld [tilespmem:$0x0]  }
0x1ba: {  	_ =	swait.ge [sflag:s30], $0x2800  }
0x1bb: {  	[sflag:s30] =	ssyncset.done $0x0  }
0x1bc: {  	s13 =	simm.s32 $0x1800;
	[sflag:s30] =	ssyncadd.s32 $0xFFFFD800  }
0x1bd: {  	[spmem:s3] =	stream.indirect.scatter.add.f32 [tilespmem:s19], [sflag:$0x5], $0x80, s13, s22, $0xb8;
	v63 =	vld [tilespmem:$0x0]  }
0x1be: {  	_ =	swait.ge [sflag:s31], $0x2800  }
0x1bf: {  	[sflag:s31] =	ssyncset.done $0x0  }
0x1c0: {  	s15 =	simm.s32 $0x1880;
	[sflag:s31] =	ssyncadd.s32 $0xFFFFD800  }
0x1c1: {  	[spmem:s3] =	stream.indirect.scatter.add.f32 [tilespmem:s24], [sflag:$0x6], $0x80, s15, s22, $0xb8;
	v63 =	vld [tilespmem:$0x0]  }
0x1c2: {  	_ =	swait.ge [sflag:s6], $0x2800  }
0x1c3: {  	[sflag:s6] =	ssyncset.done $0x0  }
0x1c4: {  	s17 =	simm.s32 $0x1900;
	[sflag:s6] =	ssyncadd.s32 $0xFFFFD800  }
0x1c5: {  	[spmem:s3] =	stream.indirect.scatter.add.f32 [tilespmem:s26], [sflag:$0x7], $0x80, s17, s22, $0xb8;
	v63 =	vld [tilespmem:$0x0]  }
0x1c6: {  	_ =	swait.ge [sflag:s2], $0x2800  }
0x1c7: {  	[sflag:s2] =	ssyncset.done $0x0  }
0x1c8: {  	s23 =	simm.s32 $0x1980;
	[sflag:s2] =	ssyncadd.s32 $0xFFFFD800  }
0x1c9: {  	[spmem:s3] =	stream.indirect.scatter.add.f32 [tilespmem:s29], [sflag:$0x8], $0x80, s23, s22, $0xb8;
	v63 =	vld [tilespmem:$0x0]  }
0x1ca: {  	_ =	swait.ge [sflag:s10], $0x2800  }
0x1cb: {  	[sflag:s10] =	ssyncset.done $0x0  }
0x1cc: {  	s25 =	simm.s32 $0xA00;
	[sflag:s10] =	ssyncadd.s32 $0xFFFFD800  }
0x1cd: {  	[tilespmem:s19], [sflag:$0x1] =	stream.indirect.gather [hbm4b:s1+s22], $0x80, s25, s22, $0xb8;
	v63 =	vld [tilespmem:$0x0]  }
0x1ce: {  	_ =	swait.ge [sflag:s12], $0x2800  }
0x1cf: {  	[sflag:s12] =	ssyncset.done $0x0  }
0x1d0: {  	s7 =	simm.s32 $0xA80;
	[sflag:s12] =	ssyncadd.s32 $0xFFFFD800  }
0x1d1: {  	[tilespmem:s24], [sflag:$0x2] =	stream.indirect.gather [hbm4b:s1+s22], $0x80, s7, s22, $0xb8;
	v63 =	vld [tilespmem:$0x0]  }
0x1d2: {  	_ =	swait.ge [sflag:s14], $0x2800  }
0x1d3: {  	[sflag:s14] =	ssyncset.done $0x0  }
0x1d4: {  	s8 =	simm.s32 $0xB00;
	[sflag:s14] =	ssyncadd.s32 $0xFFFFD800  }
0x1d5: {  	[tilespmem:s26], [sflag:$0x3] =	stream.indirect.gather [hbm4b:s1+s22], $0x80, s8, s22, $0xb8;
	v63 =	vld [tilespmem:$0x0]  }
0x1d6: {  	_ =	swait.ge [sflag:s16], $0x2800  }
0x1d7: {  	[sflag:s16] =	ssyncset.done $0x0  }
0x1d8: {  	s9 =	simm.s32 $0xB80;
	[sflag:s16] =	ssyncadd.s32 $0xFFFFD800  }
0x1d9: {  	[tilespmem:s29], [sflag:$0x4] =	stream.indirect.gather [hbm4b:s1+s22], $0x80, s9, s22, $0xb8;
	v63 =	vld [tilespmem:$0x0]  }
0x1da: {  	_ =	swait.ge [sflag:s30], $0x2800  }
0x1db: {  	[sflag:s30] =	ssyncset.done $0x0  }
0x1dc: {  	s11 =	simm.s32 $0x1A00;
	[sflag:s30] =	ssyncadd.s32 $0xFFFFD800  }
0x1dd: {  	[spmem:s3] =	stream.indirect.scatter.add.f32 [tilespmem:s19], [sflag:$0x5], $0x80, s11, s22, $0xb8;
	v63 =	vld [tilespmem:$0x0]  }
0x1de: {  	_ =	swait.ge [sflag:s10], $0x2800  }
0x1df: {  	[sflag:s10] =	ssyncset.done $0x0  }
0x1e0: {  	s13 =	simm.s32 $0xC00;
	[sflag:s10] =	ssyncadd.s32 $0xFFFFD800  }
0x1e1: {  	[tilespmem:s19], [sflag:$0x1] =	stream.indirect.gather [hbm4b:s1+s22], $0x80, s13, s22, $0xb8;
	v63 =	vld [tilespmem:$0x0]  }
0x1e2: {  	_ =	swait.ge [sflag:s31], $0x2800  }
0x1e3: {  	[sflag:s31] =	ssyncset.done $0x0  }
0x1e4: {  	s15 =	simm.s32 $0x1A80;
	[sflag:s31] =	ssyncadd.s32 $0xFFFFD800  }
0x1e5: {  	[spmem:s3] =	stream.indirect.scatter.add.f32 [tilespmem:s24], [sflag:$0x6], $0x80, s15, s22, $0xb8;
	v63 =	vld [tilespmem:$0x0]  }
0x1e6: {  	_ =	swait.ge [sflag:s6], $0x2800  }
0x1e7: {  	[sflag:s6] =	ssyncset.done $0x0  }
0x1e8: {  	s17 =	simm.s32 $0x1B00;
	[sflag:s6] =	ssyncadd.s32 $0xFFFFD800  }
0x1e9: {  	[spmem:s3] =	stream.indirect.scatter.add.f32 [tilespmem:s26], [sflag:$0x7], $0x80, s17, s22, $0xb8;
	v63 =	vld [tilespmem:$0x0]  }
0x1ea: {  	_ =	swait.ge [sflag:s2], $0x2800  }
0x1eb: {  	[sflag:s2] =	ssyncset.done $0x0  }
0x1ec: {  	s23 =	simm.s32 $0x1B80;
	[sflag:s2] =	ssyncadd.s32 $0xFFFFD800  }
0x1ed: {  	[spmem:s3] =	stream.indirect.scatter.add.f32 [tilespmem:s29], [sflag:$0x8], $0x80, s23, s22, $0xb8;
	v63 =	vld [tilespmem:$0x0]  }
0x1ee: {  	_ =	swait.ge [sflag:s30], $0x2800  }
0x1ef: {  	[sflag:s30] =	ssyncset.done $0x0  }
0x1f0: {  	s25 =	simm.s32 $0x1C00;
	[sflag:s30] =	ssyncadd.s32 $0xFFFFD800  }
0x1f1: {  	[spmem:s3] =	stream.indirect.scatter.add.f32 [tilespmem:s19], [sflag:$0x5], $0x80, s25, s22, $0xb8;
	v63 =	vld [tilespmem:$0x0]  }
0x1f2: {  	_ =	swait.ge [sflag:s10], $0x2800  }
0x1f3: {  	[sflag:s10] =	ssyncset.done $0x0  }
0x1f4: {  	[sflag:s10] =	ssyncadd.s32 $0xFFFFD800  }
0x1f5: {  	_ =	swait.ge [sflag:s12], $0x2800  }
0x1f6: {  	[sflag:s12] =	ssyncset.done $0x0  }
0x1f7: {  	[sflag:s12] =	ssyncadd.s32 $0xFFFFD800  }
0x1f8: {  	s28 =	simm.s32 $0x200;
	_ =	swait.ge [sflag:s14], $0x2800  }
0x1f9: {  	s0 =	simm.s32 $0x280;
	s7 =	simm.s32 $0x200;
	[sflag:s14] =	ssyncset.done $0x0  }
0x1fa: {  	s8 =	simm.s32 $0x1080;
	s9 =	simm.s32 $0x400;
	[sflag:s14] =	ssyncadd.s32 $0xFFFFD800  }
0x1fb: {  	s15 =	simm.s32 $0x100;
	s17 =	simm.s32 $0x180;
	_ =	swait.ge [sflag:s16], $0x2800  }
0x1fc: {  	s23 =	simm.s32 $0x1100;
	s25 =	simm.s32 $0x1180;
	[sflag:s16] =	ssyncset.done $0x0  }
.LBB2_5:
0x1fd: {  	s13 =	sadd.s32 s7, s18  }
0x1fe: {  	[sflag:s16] =	ssyncadd.s32 $0xFFFFD800;
	s7 =	smov.u32 s9;
	s11 =	sadd.s32 $0x200, s9  }
0x1ff: {  	[tilespmem:s4], [sflag:$0x9] =	stream.linear.gather [hbm4b:s13+s4], $0xC80, $0x38;
	v63 =	vld [tilespmem:$0x0]  }
0x200: {  	p1 =	seq.s32 s9, $0x800;
	_ =	swait.ge [sflag:s20], $0xC80  }
0x201: {  	[sflag:s20] =	ssyncset.done $0x0  }
0x202: {  	s9 =	sadd.s32 $0xA000, s13;
	s13 =	simm.s32 $0x80;
	[sflag:s20] =	ssyncadd.s32 $0xFFFFF380  }
0x203: {  	[tilespmem:s21], [sflag:$0x9] =	stream.linear.gather [hbm4b:s9+s4], $0xC80, $0x38;
	v63 =	vld [tilespmem:$0x0]  }
0x204: {  	_ =	swait.ge [sflag:s20], $0xC80  }
0x205: {  	[sflag:s20] =	ssyncset.done $0x0  }
0x206: {  	[sflag:s20] =	ssyncadd.s32 $0xFFFFF380  }
0x207: {  	[tilespmem:s19], [sflag:$0x1] =	stream.indirect.gather [hbm4b:s1+s22], $0x80, s4, s22, $0xb8;
	v63 =	vld [tilespmem:$0x0]  }
0x208: {  	_ = 	snop  }
0x209: {  	[tilespmem:s24], [sflag:$0x2] =	stream.indirect.gather [hbm4b:s1+s22], $0x80, s13, s22, $0xb8;
	v63 =	vld [tilespmem:$0x0]  }
0x20a: {  	_ = 	snop  }
0x20b: {  	[tilespmem:s26], [sflag:$0x3] =	stream.indirect.gather [hbm4b:s1+s22], $0x80, s15, s22, $0xb8;
	v63 =	vld [tilespmem:$0x0]  }
0x20c: {  	_ = 	snop  }
0x20d: {  	[tilespmem:s29], [sflag:$0x4] =	stream.indirect.gather [hbm4b:s1+s22], $0x80, s17, s22, $0xb8;
	v63 =	vld [tilespmem:$0x0]  }
0x20e: {  	_ =	swait.ge [sflag:s30], $0x2800  }
0x20f: {  	[sflag:s30] =	ssyncset.done $0x0  }
0x210: {  	[sflag:s30] =	ssyncadd.s32 $0xFFFFD800  }
0x211: {  	[spmem:s3] =	stream.indirect.scatter.add.f32 [tilespmem:s19], [sflag:$0x5], $0x80, s21, s22, $0xb8;
	v63 =	vld [tilespmem:$0x0]  }
0x212: {  	_ =	swait.ge [sflag:s31], $0x2800  }
0x213: {  	[sflag:s31] =	ssyncset.done $0x0  }
0x214: {  	[sflag:s31] =	ssyncadd.s32 $0xFFFFD800  }
0x215: {  	[spmem:s3] =	stream.indirect.scatter.add.f32 [tilespmem:s24], [sflag:$0x6], $0x80, s8, s22, $0xb8;
	v63 =	vld [tilespmem:$0x0]  }
0x216: {  	_ =	swait.ge [sflag:s6], $0x2800  }
0x217: {  	[sflag:s6] =	ssyncset.done $0x0  }
0x218: {  	[sflag:s6] =	ssyncadd.s32 $0xFFFFD800  }
0x219: {  	[spmem:s3] =	stream.indirect.scatter.add.f32 [tilespmem:s26], [sflag:$0x7], $0x80, s23, s22, $0xb8;
	v63 =	vld [tilespmem:$0x0]  }
0x21a: {  	_ =	swait.ge [sflag:s2], $0x2800  }
0x21b: {  	[sflag:s2] =	ssyncset.done $0x0  }
0x21c: {  	[sflag:s2] =	ssyncadd.s32 $0xFFFFD800  }
0x21d: {  	[spmem:s3] =	stream.indirect.scatter.add.f32 [tilespmem:s29], [sflag:$0x8], $0x80, s25, s22, $0xb8;
	v63 =	vld [tilespmem:$0x0]  }
0x21e: {  	_ =	swait.ge [sflag:s10], $0x2800  }
0x21f: {  	[sflag:s10] =	ssyncset.done $0x0  }
0x220: {  	[sflag:s10] =	ssyncadd.s32 $0xFFFFD800  }
0x221: {  	[tilespmem:s19], [sflag:$0x1] =	stream.indirect.gather [hbm4b:s1+s22], $0x80, s28, s22, $0xb8;
	v63 =	vld [tilespmem:$0x0]  }
0x222: {  	_ =	swait.ge [sflag:s12], $0x2800  }
0x223: {  	[sflag:s12] =	ssyncset.done $0x0  }
0x224: {  	[sflag:s12] =	ssyncadd.s32 $0xFFFFD800  }
0x225: {  	[tilespmem:s24], [sflag:$0x2] =	stream.indirect.gather [hbm4b:s1+s22], $0x80, s0, s22, $0xb8;
	v63 =	vld [tilespmem:$0x0]  }
0x226: {  	_ =	swait.ge [sflag:s14], $0x2800  }
0x227: {  	[sflag:s14] =	ssyncset.done $0x0  }
0x228: {  	s9 =	simm.s32 $0x300;
	[sflag:s14] =	ssyncadd.s32 $0xFFFFD800  }
0x229: {  	[tilespmem:s26], [sflag:$0x3] =	stream.indirect.gather [hbm4b:s1+s22], $0x80, s9, s22, $0xb8;
	v63 =	vld [tilespmem:$0x0]  }
0x22a: {  	_ =	swait.ge [sflag:s16], $0x2800  }
0x22b: {  	[sflag:s16] =	ssyncset.done $0x0  }
0x22c: {  	s9 =	simm.s32 $0x380;
	[sflag:s16] =	ssyncadd.s32 $0xFFFFD800  }
0x22d: {  	[tilespmem:s29], [sflag:$0x4] =	stream.indirect.gather [hbm4b:s1+s22], $0x80, s9, s22, $0xb8;
	v63 =	vld [tilespmem:$0x0]  }
0x22e: {  	_ =	swait.ge [sflag:s30], $0x2800  }
0x22f: {  	[sflag:s30] =	ssyncset.done $0x0  }
0x230: {  	s9 =	simm.s32 $0x1200;
	[sflag:s30] =	ssyncadd.s32 $0xFFFFD800  }
0x231: {  	[spmem:s3] =	stream.indirect.scatter.add.f32 [tilespmem:s19], [sflag:$0x5], $0x80, s9, s22, $0xb8;
	v63 =	vld [tilespmem:$0x0]  }
0x232: {  	_ =	swait.ge [sflag:s31], $0x2800  }
0x233: {  	[sflag:s31] =	ssyncset.done $0x0  }
0x234: {  	s9 =	simm.s32 $0x1280;
	[sflag:s31] =	ssyncadd.s32 $0xFFFFD800  }
0x235: {  	[spmem:s3] =	stream.indirect.scatter.add.f32 [tilespmem:s24], [sflag:$0x6], $0x80, s9, s22, $0xb8;
	v63 =	vld [tilespmem:$0x0]  }
0x236: {  	_ =	swait.ge [sflag:s6], $0x2800  }
0x237: {  	[sflag:s6] =	ssyncset.done $0x0  }
0x238: {  	s9 =	simm.s32 $0x1300;
	[sflag:s6] =	ssyncadd.s32 $0xFFFFD800  }
0x239: {  	[spmem:s3] =	stream.indirect.scatter.add.f32 [tilespmem:s26], [sflag:$0x7], $0x80, s9, s22, $0xb8;
	v63 =	vld [tilespmem:$0x0]  }
0x23a: {  	_ =	swait.ge [sflag:s2], $0x2800  }
0x23b: {  	[sflag:s2] =	ssyncset.done $0x0  }
0x23c: {  	s9 =	simm.s32 $0x1380;
	[sflag:s2] =	ssyncadd.s32 $0xFFFFD800  }
0x23d: {  	[spmem:s3] =	stream.indirect.scatter.add.f32 [tilespmem:s29], [sflag:$0x8], $0x80, s9, s22, $0xb8;
	v63 =	vld [tilespmem:$0x0]  }
0x23e: {  	_ =	swait.ge [sflag:s10], $0x2800  }
0x23f: {  	[sflag:s10] =	ssyncset.done $0x0  }
0x240: {  	s9 =	simm.s32 $0x400;
	[sflag:s10] =	ssyncadd.s32 $0xFFFFD800  }
0x241: {  	[tilespmem:s19], [sflag:$0x1] =	stream.indirect.gather [hbm4b:s1+s22], $0x80, s9, s22, $0xb8;
	v63 =	vld [tilespmem:$0x0]  }
0x242: {  	_ =	swait.ge [sflag:s12], $0x2800  }
0x243: {  	[sflag:s12] =	ssyncset.done $0x0  }
0x244: {  	s9 =	simm.s32 $0x480;
	[sflag:s12] =	ssyncadd.s32 $0xFFFFD800  }
0x245: {  	[tilespmem:s24], [sflag:$0x2] =	stream.indirect.gather [hbm4b:s1+s22], $0x80, s9, s22, $0xb8;
	v63 =	vld [tilespmem:$0x0]  }
0x246: {  	_ =	swait.ge [sflag:s14], $0x2800  }
0x247: {  	[sflag:s14] =	ssyncset.done $0x0  }
0x248: {  	s9 =	simm.s32 $0x500;
	[sflag:s14] =	ssyncadd.s32 $0xFFFFD800  }
0x249: {  	[tilespmem:s26], [sflag:$0x3] =	stream.indirect.gather [hbm4b:s1+s22], $0x80, s9, s22, $0xb8;
	v63 =	vld [tilespmem:$0x0]  }
0x24a: {  	_ =	swait.ge [sflag:s16], $0x2800  }
0x24b: {  	[sflag:s16] =	ssyncset.done $0x0  }
0x24c: {  	s9 =	simm.s32 $0x580;
	[sflag:s16] =	ssyncadd.s32 $0xFFFFD800  }
0x24d: {  	[tilespmem:s29], [sflag:$0x4] =	stream.indirect.gather [hbm4b:s1+s22], $0x80, s9, s22, $0xb8;
	v63 =	vld [tilespmem:$0x0]  }
0x24e: {  	_ =	swait.ge [sflag:s30], $0x2800  }
0x24f: {  	[sflag:s30] =	ssyncset.done $0x0  }
0x250: {  	s9 =	simm.s32 $0x1400;
	[sflag:s30] =	ssyncadd.s32 $0xFFFFD800  }
0x251: {  	[spmem:s3] =	stream.indirect.scatter.add.f32 [tilespmem:s19], [sflag:$0x5], $0x80, s9, s22, $0xb8;
	v63 =	vld [tilespmem:$0x0]  }
0x252: {  	_ =	swait.ge [sflag:s31], $0x2800  }
0x253: {  	[sflag:s31] =	ssyncset.done $0x0  }
0x254: {  	s9 =	simm.s32 $0x1480;
	[sflag:s31] =	ssyncadd.s32 $0xFFFFD800  }
0x255: {  	[spmem:s3] =	stream.indirect.scatter.add.f32 [tilespmem:s24], [sflag:$0x6], $0x80, s9, s22, $0xb8;
	v63 =	vld [tilespmem:$0x0]  }
0x256: {  	_ =	swait.ge [sflag:s6], $0x2800  }
0x257: {  	[sflag:s6] =	ssyncset.done $0x0  }
0x258: {  	s9 =	simm.s32 $0x1500;
	[sflag:s6] =	ssyncadd.s32 $0xFFFFD800  }
0x259: {  	[spmem:s3] =	stream.indirect.scatter.add.f32 [tilespmem:s26], [sflag:$0x7], $0x80, s9, s22, $0xb8;
	v63 =	vld [tilespmem:$0x0]  }
0x25a: {  	_ =	swait.ge [sflag:s2], $0x2800  }
0x25b: {  	[sflag:s2] =	ssyncset.done $0x0  }
0x25c: {  	s9 =	simm.s32 $0x1580;
	[sflag:s2] =	ssyncadd.s32 $0xFFFFD800  }
0x25d: {  	[spmem:s3] =	stream.indirect.scatter.add.f32 [tilespmem:s29], [sflag:$0x8], $0x80, s9, s22, $0xb8;
	v63 =	vld [tilespmem:$0x0]  }
0x25e: {  	_ =	swait.ge [sflag:s10], $0x2800  }
0x25f: {  	[sflag:s10] =	ssyncset.done $0x0  }
0x260: {  	s9 =	simm.s32 $0x600;
	[sflag:s10] =	ssyncadd.s32 $0xFFFFD800  }
0x261: {  	[tilespmem:s19], [sflag:$0x1] =	stream.indirect.gather [hbm4b:s1+s22], $0x80, s9, s22, $0xb8;
	v63 =	vld [tilespmem:$0x0]  }
0x262: {  	_ =	swait.ge [sflag:s12], $0x2800  }
0x263: {  	[sflag:s12] =	ssyncset.done $0x0  }
0x264: {  	s9 =	simm.s32 $0x680;
	[sflag:s12] =	ssyncadd.s32 $0xFFFFD800  }
0x265: {  	[tilespmem:s24], [sflag:$0x2] =	stream.indirect.gather [hbm4b:s1+s22], $0x80, s9, s22, $0xb8;
	v63 =	vld [tilespmem:$0x0]  }
0x266: {  	_ =	swait.ge [sflag:s14], $0x2800  }
0x267: {  	[sflag:s14] =	ssyncset.done $0x0  }
0x268: {  	s9 =	simm.s32 $0x700;
	[sflag:s14] =	ssyncadd.s32 $0xFFFFD800  }
0x269: {  	[tilespmem:s26], [sflag:$0x3] =	stream.indirect.gather [hbm4b:s1+s22], $0x80, s9, s22, $0xb8;
	v63 =	vld [tilespmem:$0x0]  }
0x26a: {  	_ =	swait.ge [sflag:s16], $0x2800  }
0x26b: {  	[sflag:s16] =	ssyncset.done $0x0  }
0x26c: {  	s9 =	simm.s32 $0x780;
	[sflag:s16] =	ssyncadd.s32 $0xFFFFD800  }
0x26d: {  	[tilespmem:s29], [sflag:$0x4] =	stream.indirect.gather [hbm4b:s1+s22], $0x80, s9, s22, $0xb8;
	v63 =	vld [tilespmem:$0x0]  }
0x26e: {  	_ =	swait.ge [sflag:s30], $0x2800  }
0x26f: {  	[sflag:s30] =	ssyncset.done $0x0  }
0x270: {  	s9 =	simm.s32 $0x1600;
	[sflag:s30] =	ssyncadd.s32 $0xFFFFD800  }
0x271: {  	[spmem:s3] =	stream.indirect.scatter.add.f32 [tilespmem:s19], [sflag:$0x5], $0x80, s9, s22, $0xb8;
	v63 =	vld [tilespmem:$0x0]  }
0x272: {  	_ =	swait.ge [sflag:s31], $0x2800  }
0x273: {  	[sflag:s31] =	ssyncset.done $0x0  }
0x274: {  	s9 =	simm.s32 $0x1680;
	[sflag:s31] =	ssyncadd.s32 $0xFFFFD800  }
0x275: {  	[spmem:s3] =	stream.indirect.scatter.add.f32 [tilespmem:s24], [sflag:$0x6], $0x80, s9, s22, $0xb8;
	v63 =	vld [tilespmem:$0x0]  }
0x276: {  	_ =	swait.ge [sflag:s6], $0x2800  }
0x277: {  	[sflag:s6] =	ssyncset.done $0x0  }
0x278: {  	s9 =	simm.s32 $0x1700;
	[sflag:s6] =	ssyncadd.s32 $0xFFFFD800  }
0x279: {  	[spmem:s3] =	stream.indirect.scatter.add.f32 [tilespmem:s26], [sflag:$0x7], $0x80, s9, s22, $0xb8;
	v63 =	vld [tilespmem:$0x0]  }
0x27a: {  	_ =	swait.ge [sflag:s2], $0x2800  }
0x27b: {  	[sflag:s2] =	ssyncset.done $0x0  }
0x27c: {  	s9 =	simm.s32 $0x1780;
	[sflag:s2] =	ssyncadd.s32 $0xFFFFD800  }
0x27d: {  	[spmem:s3] =	stream.indirect.scatter.add.f32 [tilespmem:s29], [sflag:$0x8], $0x80, s9, s22, $0xb8;
	v63 =	vld [tilespmem:$0x0]  }
0x27e: {  	_ =	swait.ge [sflag:s10], $0x2800  }
0x27f: {  	[sflag:s10] =	ssyncset.done $0x0  }
0x280: {  	s9 =	simm.s32 $0x800;
	[sflag:s10] =	ssyncadd.s32 $0xFFFFD800  }
0x281: {  	[tilespmem:s19], [sflag:$0x1] =	stream.indirect.gather [hbm4b:s1+s22], $0x80, s9, s22, $0xb8;
	v63 =	vld [tilespmem:$0x0]  }
0x282: {  	_ =	swait.ge [sflag:s12], $0x2800  }
0x283: {  	[sflag:s12] =	ssyncset.done $0x0  }
0x284: {  	s9 =	simm.s32 $0x880;
	[sflag:s12] =	ssyncadd.s32 $0xFFFFD800  }
0x285: {  	[tilespmem:s24], [sflag:$0x2] =	stream.indirect.gather [hbm4b:s1+s22], $0x80, s9, s22, $0xb8;
	v63 =	vld [tilespmem:$0x0]  }
0x286: {  	_ =	swait.ge [sflag:s14], $0x2800  }
0x287: {  	[sflag:s14] =	ssyncset.done $0x0  }
0x288: {  	s9 =	simm.s32 $0x900;
	[sflag:s14] =	ssyncadd.s32 $0xFFFFD800  }
0x289: {  	[tilespmem:s26], [sflag:$0x3] =	stream.indirect.gather [hbm4b:s1+s22], $0x80, s9, s22, $0xb8;
	v63 =	vld [tilespmem:$0x0]  }
0x28a: {  	_ =	swait.ge [sflag:s16], $0x2800  }
0x28b: {  	[sflag:s16] =	ssyncset.done $0x0  }
0x28c: {  	s9 =	simm.s32 $0x980;
	[sflag:s16] =	ssyncadd.s32 $0xFFFFD800  }
0x28d: {  	[tilespmem:s29], [sflag:$0x4] =	stream.indirect.gather [hbm4b:s1+s22], $0x80, s9, s22, $0xb8;
	v63 =	vld [tilespmem:$0x0]  }
0x28e: {  	_ =	swait.ge [sflag:s30], $0x2800  }
0x28f: {  	[sflag:s30] =	ssyncset.done $0x0  }
0x290: {  	s9 =	simm.s32 $0x1800;
	[sflag:s30] =	ssyncadd.s32 $0xFFFFD800  }
0x291: {  	[spmem:s3] =	stream.indirect.scatter.add.f32 [tilespmem:s19], [sflag:$0x5], $0x80, s9, s22, $0xb8;
	v63 =	vld [tilespmem:$0x0]  }
0x292: {  	_ =	swait.ge [sflag:s31], $0x2800  }
0x293: {  	[sflag:s31] =	ssyncset.done $0x0  }
0x294: {  	s9 =	simm.s32 $0x1880;
	[sflag:s31] =	ssyncadd.s32 $0xFFFFD800  }
0x295: {  	[spmem:s3] =	stream.indirect.scatter.add.f32 [tilespmem:s24], [sflag:$0x6], $0x80, s9, s22, $0xb8;
	v63 =	vld [tilespmem:$0x0]  }
0x296: {  	_ =	swait.ge [sflag:s6], $0x2800  }
0x297: {  	[sflag:s6] =	ssyncset.done $0x0  }
0x298: {  	s9 =	simm.s32 $0x1900;
	[sflag:s6] =	ssyncadd.s32 $0xFFFFD800  }
0x299: {  	[spmem:s3] =	stream.indirect.scatter.add.f32 [tilespmem:s26], [sflag:$0x7], $0x80, s9, s22, $0xb8;
	v63 =	vld [tilespmem:$0x0]  }
0x29a: {  	_ =	swait.ge [sflag:s2], $0x2800  }
0x29b: {  	[sflag:s2] =	ssyncset.done $0x0  }
0x29c: {  	s9 =	simm.s32 $0x1980;
	[sflag:s2] =	ssyncadd.s32 $0xFFFFD800  }
0x29d: {  	[spmem:s3] =	stream.indirect.scatter.add.f32 [tilespmem:s29], [sflag:$0x8], $0x80, s9, s22, $0xb8;
	v63 =	vld [tilespmem:$0x0]  }
0x29e: {  	_ =	swait.ge [sflag:s10], $0x2800  }
0x29f: {  	[sflag:s10] =	ssyncset.done $0x0  }
0x2a0: {  	s9 =	simm.s32 $0xA00;
	[sflag:s10] =	ssyncadd.s32 $0xFFFFD800  }
0x2a1: {  	[tilespmem:s19], [sflag:$0x1] =	stream.indirect.gather [hbm4b:s1+s22], $0x80, s9, s22, $0xb8;
	v63 =	vld [tilespmem:$0x0]  }
0x2a2: {  	_ =	swait.ge [sflag:s12], $0x2800  }
0x2a3: {  	[sflag:s12] =	ssyncset.done $0x0  }
0x2a4: {  	s9 =	simm.s32 $0xA80;
	[sflag:s12] =	ssyncadd.s32 $0xFFFFD800  }
0x2a5: {  	[tilespmem:s24], [sflag:$0x2] =	stream.indirect.gather [hbm4b:s1+s22], $0x80, s9, s22, $0xb8;
	v63 =	vld [tilespmem:$0x0]  }
0x2a6: {  	_ =	swait.ge [sflag:s14], $0x2800  }
0x2a7: {  	[sflag:s14] =	ssyncset.done $0x0  }
0x2a8: {  	s9 =	simm.s32 $0xB00;
	[sflag:s14] =	ssyncadd.s32 $0xFFFFD800  }
0x2a9: {  	[tilespmem:s26], [sflag:$0x3] =	stream.indirect.gather [hbm4b:s1+s22], $0x80, s9, s22, $0xb8;
	v63 =	vld [tilespmem:$0x0]  }
0x2aa: {  	_ =	swait.ge [sflag:s16], $0x2800  }
0x2ab: {  	[sflag:s16] =	ssyncset.done $0x0  }
0x2ac: {  	s9 =	simm.s32 $0xB80;
	[sflag:s16] =	ssyncadd.s32 $0xFFFFD800  }
0x2ad: {  	[tilespmem:s29], [sflag:$0x4] =	stream.indirect.gather [hbm4b:s1+s22], $0x80, s9, s22, $0xb8;
	v63 =	vld [tilespmem:$0x0]  }
0x2ae: {  	_ =	swait.ge [sflag:s30], $0x2800  }
0x2af: {  	[sflag:s30] =	ssyncset.done $0x0  }
0x2b0: {  	s9 =	simm.s32 $0x1A00;
	[sflag:s30] =	ssyncadd.s32 $0xFFFFD800  }
0x2b1: {  	[spmem:s3] =	stream.indirect.scatter.add.f32 [tilespmem:s19], [sflag:$0x5], $0x80, s9, s22, $0xb8;
	v63 =	vld [tilespmem:$0x0]  }
0x2b2: {  	_ =	swait.ge [sflag:s10], $0x2800  }
0x2b3: {  	[sflag:s10] =	ssyncset.done $0x0  }
0x2b4: {  	s9 =	simm.s32 $0xC00;
	[sflag:s10] =	ssyncadd.s32 $0xFFFFD800  }
0x2b5: {  	[tilespmem:s19], [sflag:$0x1] =	stream.indirect.gather [hbm4b:s1+s22], $0x80, s9, s22, $0xb8;
	v63 =	vld [tilespmem:$0x0]  }
0x2b6: {  	_ =	swait.ge [sflag:s31], $0x2800  }
0x2b7: {  	[sflag:s31] =	ssyncset.done $0x0  }
0x2b8: {  	s9 =	simm.s32 $0x1A80;
	[sflag:s31] =	ssyncadd.s32 $0xFFFFD800  }
0x2b9: {  	[spmem:s3] =	stream.indirect.scatter.add.f32 [tilespmem:s24], [sflag:$0x6], $0x80, s9, s22, $0xb8;
	v63 =	vld [tilespmem:$0x0]  }
0x2ba: {  	_ =	swait.ge [sflag:s6], $0x2800  }
0x2bb: {  	[sflag:s6] =	ssyncset.done $0x0  }
0x2bc: {  	s9 =	simm.s32 $0x1B00;
	[sflag:s6] =	ssyncadd.s32 $0xFFFFD800  }
0x2bd: {  	[spmem:s3] =	stream.indirect.scatter.add.f32 [tilespmem:s26], [sflag:$0x7], $0x80, s9, s22, $0xb8;
	v63 =	vld [tilespmem:$0x0]  }
0x2be: {  	_ =	swait.ge [sflag:s2], $0x2800  }
0x2bf: {  	[sflag:s2] =	ssyncset.done $0x0  }
0x2c0: {  	s9 =	simm.s32 $0x1B80;
	[sflag:s2] =	ssyncadd.s32 $0xFFFFD800  }
0x2c1: {  	[spmem:s3] =	stream.indirect.scatter.add.f32 [tilespmem:s29], [sflag:$0x8], $0x80, s9, s22, $0xb8;
	v63 =	vld [tilespmem:$0x0]  }
0x2c2: {  	_ =	swait.ge [sflag:s30], $0x2800  }
0x2c3: {  	[sflag:s30] =	ssyncset.done $0x0  }
0x2c4: {  	s9 =	simm.s32 $0x1C00;
	[sflag:s30] =	ssyncadd.s32 $0xFFFFD800  }
0x2c5: {  	[spmem:s3] =	stream.indirect.scatter.add.f32 [tilespmem:s19], [sflag:$0x5], $0x80, s9, s22, $0xb8;
	v63 =	vld [tilespmem:$0x0]  }
0x2c6: {  	_ =	swait.ge [sflag:s10], $0x2800  }
0x2c7: {  	[sflag:s10] =	ssyncset.done $0x0  }
0x2c8: {  	[sflag:s10] =	ssyncadd.s32 $0xFFFFD800  }
0x2c9: {  	_ =	swait.ge [sflag:s12], $0x2800  }
0x2ca: {  	[sflag:s12] =	ssyncset.done $0x0  }
0x2cb: {  	[sflag:s12] =	ssyncadd.s32 $0xFFFFD800  }
.Ltmp4:
0x2cc: {  	_ =	swait.ge [sflag:s14], $0x2800;
	(pc) =	sbr.rel @!p1 .LBB2_5-.Ltmp4, $4  }
0x2cd: {  	[sflag:s14] =	ssyncset.done $0x0  }
0x2ce: {  	[sflag:s14] =	ssyncadd.s32 $0xFFFFD800  }
0x2cf: {  	_ =	swait.ge [sflag:s16], $0x2800  }
0x2d0: {  	s9 =	smov.u32 s11;
	[sflag:s16] =	ssyncset.done $0x0  }
0x2d1: {  	s7 =	sadd.s32 s7, s18;
	[sflag:s16] =	ssyncadd.s32 $0xFFFFD800  }
0x2d2: {  	[tilespmem:s4], [sflag:$0x9] =	stream.linear.gather [hbm4b:s7+s4], $0xC80, $0x38;
	v63 =	vld [tilespmem:$0x0]  }
0x2d3: {  	_ =	swait.ge [sflag:s20], $0xC80  }
0x2d4: {  	[sflag:s20] =	ssyncset.done $0x0  }
0x2d5: {  	s7 =	sadd.s32 $0xA000, s7;
	[sflag:s20] =	ssyncadd.s32 $0xFFFFF380  }
0x2d6: {  	[tilespmem:s21], [sflag:$0x9] =	stream.linear.gather [hbm4b:s7+s4], $0xC80, $0x38;
	v63 =	vld [tilespmem:$0x0]  }
0x2d7: {  	_ =	swait.ge [sflag:s20], $0xC80  }
0x2d8: {  	[sflag:s20] =	ssyncset.done $0x0  }
0x2d9: {  	[sflag:s20] =	ssyncadd.s32 $0xFFFFF380  }
0x2da: {  	[tilespmem:s19], [sflag:$0x1] =	stream.indirect.gather [hbm4b:s1+s22], $0x80, s4, s22, $0xb8;
	v63 =	vld [tilespmem:$0x0]  }
0x2db: {  	_ = 	snop  }
0x2dc: {  	[tilespmem:s24], [sflag:$0x2] =	stream.indirect.gather [hbm4b:s1+s22], $0x80, s13, s22, $0xb8;
	v63 =	vld [tilespmem:$0x0]  }
0x2dd: {  	_ = 	snop  }
0x2de: {  	[tilespmem:s26], [sflag:$0x3] =	stream.indirect.gather [hbm4b:s1+s22], $0x80, s15, s22, $0xb8;
	v63 =	vld [tilespmem:$0x0]  }
0x2df: {  	_ = 	snop  }
0x2e0: {  	[tilespmem:s29], [sflag:$0x4] =	stream.indirect.gather [hbm4b:s1+s22], $0x80, s17, s22, $0xb8;
	v63 =	vld [tilespmem:$0x0]  }
0x2e1: {  	_ =	swait.ge [sflag:s30], $0x2800  }
0x2e2: {  	[sflag:s30] =	ssyncset.done $0x0  }
0x2e3: {  	[sflag:s30] =	ssyncadd.s32 $0xFFFFD800  }
0x2e4: {  	[spmem:s3] =	stream.indirect.scatter.add.f32 [tilespmem:s19], [sflag:$0x5], $0x80, s21, s22, $0xb8;
	v63 =	vld [tilespmem:$0x0]  }
0x2e5: {  	_ =	swait.ge [sflag:s31], $0x2800  }
0x2e6: {  	[sflag:s31] =	ssyncset.done $0x0  }
0x2e7: {  	[sflag:s31] =	ssyncadd.s32 $0xFFFFD800  }
0x2e8: {  	[spmem:s3] =	stream.indirect.scatter.add.f32 [tilespmem:s24], [sflag:$0x6], $0x80, s8, s22, $0xb8;
	v63 =	vld [tilespmem:$0x0]  }
0x2e9: {  	_ =	swait.ge [sflag:s6], $0x2800  }
0x2ea: {  	[sflag:s6] =	ssyncset.done $0x0  }
0x2eb: {  	[sflag:s6] =	ssyncadd.s32 $0xFFFFD800  }
0x2ec: {  	[spmem:s3] =	stream.indirect.scatter.add.f32 [tilespmem:s26], [sflag:$0x7], $0x80, s23, s22, $0xb8;
	v63 =	vld [tilespmem:$0x0]  }
0x2ed: {  	_ =	swait.ge [sflag:s2], $0x2800  }
0x2ee: {  	[sflag:s2] =	ssyncset.done $0x0  }
0x2ef: {  	[sflag:s2] =	ssyncadd.s32 $0xFFFFD800  }
0x2f0: {  	[spmem:s3] =	stream.indirect.scatter.add.f32 [tilespmem:s29], [sflag:$0x8], $0x80, s25, s22, $0xb8;
	v63 =	vld [tilespmem:$0x0]  }
0x2f1: {  	_ =	swait.ge [sflag:s10], $0x2800  }
0x2f2: {  	[sflag:s10] =	ssyncset.done $0x0  }
0x2f3: {  	[sflag:s10] =	ssyncadd.s32 $0xFFFFD800  }
0x2f4: {  	[tilespmem:s19], [sflag:$0x1] =	stream.indirect.gather [hbm4b:s1+s22], $0x80, s28, s22, $0xb8;
	v63 =	vld [tilespmem:$0x0]  }
0x2f5: {  	_ =	swait.ge [sflag:s12], $0x2800  }
0x2f6: {  	[sflag:s12] =	ssyncset.done $0x0  }
0x2f7: {  	[sflag:s12] =	ssyncadd.s32 $0xFFFFD800  }
0x2f8: {  	[tilespmem:s24], [sflag:$0x2] =	stream.indirect.gather [hbm4b:s1+s22], $0x80, s0, s22, $0xb8;
	v63 =	vld [tilespmem:$0x0]  }
0x2f9: {  	_ =	swait.ge [sflag:s14], $0x2800  }
0x2fa: {  	[sflag:s14] =	ssyncset.done $0x0  }
0x2fb: {  	s15 =	simm.s32 $0x300;
	[sflag:s14] =	ssyncadd.s32 $0xFFFFD800  }
0x2fc: {  	[tilespmem:s26], [sflag:$0x3] =	stream.indirect.gather [hbm4b:s1+s22], $0x80, s15, s22, $0xb8;
	v63 =	vld [tilespmem:$0x0]  }
0x2fd: {  	_ =	swait.ge [sflag:s16], $0x2800  }
0x2fe: {  	[sflag:s16] =	ssyncset.done $0x0  }
0x2ff: {  	s17 =	simm.s32 $0x380;
	[sflag:s16] =	ssyncadd.s32 $0xFFFFD800  }
0x300: {  	[tilespmem:s29], [sflag:$0x4] =	stream.indirect.gather [hbm4b:s1+s22], $0x80, s17, s22, $0xb8;
	v63 =	vld [tilespmem:$0x0]  }
0x301: {  	_ =	swait.ge [sflag:s30], $0x2800  }
0x302: {  	[sflag:s30] =	ssyncset.done $0x0  }
0x303: {  	s23 =	simm.s32 $0x1200;
	[sflag:s30] =	ssyncadd.s32 $0xFFFFD800  }
0x304: {  	[spmem:s3] =	stream.indirect.scatter.add.f32 [tilespmem:s19], [sflag:$0x5], $0x80, s23, s22, $0xb8;
	v63 =	vld [tilespmem:$0x0]  }
0x305: {  	_ =	swait.ge [sflag:s31], $0x2800  }
0x306: {  	[sflag:s31] =	ssyncset.done $0x0  }
0x307: {  	s25 =	simm.s32 $0x1280;
	[sflag:s31] =	ssyncadd.s32 $0xFFFFD800  }
0x308: {  	[spmem:s3] =	stream.indirect.scatter.add.f32 [tilespmem:s24], [sflag:$0x6], $0x80, s25, s22, $0xb8;
	v63 =	vld [tilespmem:$0x0]  }
0x309: {  	_ =	swait.ge [sflag:s6], $0x2800  }
0x30a: {  	[sflag:s6] =	ssyncset.done $0x0  }
0x30b: {  	s7 =	simm.s32 $0x1300;
	[sflag:s6] =	ssyncadd.s32 $0xFFFFD800  }
0x30c: {  	[spmem:s3] =	stream.indirect.scatter.add.f32 [tilespmem:s26], [sflag:$0x7], $0x80, s7, s22, $0xb8;
	v63 =	vld [tilespmem:$0x0]  }
0x30d: {  	_ =	swait.ge [sflag:s2], $0x2800  }
0x30e: {  	[sflag:s2] =	ssyncset.done $0x0  }
0x30f: {  	s8 =	simm.s32 $0x1380;
	[sflag:s2] =	ssyncadd.s32 $0xFFFFD800  }
0x310: {  	[spmem:s3] =	stream.indirect.scatter.add.f32 [tilespmem:s29], [sflag:$0x8], $0x80, s8, s22, $0xb8;
	v63 =	vld [tilespmem:$0x0]  }
0x311: {  	_ =	swait.ge [sflag:s10], $0x2800  }
0x312: {  	[sflag:s10] =	ssyncset.done $0x0  }
0x313: {  	s9 =	simm.s32 $0x400;
	[sflag:s10] =	ssyncadd.s32 $0xFFFFD800  }
0x314: {  	[tilespmem:s19], [sflag:$0x1] =	stream.indirect.gather [hbm4b:s1+s22], $0x80, s9, s22, $0xb8;
	v63 =	vld [tilespmem:$0x0]  }
0x315: {  	_ =	swait.ge [sflag:s12], $0x2800  }
0x316: {  	[sflag:s12] =	ssyncset.done $0x0  }
0x317: {  	s11 =	simm.s32 $0x480;
	[sflag:s12] =	ssyncadd.s32 $0xFFFFD800  }
0x318: {  	[tilespmem:s24], [sflag:$0x2] =	stream.indirect.gather [hbm4b:s1+s22], $0x80, s11, s22, $0xb8;
	v63 =	vld [tilespmem:$0x0]  }
0x319: {  	_ =	swait.ge [sflag:s14], $0x2800  }
0x31a: {  	[sflag:s14] =	ssyncset.done $0x0  }
0x31b: {  	s13 =	simm.s32 $0x500;
	[sflag:s14] =	ssyncadd.s32 $0xFFFFD800  }
0x31c: {  	[tilespmem:s26], [sflag:$0x3] =	stream.indirect.gather [hbm4b:s1+s22], $0x80, s13, s22, $0xb8;
	v63 =	vld [tilespmem:$0x0]  }
0x31d: {  	_ =	swait.ge [sflag:s16], $0x2800  }
0x31e: {  	[sflag:s16] =	ssyncset.done $0x0  }
0x31f: {  	s15 =	simm.s32 $0x580;
	[sflag:s16] =	ssyncadd.s32 $0xFFFFD800  }
0x320: {  	[tilespmem:s29], [sflag:$0x4] =	stream.indirect.gather [hbm4b:s1+s22], $0x80, s15, s22, $0xb8;
	v63 =	vld [tilespmem:$0x0]  }
0x321: {  	_ =	swait.ge [sflag:s30], $0x2800  }
0x322: {  	[sflag:s30] =	ssyncset.done $0x0  }
0x323: {  	s17 =	simm.s32 $0x1400;
	[sflag:s30] =	ssyncadd.s32 $0xFFFFD800  }
0x324: {  	[spmem:s3] =	stream.indirect.scatter.add.f32 [tilespmem:s19], [sflag:$0x5], $0x80, s17, s22, $0xb8;
	v63 =	vld [tilespmem:$0x0]  }
0x325: {  	_ =	swait.ge [sflag:s31], $0x2800  }
0x326: {  	[sflag:s31] =	ssyncset.done $0x0  }
0x327: {  	s23 =	simm.s32 $0x1480;
	[sflag:s31] =	ssyncadd.s32 $0xFFFFD800  }
0x328: {  	[spmem:s3] =	stream.indirect.scatter.add.f32 [tilespmem:s24], [sflag:$0x6], $0x80, s23, s22, $0xb8;
	v63 =	vld [tilespmem:$0x0]  }
0x329: {  	_ =	swait.ge [sflag:s6], $0x2800  }
0x32a: {  	[sflag:s6] =	ssyncset.done $0x0  }
0x32b: {  	s25 =	simm.s32 $0x1500;
	[sflag:s6] =	ssyncadd.s32 $0xFFFFD800  }
0x32c: {  	[spmem:s3] =	stream.indirect.scatter.add.f32 [tilespmem:s26], [sflag:$0x7], $0x80, s25, s22, $0xb8;
	v63 =	vld [tilespmem:$0x0]  }
0x32d: {  	_ =	swait.ge [sflag:s2], $0x2800  }
0x32e: {  	[sflag:s2] =	ssyncset.done $0x0  }
0x32f: {  	s7 =	simm.s32 $0x1580;
	[sflag:s2] =	ssyncadd.s32 $0xFFFFD800  }
0x330: {  	[spmem:s3] =	stream.indirect.scatter.add.f32 [tilespmem:s29], [sflag:$0x8], $0x80, s7, s22, $0xb8;
	v63 =	vld [tilespmem:$0x0]  }
0x331: {  	_ =	swait.ge [sflag:s10], $0x2800  }
0x332: {  	[sflag:s10] =	ssyncset.done $0x0  }
0x333: {  	s8 =	simm.s32 $0x600;
	[sflag:s10] =	ssyncadd.s32 $0xFFFFD800  }
0x334: {  	[tilespmem:s19], [sflag:$0x1] =	stream.indirect.gather [hbm4b:s1+s22], $0x80, s8, s22, $0xb8;
	v63 =	vld [tilespmem:$0x0]  }
0x335: {  	_ =	swait.ge [sflag:s12], $0x2800  }
0x336: {  	[sflag:s12] =	ssyncset.done $0x0  }
0x337: {  	s9 =	simm.s32 $0x680;
	[sflag:s12] =	ssyncadd.s32 $0xFFFFD800  }
0x338: {  	[tilespmem:s24], [sflag:$0x2] =	stream.indirect.gather [hbm4b:s1+s22], $0x80, s9, s22, $0xb8;
	v63 =	vld [tilespmem:$0x0]  }
0x339: {  	_ =	swait.ge [sflag:s14], $0x2800  }
0x33a: {  	[sflag:s14] =	ssyncset.done $0x0  }
0x33b: {  	s11 =	simm.s32 $0x700;
	[sflag:s14] =	ssyncadd.s32 $0xFFFFD800  }
0x33c: {  	[tilespmem:s26], [sflag:$0x3] =	stream.indirect.gather [hbm4b:s1+s22], $0x80, s11, s22, $0xb8;
	v63 =	vld [tilespmem:$0x0]  }
0x33d: {  	_ =	swait.ge [sflag:s16], $0x2800  }
0x33e: {  	[sflag:s16] =	ssyncset.done $0x0  }
0x33f: {  	s13 =	simm.s32 $0x780;
	[sflag:s16] =	ssyncadd.s32 $0xFFFFD800  }
0x340: {  	[tilespmem:s29], [sflag:$0x4] =	stream.indirect.gather [hbm4b:s1+s22], $0x80, s13, s22, $0xb8;
	v63 =	vld [tilespmem:$0x0]  }
0x341: {  	_ =	swait.ge [sflag:s30], $0x2800  }
0x342: {  	[sflag:s30] =	ssyncset.done $0x0  }
0x343: {  	s15 =	simm.s32 $0x1600;
	[sflag:s30] =	ssyncadd.s32 $0xFFFFD800  }
0x344: {  	[spmem:s3] =	stream.indirect.scatter.add.f32 [tilespmem:s19], [sflag:$0x5], $0x80, s15, s22, $0xb8;
	v63 =	vld [tilespmem:$0x0]  }
0x345: {  	_ =	swait.ge [sflag:s31], $0x2800  }
0x346: {  	[sflag:s31] =	ssyncset.done $0x0  }
0x347: {  	s17 =	simm.s32 $0x1680;
	[sflag:s31] =	ssyncadd.s32 $0xFFFFD800  }
0x348: {  	[spmem:s3] =	stream.indirect.scatter.add.f32 [tilespmem:s24], [sflag:$0x6], $0x80, s17, s22, $0xb8;
	v63 =	vld [tilespmem:$0x0]  }
0x349: {  	_ =	swait.ge [sflag:s6], $0x2800  }
0x34a: {  	[sflag:s6] =	ssyncset.done $0x0  }
0x34b: {  	s23 =	simm.s32 $0x1700;
	[sflag:s6] =	ssyncadd.s32 $0xFFFFD800  }
0x34c: {  	[spmem:s3] =	stream.indirect.scatter.add.f32 [tilespmem:s26], [sflag:$0x7], $0x80, s23, s22, $0xb8;
	v63 =	vld [tilespmem:$0x0]  }
0x34d: {  	_ =	swait.ge [sflag:s2], $0x2800  }
0x34e: {  	[sflag:s2] =	ssyncset.done $0x0  }
0x34f: {  	s25 =	simm.s32 $0x1780;
	[sflag:s2] =	ssyncadd.s32 $0xFFFFD800  }
0x350: {  	[spmem:s3] =	stream.indirect.scatter.add.f32 [tilespmem:s29], [sflag:$0x8], $0x80, s25, s22, $0xb8;
	v63 =	vld [tilespmem:$0x0]  }
0x351: {  	_ =	swait.ge [sflag:s10], $0x2800  }
0x352: {  	[sflag:s10] =	ssyncset.done $0x0  }
0x353: {  	s7 =	simm.s32 $0x800;
	[sflag:s10] =	ssyncadd.s32 $0xFFFFD800  }
0x354: {  	[tilespmem:s19], [sflag:$0x1] =	stream.indirect.gather [hbm4b:s1+s22], $0x80, s7, s22, $0xb8;
	v63 =	vld [tilespmem:$0x0]  }
0x355: {  	_ =	swait.ge [sflag:s12], $0x2800  }
0x356: {  	[sflag:s12] =	ssyncset.done $0x0  }
0x357: {  	s8 =	simm.s32 $0x880;
	[sflag:s12] =	ssyncadd.s32 $0xFFFFD800  }
0x358: {  	[tilespmem:s24], [sflag:$0x2] =	stream.indirect.gather [hbm4b:s1+s22], $0x80, s8, s22, $0xb8;
	v63 =	vld [tilespmem:$0x0]  }
0x359: {  	_ =	swait.ge [sflag:s14], $0x2800  }
0x35a: {  	[sflag:s14] =	ssyncset.done $0x0  }
0x35b: {  	s9 =	simm.s32 $0x900;
	[sflag:s14] =	ssyncadd.s32 $0xFFFFD800  }
0x35c: {  	[tilespmem:s26], [sflag:$0x3] =	stream.indirect.gather [hbm4b:s1+s22], $0x80, s9, s22, $0xb8;
	v63 =	vld [tilespmem:$0x0]  }
0x35d: {  	_ =	swait.ge [sflag:s16], $0x2800  }
0x35e: {  	[sflag:s16] =	ssyncset.done $0x0  }
0x35f: {  	s11 =	simm.s32 $0x980;
	[sflag:s16] =	ssyncadd.s32 $0xFFFFD800  }
0x360: {  	[tilespmem:s29], [sflag:$0x4] =	stream.indirect.gather [hbm4b:s1+s22], $0x80, s11, s22, $0xb8;
	v63 =	vld [tilespmem:$0x0]  }
0x361: {  	_ =	swait.ge [sflag:s30], $0x2800  }
0x362: {  	[sflag:s30] =	ssyncset.done $0x0  }
0x363: {  	s13 =	simm.s32 $0x1800;
	[sflag:s30] =	ssyncadd.s32 $0xFFFFD800  }
0x364: {  	[spmem:s3] =	stream.indirect.scatter.add.f32 [tilespmem:s19], [sflag:$0x5], $0x80, s13, s22, $0xb8;
	v63 =	vld [tilespmem:$0x0]  }
0x365: {  	_ =	swait.ge [sflag:s31], $0x2800  }
0x366: {  	[sflag:s31] =	ssyncset.done $0x0  }
0x367: {  	s15 =	simm.s32 $0x1880;
	[sflag:s31] =	ssyncadd.s32 $0xFFFFD800  }
0x368: {  	[spmem:s3] =	stream.indirect.scatter.add.f32 [tilespmem:s24], [sflag:$0x6], $0x80, s15, s22, $0xb8;
	v63 =	vld [tilespmem:$0x0]  }
0x369: {  	_ =	swait.ge [sflag:s6], $0x2800  }
0x36a: {  	[sflag:s6] =	ssyncset.done $0x0  }
0x36b: {  	s17 =	simm.s32 $0x1900;
	[sflag:s6] =	ssyncadd.s32 $0xFFFFD800  }
0x36c: {  	[spmem:s3] =	stream.indirect.scatter.add.f32 [tilespmem:s26], [sflag:$0x7], $0x80, s17, s22, $0xb8;
	v63 =	vld [tilespmem:$0x0]  }
0x36d: {  	_ =	swait.ge [sflag:s2], $0x2800  }
0x36e: {  	[sflag:s2] =	ssyncset.done $0x0  }
0x36f: {  	s23 =	simm.s32 $0x1980;
	[sflag:s2] =	ssyncadd.s32 $0xFFFFD800  }
0x370: {  	[spmem:s3] =	stream.indirect.scatter.add.f32 [tilespmem:s29], [sflag:$0x8], $0x80, s23, s22, $0xb8;
	v63 =	vld [tilespmem:$0x0]  }
0x371: {  	_ =	swait.ge [sflag:s10], $0x2800  }
0x372: {  	[sflag:s10] =	ssyncset.done $0x0  }
0x373: {  	s25 =	simm.s32 $0xA00;
	[sflag:s10] =	ssyncadd.s32 $0xFFFFD800  }
0x374: {  	[tilespmem:s19], [sflag:$0x1] =	stream.indirect.gather [hbm4b:s1+s22], $0x80, s25, s22, $0xb8;
	v63 =	vld [tilespmem:$0x0]  }
0x375: {  	_ =	swait.ge [sflag:s12], $0x2800  }
0x376: {  	[sflag:s12] =	ssyncset.done $0x0  }
0x377: {  	s7 =	simm.s32 $0xA80;
	[sflag:s12] =	ssyncadd.s32 $0xFFFFD800  }
0x378: {  	[tilespmem:s24], [sflag:$0x2] =	stream.indirect.gather [hbm4b:s1+s22], $0x80, s7, s22, $0xb8;
	v63 =	vld [tilespmem:$0x0]  }
0x379: {  	_ =	swait.ge [sflag:s14], $0x2800  }
0x37a: {  	[sflag:s14] =	ssyncset.done $0x0  }
0x37b: {  	s8 =	simm.s32 $0xB00;
	[sflag:s14] =	ssyncadd.s32 $0xFFFFD800  }
0x37c: {  	[tilespmem:s26], [sflag:$0x3] =	stream.indirect.gather [hbm4b:s1+s22], $0x80, s8, s22, $0xb8;
	v63 =	vld [tilespmem:$0x0]  }
0x37d: {  	_ =	swait.ge [sflag:s16], $0x2800  }
0x37e: {  	[sflag:s16] =	ssyncset.done $0x0  }
0x37f: {  	s9 =	simm.s32 $0xB80;
	[sflag:s16] =	ssyncadd.s32 $0xFFFFD800  }
0x380: {  	[tilespmem:s29], [sflag:$0x4] =	stream.indirect.gather [hbm4b:s1+s22], $0x80, s9, s22, $0xb8;
	v63 =	vld [tilespmem:$0x0]  }
0x381: {  	_ =	swait.ge [sflag:s30], $0x2800  }
0x382: {  	[sflag:s30] =	ssyncset.done $0x0  }
0x383: {  	s11 =	simm.s32 $0x1A00;
	[sflag:s30] =	ssyncadd.s32 $0xFFFFD800  }
0x384: {  	[spmem:s3] =	stream.indirect.scatter.add.f32 [tilespmem:s19], [sflag:$0x5], $0x80, s11, s22, $0xb8;
	v63 =	vld [tilespmem:$0x0]  }
0x385: {  	_ =	swait.ge [sflag:s10], $0x2800  }
0x386: {  	[sflag:s10] =	ssyncset.done $0x0  }
0x387: {  	s13 =	simm.s32 $0xC00;
	[sflag:s10] =	ssyncadd.s32 $0xFFFFD800  }
0x388: {  	[tilespmem:s19], [sflag:$0x1] =	stream.indirect.gather [hbm4b:s1+s22], $0x80, s13, s22, $0xb8;
	v63 =	vld [tilespmem:$0x0]  }
0x389: {  	_ =	swait.ge [sflag:s31], $0x2800  }
0x38a: {  	[sflag:s31] =	ssyncset.done $0x0  }
0x38b: {  	s15 =	simm.s32 $0x1A80;
	[sflag:s31] =	ssyncadd.s32 $0xFFFFD800  }
0x38c: {  	[spmem:s3] =	stream.indirect.scatter.add.f32 [tilespmem:s24], [sflag:$0x6], $0x80, s15, s22, $0xb8;
	v63 =	vld [tilespmem:$0x0]  }
0x38d: {  	_ =	swait.ge [sflag:s6], $0x2800  }
0x38e: {  	[sflag:s6] =	ssyncset.done $0x0  }
0x38f: {  	s17 =	simm.s32 $0x1B00;
	[sflag:s6] =	ssyncadd.s32 $0xFFFFD800  }
0x390: {  	[spmem:s3] =	stream.indirect.scatter.add.f32 [tilespmem:s26], [sflag:$0x7], $0x80, s17, s22, $0xb8;
	v63 =	vld [tilespmem:$0x0]  }
0x391: {  	_ =	swait.ge [sflag:s2], $0x2800  }
0x392: {  	[sflag:s2] =	ssyncset.done $0x0  }
0x393: {  	s23 =	simm.s32 $0x1B80;
	[sflag:s2] =	ssyncadd.s32 $0xFFFFD800  }
0x394: {  	[spmem:s3] =	stream.indirect.scatter.add.f32 [tilespmem:s29], [sflag:$0x8], $0x80, s23, s22, $0xb8;
	v63 =	vld [tilespmem:$0x0]  }
0x395: {  	_ =	swait.ge [sflag:s30], $0x2800  }
0x396: {  	[sflag:s30] =	ssyncset.done $0x0  }
0x397: {  	s25 =	simm.s32 $0x1C00;
	[sflag:s30] =	ssyncadd.s32 $0xFFFFD800  }
0x398: {  	[spmem:s3] =	stream.indirect.scatter.add.f32 [tilespmem:s19], [sflag:$0x5], $0x80, s25, s22, $0xb8;
	v63 =	vld [tilespmem:$0x0]  }
0x399: {  	_ =	swait.ge [sflag:s10], $0x2800  }
0x39a: {  	[sflag:s10] =	ssyncset.done $0x0  }
0x39b: {  	[sflag:s10] =	ssyncadd.s32 $0xFFFFD800  }
0x39c: {  	_ =	swait.ge [sflag:s12], $0x2800  }
0x39d: {  	[sflag:s12] =	ssyncset.done $0x0  }
0x39e: {  	[sflag:s12] =	ssyncadd.s32 $0xFFFFD800  }
0x39f: {  	_ =	swait.ge [sflag:s14], $0x2800  }
.Ltmp5:
0x3a0: {  	[sflag:s14] =	ssyncset.done $0x0;
	(pc) =	sbr.rel .LBB2_10-.Ltmp5, $4  }
0x3a1: {  	s0 =	simm.s32 $0x280;
	s8 =	simm.s32 $0x1080;
	[sflag:s14] =	ssyncadd.s32 $0xFFFFD800  }
0x3a2: {  	s15 =	simm.s32 $0x180;
	s17 =	simm.s32 $0x1100;
	_ =	swait.ge [sflag:s16], $0x2800  }
0x3a3: {  	s23 =	simm.s32 $0x1180;
	[sflag:s16] =	ssyncset.done $0x0;
	s7 =	rddreg [dreg:$0x4]  }
0x3a4: {  	s25 =	simm.s32 $0x200;
	s28 =	rddreg [dreg:$0x10];
	[sflag:s16] =	ssyncadd.s32 $0xFFFFD800  }
.LBB2_7:
0x3a5: {  	[tilespmem:s4], [sflag:$0x9] =	stream.linear.gather [hbm4b:s7+s4], $0xC80, $0x38;
	v63 =	vld [tilespmem:$0x0]  }
0x3a6: {  	_ =	swait.ge [sflag:s20], $0xC80  }
0x3a7: {  	[sflag:s20] =	ssyncset.done $0x0  }
0x3a8: {  	s9 =	sadd.s32 $0xA000, s7;
	[sflag:s20] =	ssyncadd.s32 $0xFFFFF380  }
0x3a9: {  	[tilespmem:s21], [sflag:$0x9] =	stream.linear.gather [hbm4b:s9+s4], $0xC80, $0x38;
	v63 =	vld [tilespmem:$0x0]  }
0x3aa: {  	_ =	swait.ge [sflag:s20], $0xC80  }
0x3ab: {  	[sflag:s20] =	ssyncset.done $0x0  }
0x3ac: {  	[sflag:s20] =	ssyncadd.s32 $0xFFFFF380  }
0x3ad: {  	[tilespmem:s19], [sflag:$0x1] =	stream.indirect.gather [hbm4b:s5+s22], $0x80, s4, s22, $0xb8;
	v63 =	vld [tilespmem:$0x0]  }
0x3ae: {  	s13 =	simm.s32 $0x80  }
0x3af: {  	[tilespmem:s24], [sflag:$0x2] =	stream.indirect.gather [hbm4b:s5+s22], $0x80, s13, s22, $0xb8;
	v63 =	vld [tilespmem:$0x0]  }
0x3b0: {  	_ = 	snop  }
0x3b1: {  	[tilespmem:s26], [sflag:$0x3] =	stream.indirect.gather [hbm4b:s5+s22], $0x80, s11, s22, $0xb8;
	v63 =	vld [tilespmem:$0x0]  }
0x3b2: {  	_ = 	snop  }
0x3b3: {  	[tilespmem:s29], [sflag:$0x4] =	stream.indirect.gather [hbm4b:s5+s22], $0x80, s15, s22, $0xb8;
	v63 =	vld [tilespmem:$0x0]  }
0x3b4: {  	_ =	swait.ge [sflag:s30], $0x2800  }
0x3b5: {  	[sflag:s30] =	ssyncset.done $0x0  }
0x3b6: {  	[sflag:s30] =	ssyncadd.s32 $0xFFFFD800  }
0x3b7: {  	[spmem:s3] =	stream.indirect.scatter.add.f32 [tilespmem:s19], [sflag:$0x5], $0x80, s21, s22, $0xb8;
	v63 =	vld [tilespmem:$0x0]  }
0x3b8: {  	_ =	swait.ge [sflag:s31], $0x2800  }
0x3b9: {  	[sflag:s31] =	ssyncset.done $0x0  }
0x3ba: {  	[sflag:s31] =	ssyncadd.s32 $0xFFFFD800  }
0x3bb: {  	[spmem:s3] =	stream.indirect.scatter.add.f32 [tilespmem:s24], [sflag:$0x6], $0x80, s8, s22, $0xb8;
	v63 =	vld [tilespmem:$0x0]  }
0x3bc: {  	_ =	swait.ge [sflag:s6], $0x2800  }
0x3bd: {  	[sflag:s6] =	ssyncset.done $0x0  }
0x3be: {  	[sflag:s6] =	ssyncadd.s32 $0xFFFFD800  }
0x3bf: {  	[spmem:s3] =	stream.indirect.scatter.add.f32 [tilespmem:s26], [sflag:$0x7], $0x80, s17, s22, $0xb8;
	v63 =	vld [tilespmem:$0x0]  }
0x3c0: {  	_ =	swait.ge [sflag:s2], $0x2800  }
0x3c1: {  	[sflag:s2] =	ssyncset.done $0x0  }
0x3c2: {  	[sflag:s2] =	ssyncadd.s32 $0xFFFFD800  }
0x3c3: {  	[spmem:s3] =	stream.indirect.scatter.add.f32 [tilespmem:s29], [sflag:$0x8], $0x80, s23, s22, $0xb8;
	v63 =	vld [tilespmem:$0x0]  }
0x3c4: {  	_ =	swait.ge [sflag:s10], $0x2800  }
0x3c5: {  	[sflag:s10] =	ssyncset.done $0x0  }
0x3c6: {  	[sflag:s10] =	ssyncadd.s32 $0xFFFFD800  }
0x3c7: {  	[tilespmem:s19], [sflag:$0x1] =	stream.indirect.gather [hbm4b:s5+s22], $0x80, s25, s22, $0xb8;
	v63 =	vld [tilespmem:$0x0]  }
0x3c8: {  	_ =	swait.ge [sflag:s12], $0x2800  }
0x3c9: {  	[sflag:s12] =	ssyncset.done $0x0  }
0x3ca: {  	[sflag:s12] =	ssyncadd.s32 $0xFFFFD800  }
0x3cb: {  	[tilespmem:s24], [sflag:$0x2] =	stream.indirect.gather [hbm4b:s5+s22], $0x80, s0, s22, $0xb8;
	v63 =	vld [tilespmem:$0x0]  }
0x3cc: {  	_ =	swait.ge [sflag:s14], $0x2800  }
0x3cd: {  	[sflag:s14] =	ssyncset.done $0x0  }
0x3ce: {  	s15 =	simm.s32 $0x300;
	[sflag:s14] =	ssyncadd.s32 $0xFFFFD800  }
0x3cf: {  	[tilespmem:s26], [sflag:$0x3] =	stream.indirect.gather [hbm4b:s5+s22], $0x80, s15, s22, $0xb8;
	v63 =	vld [tilespmem:$0x0]  }
0x3d0: {  	_ =	swait.ge [sflag:s16], $0x2800  }
0x3d1: {  	[sflag:s16] =	ssyncset.done $0x0  }
0x3d2: {  	s17 =	simm.s32 $0x380;
	[sflag:s16] =	ssyncadd.s32 $0xFFFFD800  }
0x3d3: {  	[tilespmem:s29], [sflag:$0x4] =	stream.indirect.gather [hbm4b:s5+s22], $0x80, s17, s22, $0xb8;
	v63 =	vld [tilespmem:$0x0]  }
0x3d4: {  	_ =	swait.ge [sflag:s30], $0x2800  }
0x3d5: {  	[sflag:s30] =	ssyncset.done $0x0  }
0x3d6: {  	s23 =	simm.s32 $0x1200;
	[sflag:s30] =	ssyncadd.s32 $0xFFFFD800  }
0x3d7: {  	[spmem:s3] =	stream.indirect.scatter.add.f32 [tilespmem:s19], [sflag:$0x5], $0x80, s23, s22, $0xb8;
	v63 =	vld [tilespmem:$0x0]  }
0x3d8: {  	_ =	swait.ge [sflag:s31], $0x2800  }
0x3d9: {  	[sflag:s31] =	ssyncset.done $0x0  }
0x3da: {  	s25 =	simm.s32 $0x1280;
	[sflag:s31] =	ssyncadd.s32 $0xFFFFD800  }
0x3db: {  	[spmem:s3] =	stream.indirect.scatter.add.f32 [tilespmem:s24], [sflag:$0x6], $0x80, s25, s22, $0xb8;
	v63 =	vld [tilespmem:$0x0]  }
0x3dc: {  	_ =	swait.ge [sflag:s6], $0x2800  }
0x3dd: {  	[sflag:s6] =	ssyncset.done $0x0  }
0x3de: {  	s7 =	simm.s32 $0x1300;
	[sflag:s6] =	ssyncadd.s32 $0xFFFFD800  }
0x3df: {  	[spmem:s3] =	stream.indirect.scatter.add.f32 [tilespmem:s26], [sflag:$0x7], $0x80, s7, s22, $0xb8;
	v63 =	vld [tilespmem:$0x0]  }
0x3e0: {  	_ =	swait.ge [sflag:s2], $0x2800  }
0x3e1: {  	[sflag:s2] =	ssyncset.done $0x0  }
0x3e2: {  	s8 =	simm.s32 $0x1380;
	[sflag:s2] =	ssyncadd.s32 $0xFFFFD800  }
0x3e3: {  	[spmem:s3] =	stream.indirect.scatter.add.f32 [tilespmem:s29], [sflag:$0x8], $0x80, s8, s22, $0xb8;
	v63 =	vld [tilespmem:$0x0]  }
0x3e4: {  	_ =	swait.ge [sflag:s10], $0x2800  }
0x3e5: {  	[sflag:s10] =	ssyncset.done $0x0  }
0x3e6: {  	s9 =	simm.s32 $0x400;
	[sflag:s10] =	ssyncadd.s32 $0xFFFFD800  }
0x3e7: {  	[tilespmem:s19], [sflag:$0x1] =	stream.indirect.gather [hbm4b:s5+s22], $0x80, s9, s22, $0xb8;
	v63 =	vld [tilespmem:$0x0]  }
0x3e8: {  	_ =	swait.ge [sflag:s12], $0x2800  }
0x3e9: {  	[sflag:s12] =	ssyncset.done $0x0  }
0x3ea: {  	s11 =	simm.s32 $0x480;
	[sflag:s12] =	ssyncadd.s32 $0xFFFFD800  }
0x3eb: {  	[tilespmem:s24], [sflag:$0x2] =	stream.indirect.gather [hbm4b:s5+s22], $0x80, s11, s22, $0xb8;
	v63 =	vld [tilespmem:$0x0]  }
0x3ec: {  	_ =	swait.ge [sflag:s14], $0x2800  }
0x3ed: {  	[sflag:s14] =	ssyncset.done $0x0  }
0x3ee: {  	s13 =	simm.s32 $0x500;
	[sflag:s14] =	ssyncadd.s32 $0xFFFFD800  }
0x3ef: {  	[tilespmem:s26], [sflag:$0x3] =	stream.indirect.gather [hbm4b:s5+s22], $0x80, s13, s22, $0xb8;
	v63 =	vld [tilespmem:$0x0]  }
0x3f0: {  	_ =	swait.ge [sflag:s16], $0x2800  }
0x3f1: {  	[sflag:s16] =	ssyncset.done $0x0  }
0x3f2: {  	s15 =	simm.s32 $0x580;
	[sflag:s16] =	ssyncadd.s32 $0xFFFFD800  }
0x3f3: {  	[tilespmem:s29], [sflag:$0x4] =	stream.indirect.gather [hbm4b:s5+s22], $0x80, s15, s22, $0xb8;
	v63 =	vld [tilespmem:$0x0]  }
0x3f4: {  	_ =	swait.ge [sflag:s30], $0x2800  }
0x3f5: {  	[sflag:s30] =	ssyncset.done $0x0  }
0x3f6: {  	s17 =	simm.s32 $0x1400;
	[sflag:s30] =	ssyncadd.s32 $0xFFFFD800  }
0x3f7: {  	[spmem:s3] =	stream.indirect.scatter.add.f32 [tilespmem:s19], [sflag:$0x5], $0x80, s17, s22, $0xb8;
	v63 =	vld [tilespmem:$0x0]  }
0x3f8: {  	_ =	swait.ge [sflag:s31], $0x2800  }
0x3f9: {  	[sflag:s31] =	ssyncset.done $0x0  }
0x3fa: {  	s23 =	simm.s32 $0x1480;
	[sflag:s31] =	ssyncadd.s32 $0xFFFFD800  }
0x3fb: {  	[spmem:s3] =	stream.indirect.scatter.add.f32 [tilespmem:s24], [sflag:$0x6], $0x80, s23, s22, $0xb8;
	v63 =	vld [tilespmem:$0x0]  }
0x3fc: {  	_ =	swait.ge [sflag:s6], $0x2800  }
0x3fd: {  	[sflag:s6] =	ssyncset.done $0x0  }
0x3fe: {  	s25 =	simm.s32 $0x1500;
	[sflag:s6] =	ssyncadd.s32 $0xFFFFD800  }
0x3ff: {  	[spmem:s3] =	stream.indirect.scatter.add.f32 [tilespmem:s26], [sflag:$0x7], $0x80, s25, s22, $0xb8;
	v63 =	vld [tilespmem:$0x0]  }
0x400: {  	_ =	swait.ge [sflag:s2], $0x2800  }
0x401: {  	[sflag:s2] =	ssyncset.done $0x0  }
0x402: {  	s7 =	simm.s32 $0x1580;
	[sflag:s2] =	ssyncadd.s32 $0xFFFFD800  }
0x403: {  	[spmem:s3] =	stream.indirect.scatter.add.f32 [tilespmem:s29], [sflag:$0x8], $0x80, s7, s22, $0xb8;
	v63 =	vld [tilespmem:$0x0]  }
0x404: {  	_ =	swait.ge [sflag:s10], $0x2800  }
0x405: {  	[sflag:s10] =	ssyncset.done $0x0  }
0x406: {  	s8 =	simm.s32 $0x600;
	[sflag:s10] =	ssyncadd.s32 $0xFFFFD800  }
0x407: {  	[tilespmem:s19], [sflag:$0x1] =	stream.indirect.gather [hbm4b:s5+s22], $0x80, s8, s22, $0xb8;
	v63 =	vld [tilespmem:$0x0]  }
0x408: {  	_ =	swait.ge [sflag:s12], $0x2800  }
0x409: {  	[sflag:s12] =	ssyncset.done $0x0  }
0x40a: {  	s9 =	simm.s32 $0x680;
	[sflag:s12] =	ssyncadd.s32 $0xFFFFD800  }
0x40b: {  	[tilespmem:s24], [sflag:$0x2] =	stream.indirect.gather [hbm4b:s5+s22], $0x80, s9, s22, $0xb8;
	v63 =	vld [tilespmem:$0x0]  }
0x40c: {  	_ =	swait.ge [sflag:s14], $0x2800  }
0x40d: {  	[sflag:s14] =	ssyncset.done $0x0  }
0x40e: {  	s11 =	simm.s32 $0x700;
	[sflag:s14] =	ssyncadd.s32 $0xFFFFD800  }
0x40f: {  	[tilespmem:s26], [sflag:$0x3] =	stream.indirect.gather [hbm4b:s5+s22], $0x80, s11, s22, $0xb8;
	v63 =	vld [tilespmem:$0x0]  }
0x410: {  	_ =	swait.ge [sflag:s16], $0x2800  }
0x411: {  	[sflag:s16] =	ssyncset.done $0x0  }
0x412: {  	s13 =	simm.s32 $0x780;
	[sflag:s16] =	ssyncadd.s32 $0xFFFFD800  }
0x413: {  	[tilespmem:s29], [sflag:$0x4] =	stream.indirect.gather [hbm4b:s5+s22], $0x80, s13, s22, $0xb8;
	v63 =	vld [tilespmem:$0x0]  }
0x414: {  	_ =	swait.ge [sflag:s30], $0x2800  }
0x415: {  	[sflag:s30] =	ssyncset.done $0x0  }
0x416: {  	s15 =	simm.s32 $0x1600;
	[sflag:s30] =	ssyncadd.s32 $0xFFFFD800  }
0x417: {  	[spmem:s3] =	stream.indirect.scatter.add.f32 [tilespmem:s19], [sflag:$0x5], $0x80, s15, s22, $0xb8;
	v63 =	vld [tilespmem:$0x0]  }
0x418: {  	_ =	swait.ge [sflag:s31], $0x2800  }
0x419: {  	[sflag:s31] =	ssyncset.done $0x0  }
0x41a: {  	s17 =	simm.s32 $0x1680;
	[sflag:s31] =	ssyncadd.s32 $0xFFFFD800  }
0x41b: {  	[spmem:s3] =	stream.indirect.scatter.add.f32 [tilespmem:s24], [sflag:$0x6], $0x80, s17, s22, $0xb8;
	v63 =	vld [tilespmem:$0x0]  }
0x41c: {  	_ =	swait.ge [sflag:s6], $0x2800  }
0x41d: {  	[sflag:s6] =	ssyncset.done $0x0  }
0x41e: {  	s23 =	simm.s32 $0x1700;
	[sflag:s6] =	ssyncadd.s32 $0xFFFFD800  }
0x41f: {  	[spmem:s3] =	stream.indirect.scatter.add.f32 [tilespmem:s26], [sflag:$0x7], $0x80, s23, s22, $0xb8;
	v63 =	vld [tilespmem:$0x0]  }
0x420: {  	_ =	swait.ge [sflag:s2], $0x2800  }
0x421: {  	[sflag:s2] =	ssyncset.done $0x0  }
0x422: {  	s25 =	simm.s32 $0x1780;
	[sflag:s2] =	ssyncadd.s32 $0xFFFFD800  }
0x423: {  	[spmem:s3] =	stream.indirect.scatter.add.f32 [tilespmem:s29], [sflag:$0x8], $0x80, s25, s22, $0xb8;
	v63 =	vld [tilespmem:$0x0]  }
0x424: {  	_ =	swait.ge [sflag:s10], $0x2800  }
0x425: {  	[sflag:s10] =	ssyncset.done $0x0  }
0x426: {  	s7 =	simm.s32 $0x800;
	[sflag:s10] =	ssyncadd.s32 $0xFFFFD800  }
0x427: {  	[tilespmem:s19], [sflag:$0x1] =	stream.indirect.gather [hbm4b:s5+s22], $0x80, s7, s22, $0xb8;
	v63 =	vld [tilespmem:$0x0]  }
0x428: {  	_ =	swait.ge [sflag:s12], $0x2800  }
0x429: {  	[sflag:s12] =	ssyncset.done $0x0  }
0x42a: {  	s8 =	simm.s32 $0x880;
	[sflag:s12] =	ssyncadd.s32 $0xFFFFD800  }
0x42b: {  	[tilespmem:s24], [sflag:$0x2] =	stream.indirect.gather [hbm4b:s5+s22], $0x80, s8, s22, $0xb8;
	v63 =	vld [tilespmem:$0x0]  }
0x42c: {  	_ =	swait.ge [sflag:s14], $0x2800  }
0x42d: {  	[sflag:s14] =	ssyncset.done $0x0  }
0x42e: {  	s9 =	simm.s32 $0x900;
	[sflag:s14] =	ssyncadd.s32 $0xFFFFD800  }
0x42f: {  	[tilespmem:s26], [sflag:$0x3] =	stream.indirect.gather [hbm4b:s5+s22], $0x80, s9, s22, $0xb8;
	v63 =	vld [tilespmem:$0x0]  }
0x430: {  	_ =	swait.ge [sflag:s16], $0x2800  }
0x431: {  	[sflag:s16] =	ssyncset.done $0x0  }
0x432: {  	s11 =	simm.s32 $0x980;
	[sflag:s16] =	ssyncadd.s32 $0xFFFFD800  }
0x433: {  	[tilespmem:s29], [sflag:$0x4] =	stream.indirect.gather [hbm4b:s5+s22], $0x80, s11, s22, $0xb8;
	v63 =	vld [tilespmem:$0x0]  }
0x434: {  	_ =	swait.ge [sflag:s30], $0x2800  }
0x435: {  	[sflag:s30] =	ssyncset.done $0x0  }
0x436: {  	s13 =	simm.s32 $0x1800;
	[sflag:s30] =	ssyncadd.s32 $0xFFFFD800  }
0x437: {  	[spmem:s3] =	stream.indirect.scatter.add.f32 [tilespmem:s19], [sflag:$0x5], $0x80, s13, s22, $0xb8;
	v63 =	vld [tilespmem:$0x0]  }
0x438: {  	_ =	swait.ge [sflag:s31], $0x2800  }
0x439: {  	[sflag:s31] =	ssyncset.done $0x0  }
0x43a: {  	s15 =	simm.s32 $0x1880;
	[sflag:s31] =	ssyncadd.s32 $0xFFFFD800  }
0x43b: {  	[spmem:s3] =	stream.indirect.scatter.add.f32 [tilespmem:s24], [sflag:$0x6], $0x80, s15, s22, $0xb8;
	v63 =	vld [tilespmem:$0x0]  }
0x43c: {  	_ =	swait.ge [sflag:s6], $0x2800  }
0x43d: {  	[sflag:s6] =	ssyncset.done $0x0  }
0x43e: {  	s17 =	simm.s32 $0x1900;
	[sflag:s6] =	ssyncadd.s32 $0xFFFFD800  }
0x43f: {  	[spmem:s3] =	stream.indirect.scatter.add.f32 [tilespmem:s26], [sflag:$0x7], $0x80, s17, s22, $0xb8;
	v63 =	vld [tilespmem:$0x0]  }
0x440: {  	_ =	swait.ge [sflag:s2], $0x2800  }
0x441: {  	[sflag:s2] =	ssyncset.done $0x0  }
0x442: {  	s23 =	simm.s32 $0x1980;
	[sflag:s2] =	ssyncadd.s32 $0xFFFFD800  }
0x443: {  	[spmem:s3] =	stream.indirect.scatter.add.f32 [tilespmem:s29], [sflag:$0x8], $0x80, s23, s22, $0xb8;
	v63 =	vld [tilespmem:$0x0]  }
0x444: {  	_ =	swait.ge [sflag:s10], $0x2800  }
0x445: {  	[sflag:s10] =	ssyncset.done $0x0  }
0x446: {  	s25 =	simm.s32 $0xA00;
	[sflag:s10] =	ssyncadd.s32 $0xFFFFD800  }
0x447: {  	[tilespmem:s19], [sflag:$0x1] =	stream.indirect.gather [hbm4b:s5+s22], $0x80, s25, s22, $0xb8;
	v63 =	vld [tilespmem:$0x0]  }
0x448: {  	_ =	swait.ge [sflag:s12], $0x2800  }
0x449: {  	[sflag:s12] =	ssyncset.done $0x0  }
0x44a: {  	s7 =	simm.s32 $0xA80;
	[sflag:s12] =	ssyncadd.s32 $0xFFFFD800  }
0x44b: {  	[tilespmem:s24], [sflag:$0x2] =	stream.indirect.gather [hbm4b:s5+s22], $0x80, s7, s22, $0xb8;
	v63 =	vld [tilespmem:$0x0]  }
0x44c: {  	_ =	swait.ge [sflag:s14], $0x2800  }
0x44d: {  	[sflag:s14] =	ssyncset.done $0x0  }
0x44e: {  	s8 =	simm.s32 $0xB00;
	[sflag:s14] =	ssyncadd.s32 $0xFFFFD800  }
0x44f: {  	[tilespmem:s26], [sflag:$0x3] =	stream.indirect.gather [hbm4b:s5+s22], $0x80, s8, s22, $0xb8;
	v63 =	vld [tilespmem:$0x0]  }
0x450: {  	_ =	swait.ge [sflag:s16], $0x2800  }
0x451: {  	[sflag:s16] =	ssyncset.done $0x0  }
0x452: {  	s9 =	simm.s32 $0xB80;
	[sflag:s16] =	ssyncadd.s32 $0xFFFFD800  }
0x453: {  	[tilespmem:s29], [sflag:$0x4] =	stream.indirect.gather [hbm4b:s5+s22], $0x80, s9, s22, $0xb8;
	v63 =	vld [tilespmem:$0x0]  }
0x454: {  	_ =	swait.ge [sflag:s30], $0x2800  }
0x455: {  	[sflag:s30] =	ssyncset.done $0x0  }
0x456: {  	s11 =	simm.s32 $0x1A00;
	[sflag:s30] =	ssyncadd.s32 $0xFFFFD800  }
0x457: {  	[spmem:s3] =	stream.indirect.scatter.add.f32 [tilespmem:s19], [sflag:$0x5], $0x80, s11, s22, $0xb8;
	v63 =	vld [tilespmem:$0x0]  }
0x458: {  	_ =	swait.ge [sflag:s10], $0x2800  }
0x459: {  	[sflag:s10] =	ssyncset.done $0x0  }
0x45a: {  	s13 =	simm.s32 $0xC00;
	[sflag:s10] =	ssyncadd.s32 $0xFFFFD800  }
0x45b: {  	[tilespmem:s19], [sflag:$0x1] =	stream.indirect.gather [hbm4b:s5+s22], $0x80, s13, s22, $0xb8;
	v63 =	vld [tilespmem:$0x0]  }
0x45c: {  	_ =	swait.ge [sflag:s31], $0x2800  }
0x45d: {  	[sflag:s31] =	ssyncset.done $0x0  }
0x45e: {  	s15 =	simm.s32 $0x1A80;
	[sflag:s31] =	ssyncadd.s32 $0xFFFFD800  }
0x45f: {  	[spmem:s3] =	stream.indirect.scatter.add.f32 [tilespmem:s24], [sflag:$0x6], $0x80, s15, s22, $0xb8;
	v63 =	vld [tilespmem:$0x0]  }
0x460: {  	_ =	swait.ge [sflag:s6], $0x2800  }
0x461: {  	[sflag:s6] =	ssyncset.done $0x0  }
0x462: {  	s17 =	simm.s32 $0x1B00;
	[sflag:s6] =	ssyncadd.s32 $0xFFFFD800  }
0x463: {  	[spmem:s3] =	stream.indirect.scatter.add.f32 [tilespmem:s26], [sflag:$0x7], $0x80, s17, s22, $0xb8;
	v63 =	vld [tilespmem:$0x0]  }
0x464: {  	_ =	swait.ge [sflag:s2], $0x2800  }
0x465: {  	[sflag:s2] =	ssyncset.done $0x0  }
0x466: {  	s23 =	simm.s32 $0x1B80;
	[sflag:s2] =	ssyncadd.s32 $0xFFFFD800  }
0x467: {  	[spmem:s3] =	stream.indirect.scatter.add.f32 [tilespmem:s29], [sflag:$0x8], $0x80, s23, s22, $0xb8;
	v63 =	vld [tilespmem:$0x0]  }
0x468: {  	_ =	swait.ge [sflag:s30], $0x2800  }
0x469: {  	[sflag:s30] =	ssyncset.done $0x0  }
0x46a: {  	s25 =	simm.s32 $0x1C00;
	[sflag:s30] =	ssyncadd.s32 $0xFFFFD800  }
0x46b: {  	[spmem:s3] =	stream.indirect.scatter.add.f32 [tilespmem:s19], [sflag:$0x5], $0x80, s25, s22, $0xb8;
	v63 =	vld [tilespmem:$0x0]  }
0x46c: {  	_ =	swait.ge [sflag:s10], $0x2800  }
0x46d: {  	[sflag:s10] =	ssyncset.done $0x0  }
0x46e: {  	[sflag:s10] =	ssyncadd.s32 $0xFFFFD800  }
0x46f: {  	_ =	swait.ge [sflag:s12], $0x2800  }
0x470: {  	[sflag:s12] =	ssyncset.done $0x0  }
0x471: {  	[sflag:s12] =	ssyncadd.s32 $0xFFFFD800  }
0x472: {  	s28 =	simm.s32 $0x200;
	_ =	swait.ge [sflag:s14], $0x2800  }
0x473: {  	s0 =	simm.s32 $0x280;
	s7 =	simm.s32 $0x200;
	[sflag:s14] =	ssyncset.done $0x0  }
0x474: {  	s8 =	simm.s32 $0x1080;
	s11 =	simm.s32 $0x400;
	[sflag:s14] =	ssyncadd.s32 $0xFFFFD800  }
0x475: {  	s15 =	simm.s32 $0x100;
	s17 =	simm.s32 $0x180;
	_ =	swait.ge [sflag:s16], $0x2800  }
0x476: {  	s23 =	simm.s32 $0x1100;
	s25 =	simm.s32 $0x1180;
	[sflag:s16] =	ssyncset.done $0x0  }
.LBB2_8:
0x477: {  	s13 =	sadd.s32 s7, s18  }
0x478: {  	[sflag:s16] =	ssyncadd.s32 $0xFFFFD800;
	s7 =	smov.u32 s11;
	s9 =	sadd.s32 $0x200, s11  }
0x479: {  	[tilespmem:s4], [sflag:$0x9] =	stream.linear.gather [hbm4b:s13+s4], $0xC80, $0x38;
	v63 =	vld [tilespmem:$0x0]  }
0x47a: {  	p1 =	sne.s32 s11, $0x800;
	_ =	swait.ge [sflag:s20], $0xC80  }
0x47b: {  	[sflag:s20] =	ssyncset.done $0x0  }
0x47c: {  	s11 =	sadd.s32 $0xA000, s13;
	s13 =	simm.s32 $0x80;
	[sflag:s20] =	ssyncadd.s32 $0xFFFFF380  }
0x47d: {  	[tilespmem:s21], [sflag:$0x9] =	stream.linear.gather [hbm4b:s11+s4], $0xC80, $0x38;
	v63 =	vld [tilespmem:$0x0]  }
0x47e: {  	_ =	swait.ge [sflag:s20], $0xC80  }
0x47f: {  	[sflag:s20] =	ssyncset.done $0x0  }
0x480: {  	[sflag:s20] =	ssyncadd.s32 $0xFFFFF380  }
0x481: {  	[tilespmem:s19], [sflag:$0x1] =	stream.indirect.gather [hbm4b:s5+s22], $0x80, s4, s22, $0xb8;
	v63 =	vld [tilespmem:$0x0]  }
0x482: {  	_ = 	snop  }
0x483: {  	[tilespmem:s24], [sflag:$0x2] =	stream.indirect.gather [hbm4b:s5+s22], $0x80, s13, s22, $0xb8;
	v63 =	vld [tilespmem:$0x0]  }
0x484: {  	_ = 	snop  }
0x485: {  	[tilespmem:s26], [sflag:$0x3] =	stream.indirect.gather [hbm4b:s5+s22], $0x80, s15, s22, $0xb8;
	v63 =	vld [tilespmem:$0x0]  }
0x486: {  	_ = 	snop  }
0x487: {  	[tilespmem:s29], [sflag:$0x4] =	stream.indirect.gather [hbm4b:s5+s22], $0x80, s17, s22, $0xb8;
	v63 =	vld [tilespmem:$0x0]  }
0x488: {  	_ =	swait.ge [sflag:s30], $0x2800  }
0x489: {  	[sflag:s30] =	ssyncset.done $0x0  }
0x48a: {  	[sflag:s30] =	ssyncadd.s32 $0xFFFFD800  }
0x48b: {  	[spmem:s3] =	stream.indirect.scatter.add.f32 [tilespmem:s19], [sflag:$0x5], $0x80, s21, s22, $0xb8;
	v63 =	vld [tilespmem:$0x0]  }
0x48c: {  	_ =	swait.ge [sflag:s31], $0x2800  }
0x48d: {  	[sflag:s31] =	ssyncset.done $0x0  }
0x48e: {  	[sflag:s31] =	ssyncadd.s32 $0xFFFFD800  }
0x48f: {  	[spmem:s3] =	stream.indirect.scatter.add.f32 [tilespmem:s24], [sflag:$0x6], $0x80, s8, s22, $0xb8;
	v63 =	vld [tilespmem:$0x0]  }
0x490: {  	_ =	swait.ge [sflag:s6], $0x2800  }
0x491: {  	[sflag:s6] =	ssyncset.done $0x0  }
0x492: {  	[sflag:s6] =	ssyncadd.s32 $0xFFFFD800  }
0x493: {  	[spmem:s3] =	stream.indirect.scatter.add.f32 [tilespmem:s26], [sflag:$0x7], $0x80, s23, s22, $0xb8;
	v63 =	vld [tilespmem:$0x0]  }
0x494: {  	_ =	swait.ge [sflag:s2], $0x2800  }
0x495: {  	[sflag:s2] =	ssyncset.done $0x0  }
0x496: {  	[sflag:s2] =	ssyncadd.s32 $0xFFFFD800  }
0x497: {  	[spmem:s3] =	stream.indirect.scatter.add.f32 [tilespmem:s29], [sflag:$0x8], $0x80, s25, s22, $0xb8;
	v63 =	vld [tilespmem:$0x0]  }
0x498: {  	_ =	swait.ge [sflag:s10], $0x2800  }
0x499: {  	[sflag:s10] =	ssyncset.done $0x0  }
0x49a: {  	[sflag:s10] =	ssyncadd.s32 $0xFFFFD800  }
0x49b: {  	[tilespmem:s19], [sflag:$0x1] =	stream.indirect.gather [hbm4b:s5+s22], $0x80, s28, s22, $0xb8;
	v63 =	vld [tilespmem:$0x0]  }
0x49c: {  	_ =	swait.ge [sflag:s12], $0x2800  }
0x49d: {  	[sflag:s12] =	ssyncset.done $0x0  }
0x49e: {  	[sflag:s12] =	ssyncadd.s32 $0xFFFFD800  }
0x49f: {  	[tilespmem:s24], [sflag:$0x2] =	stream.indirect.gather [hbm4b:s5+s22], $0x80, s0, s22, $0xb8;
	v63 =	vld [tilespmem:$0x0]  }
0x4a0: {  	_ =	swait.ge [sflag:s14], $0x2800  }
0x4a1: {  	[sflag:s14] =	ssyncset.done $0x0  }
0x4a2: {  	s11 =	simm.s32 $0x300;
	[sflag:s14] =	ssyncadd.s32 $0xFFFFD800  }
0x4a3: {  	[tilespmem:s26], [sflag:$0x3] =	stream.indirect.gather [hbm4b:s5+s22], $0x80, s11, s22, $0xb8;
	v63 =	vld [tilespmem:$0x0]  }
0x4a4: {  	_ =	swait.ge [sflag:s16], $0x2800  }
0x4a5: {  	[sflag:s16] =	ssyncset.done $0x0  }
0x4a6: {  	s11 =	simm.s32 $0x380;
	[sflag:s16] =	ssyncadd.s32 $0xFFFFD800  }
0x4a7: {  	[tilespmem:s29], [sflag:$0x4] =	stream.indirect.gather [hbm4b:s5+s22], $0x80, s11, s22, $0xb8;
	v63 =	vld [tilespmem:$0x0]  }
0x4a8: {  	_ =	swait.ge [sflag:s30], $0x2800  }
0x4a9: {  	[sflag:s30] =	ssyncset.done $0x0  }
0x4aa: {  	s11 =	simm.s32 $0x1200;
	[sflag:s30] =	ssyncadd.s32 $0xFFFFD800  }
0x4ab: {  	[spmem:s3] =	stream.indirect.scatter.add.f32 [tilespmem:s19], [sflag:$0x5], $0x80, s11, s22, $0xb8;
	v63 =	vld [tilespmem:$0x0]  }
0x4ac: {  	_ =	swait.ge [sflag:s31], $0x2800  }
0x4ad: {  	[sflag:s31] =	ssyncset.done $0x0  }
0x4ae: {  	s11 =	simm.s32 $0x1280;
	[sflag:s31] =	ssyncadd.s32 $0xFFFFD800  }
0x4af: {  	[spmem:s3] =	stream.indirect.scatter.add.f32 [tilespmem:s24], [sflag:$0x6], $0x80, s11, s22, $0xb8;
	v63 =	vld [tilespmem:$0x0]  }
0x4b0: {  	_ =	swait.ge [sflag:s6], $0x2800  }
0x4b1: {  	[sflag:s6] =	ssyncset.done $0x0  }
0x4b2: {  	s11 =	simm.s32 $0x1300;
	[sflag:s6] =	ssyncadd.s32 $0xFFFFD800  }
0x4b3: {  	[spmem:s3] =	stream.indirect.scatter.add.f32 [tilespmem:s26], [sflag:$0x7], $0x80, s11, s22, $0xb8;
	v63 =	vld [tilespmem:$0x0]  }
0x4b4: {  	_ =	swait.ge [sflag:s2], $0x2800  }
0x4b5: {  	[sflag:s2] =	ssyncset.done $0x0  }
0x4b6: {  	s11 =	simm.s32 $0x1380;
	[sflag:s2] =	ssyncadd.s32 $0xFFFFD800  }
0x4b7: {  	[spmem:s3] =	stream.indirect.scatter.add.f32 [tilespmem:s29], [sflag:$0x8], $0x80, s11, s22, $0xb8;
	v63 =	vld [tilespmem:$0x0]  }
0x4b8: {  	_ =	swait.ge [sflag:s10], $0x2800  }
0x4b9: {  	[sflag:s10] =	ssyncset.done $0x0  }
0x4ba: {  	s11 =	simm.s32 $0x400;
	[sflag:s10] =	ssyncadd.s32 $0xFFFFD800  }
0x4bb: {  	[tilespmem:s19], [sflag:$0x1] =	stream.indirect.gather [hbm4b:s5+s22], $0x80, s11, s22, $0xb8;
	v63 =	vld [tilespmem:$0x0]  }
0x4bc: {  	_ =	swait.ge [sflag:s12], $0x2800  }
0x4bd: {  	[sflag:s12] =	ssyncset.done $0x0  }
0x4be: {  	s11 =	simm.s32 $0x480;
	[sflag:s12] =	ssyncadd.s32 $0xFFFFD800  }
0x4bf: {  	[tilespmem:s24], [sflag:$0x2] =	stream.indirect.gather [hbm4b:s5+s22], $0x80, s11, s22, $0xb8;
	v63 =	vld [tilespmem:$0x0]  }
0x4c0: {  	_ =	swait.ge [sflag:s14], $0x2800  }
0x4c1: {  	[sflag:s14] =	ssyncset.done $0x0  }
0x4c2: {  	s11 =	simm.s32 $0x500;
	[sflag:s14] =	ssyncadd.s32 $0xFFFFD800  }
0x4c3: {  	[tilespmem:s26], [sflag:$0x3] =	stream.indirect.gather [hbm4b:s5+s22], $0x80, s11, s22, $0xb8;
	v63 =	vld [tilespmem:$0x0]  }
0x4c4: {  	_ =	swait.ge [sflag:s16], $0x2800  }
0x4c5: {  	[sflag:s16] =	ssyncset.done $0x0  }
0x4c6: {  	s11 =	simm.s32 $0x580;
	[sflag:s16] =	ssyncadd.s32 $0xFFFFD800  }
0x4c7: {  	[tilespmem:s29], [sflag:$0x4] =	stream.indirect.gather [hbm4b:s5+s22], $0x80, s11, s22, $0xb8;
	v63 =	vld [tilespmem:$0x0]  }
0x4c8: {  	_ =	swait.ge [sflag:s30], $0x2800  }
0x4c9: {  	[sflag:s30] =	ssyncset.done $0x0  }
0x4ca: {  	s11 =	simm.s32 $0x1400;
	[sflag:s30] =	ssyncadd.s32 $0xFFFFD800  }
0x4cb: {  	[spmem:s3] =	stream.indirect.scatter.add.f32 [tilespmem:s19], [sflag:$0x5], $0x80, s11, s22, $0xb8;
	v63 =	vld [tilespmem:$0x0]  }
0x4cc: {  	_ =	swait.ge [sflag:s31], $0x2800  }
0x4cd: {  	[sflag:s31] =	ssyncset.done $0x0  }
0x4ce: {  	s11 =	simm.s32 $0x1480;
	[sflag:s31] =	ssyncadd.s32 $0xFFFFD800  }
0x4cf: {  	[spmem:s3] =	stream.indirect.scatter.add.f32 [tilespmem:s24], [sflag:$0x6], $0x80, s11, s22, $0xb8;
	v63 =	vld [tilespmem:$0x0]  }
0x4d0: {  	_ =	swait.ge [sflag:s6], $0x2800  }
0x4d1: {  	[sflag:s6] =	ssyncset.done $0x0  }
0x4d2: {  	s11 =	simm.s32 $0x1500;
	[sflag:s6] =	ssyncadd.s32 $0xFFFFD800  }
0x4d3: {  	[spmem:s3] =	stream.indirect.scatter.add.f32 [tilespmem:s26], [sflag:$0x7], $0x80, s11, s22, $0xb8;
	v63 =	vld [tilespmem:$0x0]  }
0x4d4: {  	_ =	swait.ge [sflag:s2], $0x2800  }
0x4d5: {  	[sflag:s2] =	ssyncset.done $0x0  }
0x4d6: {  	s11 =	simm.s32 $0x1580;
	[sflag:s2] =	ssyncadd.s32 $0xFFFFD800  }
0x4d7: {  	[spmem:s3] =	stream.indirect.scatter.add.f32 [tilespmem:s29], [sflag:$0x8], $0x80, s11, s22, $0xb8;
	v63 =	vld [tilespmem:$0x0]  }
0x4d8: {  	_ =	swait.ge [sflag:s10], $0x2800  }
0x4d9: {  	[sflag:s10] =	ssyncset.done $0x0  }
0x4da: {  	s11 =	simm.s32 $0x600;
	[sflag:s10] =	ssyncadd.s32 $0xFFFFD800  }
0x4db: {  	[tilespmem:s19], [sflag:$0x1] =	stream.indirect.gather [hbm4b:s5+s22], $0x80, s11, s22, $0xb8;
	v63 =	vld [tilespmem:$0x0]  }
0x4dc: {  	_ =	swait.ge [sflag:s12], $0x2800  }
0x4dd: {  	[sflag:s12] =	ssyncset.done $0x0  }
0x4de: {  	s11 =	simm.s32 $0x680;
	[sflag:s12] =	ssyncadd.s32 $0xFFFFD800  }
0x4df: {  	[tilespmem:s24], [sflag:$0x2] =	stream.indirect.gather [hbm4b:s5+s22], $0x80, s11, s22, $0xb8;
	v63 =	vld [tilespmem:$0x0]  }
0x4e0: {  	_ =	swait.ge [sflag:s14], $0x2800  }
0x4e1: {  	[sflag:s14] =	ssyncset.done $0x0  }
0x4e2: {  	s11 =	simm.s32 $0x700;
	[sflag:s14] =	ssyncadd.s32 $0xFFFFD800  }
0x4e3: {  	[tilespmem:s26], [sflag:$0x3] =	stream.indirect.gather [hbm4b:s5+s22], $0x80, s11, s22, $0xb8;
	v63 =	vld [tilespmem:$0x0]  }
0x4e4: {  	_ =	swait.ge [sflag:s16], $0x2800  }
0x4e5: {  	[sflag:s16] =	ssyncset.done $0x0  }
0x4e6: {  	s11 =	simm.s32 $0x780;
	[sflag:s16] =	ssyncadd.s32 $0xFFFFD800  }
0x4e7: {  	[tilespmem:s29], [sflag:$0x4] =	stream.indirect.gather [hbm4b:s5+s22], $0x80, s11, s22, $0xb8;
	v63 =	vld [tilespmem:$0x0]  }
0x4e8: {  	_ =	swait.ge [sflag:s30], $0x2800  }
0x4e9: {  	[sflag:s30] =	ssyncset.done $0x0  }
0x4ea: {  	s11 =	simm.s32 $0x1600;
	[sflag:s30] =	ssyncadd.s32 $0xFFFFD800  }
0x4eb: {  	[spmem:s3] =	stream.indirect.scatter.add.f32 [tilespmem:s19], [sflag:$0x5], $0x80, s11, s22, $0xb8;
	v63 =	vld [tilespmem:$0x0]  }
0x4ec: {  	_ =	swait.ge [sflag:s31], $0x2800  }
0x4ed: {  	[sflag:s31] =	ssyncset.done $0x0  }
0x4ee: {  	s11 =	simm.s32 $0x1680;
	[sflag:s31] =	ssyncadd.s32 $0xFFFFD800  }
0x4ef: {  	[spmem:s3] =	stream.indirect.scatter.add.f32 [tilespmem:s24], [sflag:$0x6], $0x80, s11, s22, $0xb8;
	v63 =	vld [tilespmem:$0x0]  }
0x4f0: {  	_ =	swait.ge [sflag:s6], $0x2800  }
0x4f1: {  	[sflag:s6] =	ssyncset.done $0x0  }
0x4f2: {  	s11 =	simm.s32 $0x1700;
	[sflag:s6] =	ssyncadd.s32 $0xFFFFD800  }
0x4f3: {  	[spmem:s3] =	stream.indirect.scatter.add.f32 [tilespmem:s26], [sflag:$0x7], $0x80, s11, s22, $0xb8;
	v63 =	vld [tilespmem:$0x0]  }
0x4f4: {  	_ =	swait.ge [sflag:s2], $0x2800  }
0x4f5: {  	[sflag:s2] =	ssyncset.done $0x0  }
0x4f6: {  	s11 =	simm.s32 $0x1780;
	[sflag:s2] =	ssyncadd.s32 $0xFFFFD800  }
0x4f7: {  	[spmem:s3] =	stream.indirect.scatter.add.f32 [tilespmem:s29], [sflag:$0x8], $0x80, s11, s22, $0xb8;
	v63 =	vld [tilespmem:$0x0]  }
0x4f8: {  	_ =	swait.ge [sflag:s10], $0x2800  }
0x4f9: {  	[sflag:s10] =	ssyncset.done $0x0  }
0x4fa: {  	s11 =	simm.s32 $0x800;
	[sflag:s10] =	ssyncadd.s32 $0xFFFFD800  }
0x4fb: {  	[tilespmem:s19], [sflag:$0x1] =	stream.indirect.gather [hbm4b:s5+s22], $0x80, s11, s22, $0xb8;
	v63 =	vld [tilespmem:$0x0]  }
0x4fc: {  	_ =	swait.ge [sflag:s12], $0x2800  }
0x4fd: {  	[sflag:s12] =	ssyncset.done $0x0  }
0x4fe: {  	s11 =	simm.s32 $0x880;
	[sflag:s12] =	ssyncadd.s32 $0xFFFFD800  }
0x4ff: {  	[tilespmem:s24], [sflag:$0x2] =	stream.indirect.gather [hbm4b:s5+s22], $0x80, s11, s22, $0xb8;
	v63 =	vld [tilespmem:$0x0]  }
0x500: {  	_ =	swait.ge [sflag:s14], $0x2800  }
0x501: {  	[sflag:s14] =	ssyncset.done $0x0  }
0x502: {  	s11 =	simm.s32 $0x900;
	[sflag:s14] =	ssyncadd.s32 $0xFFFFD800  }
0x503: {  	[tilespmem:s26], [sflag:$0x3] =	stream.indirect.gather [hbm4b:s5+s22], $0x80, s11, s22, $0xb8;
	v63 =	vld [tilespmem:$0x0]  }
0x504: {  	_ =	swait.ge [sflag:s16], $0x2800  }
0x505: {  	[sflag:s16] =	ssyncset.done $0x0  }
0x506: {  	s11 =	simm.s32 $0x980;
	[sflag:s16] =	ssyncadd.s32 $0xFFFFD800  }
0x507: {  	[tilespmem:s29], [sflag:$0x4] =	stream.indirect.gather [hbm4b:s5+s22], $0x80, s11, s22, $0xb8;
	v63 =	vld [tilespmem:$0x0]  }
0x508: {  	_ =	swait.ge [sflag:s30], $0x2800  }
0x509: {  	[sflag:s30] =	ssyncset.done $0x0  }
0x50a: {  	s11 =	simm.s32 $0x1800;
	[sflag:s30] =	ssyncadd.s32 $0xFFFFD800  }
0x50b: {  	[spmem:s3] =	stream.indirect.scatter.add.f32 [tilespmem:s19], [sflag:$0x5], $0x80, s11, s22, $0xb8;
	v63 =	vld [tilespmem:$0x0]  }
0x50c: {  	_ =	swait.ge [sflag:s31], $0x2800  }
0x50d: {  	[sflag:s31] =	ssyncset.done $0x0  }
0x50e: {  	s11 =	simm.s32 $0x1880;
	[sflag:s31] =	ssyncadd.s32 $0xFFFFD800  }
0x50f: {  	[spmem:s3] =	stream.indirect.scatter.add.f32 [tilespmem:s24], [sflag:$0x6], $0x80, s11, s22, $0xb8;
	v63 =	vld [tilespmem:$0x0]  }
0x510: {  	_ =	swait.ge [sflag:s6], $0x2800  }
0x511: {  	[sflag:s6] =	ssyncset.done $0x0  }
0x512: {  	s11 =	simm.s32 $0x1900;
	[sflag:s6] =	ssyncadd.s32 $0xFFFFD800  }
0x513: {  	[spmem:s3] =	stream.indirect.scatter.add.f32 [tilespmem:s26], [sflag:$0x7], $0x80, s11, s22, $0xb8;
	v63 =	vld [tilespmem:$0x0]  }
0x514: {  	_ =	swait.ge [sflag:s2], $0x2800  }
0x515: {  	[sflag:s2] =	ssyncset.done $0x0  }
0x516: {  	s11 =	simm.s32 $0x1980;
	[sflag:s2] =	ssyncadd.s32 $0xFFFFD800  }
0x517: {  	[spmem:s3] =	stream.indirect.scatter.add.f32 [tilespmem:s29], [sflag:$0x8], $0x80, s11, s22, $0xb8;
	v63 =	vld [tilespmem:$0x0]  }
0x518: {  	_ =	swait.ge [sflag:s10], $0x2800  }
0x519: {  	[sflag:s10] =	ssyncset.done $0x0  }
0x51a: {  	s11 =	simm.s32 $0xA00;
	[sflag:s10] =	ssyncadd.s32 $0xFFFFD800  }
0x51b: {  	[tilespmem:s19], [sflag:$0x1] =	stream.indirect.gather [hbm4b:s5+s22], $0x80, s11, s22, $0xb8;
	v63 =	vld [tilespmem:$0x0]  }
0x51c: {  	_ =	swait.ge [sflag:s12], $0x2800  }
0x51d: {  	[sflag:s12] =	ssyncset.done $0x0  }
0x51e: {  	s11 =	simm.s32 $0xA80;
	[sflag:s12] =	ssyncadd.s32 $0xFFFFD800  }
0x51f: {  	[tilespmem:s24], [sflag:$0x2] =	stream.indirect.gather [hbm4b:s5+s22], $0x80, s11, s22, $0xb8;
	v63 =	vld [tilespmem:$0x0]  }
0x520: {  	_ =	swait.ge [sflag:s14], $0x2800  }
0x521: {  	[sflag:s14] =	ssyncset.done $0x0  }
0x522: {  	s11 =	simm.s32 $0xB00;
	[sflag:s14] =	ssyncadd.s32 $0xFFFFD800  }
0x523: {  	[tilespmem:s26], [sflag:$0x3] =	stream.indirect.gather [hbm4b:s5+s22], $0x80, s11, s22, $0xb8;
	v63 =	vld [tilespmem:$0x0]  }
0x524: {  	_ =	swait.ge [sflag:s16], $0x2800  }
0x525: {  	[sflag:s16] =	ssyncset.done $0x0  }
0x526: {  	s11 =	simm.s32 $0xB80;
	[sflag:s16] =	ssyncadd.s32 $0xFFFFD800  }
0x527: {  	[tilespmem:s29], [sflag:$0x4] =	stream.indirect.gather [hbm4b:s5+s22], $0x80, s11, s22, $0xb8;
	v63 =	vld [tilespmem:$0x0]  }
0x528: {  	_ =	swait.ge [sflag:s30], $0x2800  }
0x529: {  	[sflag:s30] =	ssyncset.done $0x0  }
0x52a: {  	s11 =	simm.s32 $0x1A00;
	[sflag:s30] =	ssyncadd.s32 $0xFFFFD800  }
0x52b: {  	[spmem:s3] =	stream.indirect.scatter.add.f32 [tilespmem:s19], [sflag:$0x5], $0x80, s11, s22, $0xb8;
	v63 =	vld [tilespmem:$0x0]  }
0x52c: {  	_ =	swait.ge [sflag:s10], $0x2800  }
0x52d: {  	[sflag:s10] =	ssyncset.done $0x0  }
0x52e: {  	s11 =	simm.s32 $0xC00;
	[sflag:s10] =	ssyncadd.s32 $0xFFFFD800  }
0x52f: {  	[tilespmem:s19], [sflag:$0x1] =	stream.indirect.gather [hbm4b:s5+s22], $0x80, s11, s22, $0xb8;
	v63 =	vld [tilespmem:$0x0]  }
0x530: {  	_ =	swait.ge [sflag:s31], $0x2800  }
0x531: {  	[sflag:s31] =	ssyncset.done $0x0  }
0x532: {  	s11 =	simm.s32 $0x1A80;
	[sflag:s31] =	ssyncadd.s32 $0xFFFFD800  }
0x533: {  	[spmem:s3] =	stream.indirect.scatter.add.f32 [tilespmem:s24], [sflag:$0x6], $0x80, s11, s22, $0xb8;
	v63 =	vld [tilespmem:$0x0]  }
0x534: {  	_ =	swait.ge [sflag:s6], $0x2800  }
0x535: {  	[sflag:s6] =	ssyncset.done $0x0  }
0x536: {  	s11 =	simm.s32 $0x1B00;
	[sflag:s6] =	ssyncadd.s32 $0xFFFFD800  }
0x537: {  	[spmem:s3] =	stream.indirect.scatter.add.f32 [tilespmem:s26], [sflag:$0x7], $0x80, s11, s22, $0xb8;
	v63 =	vld [tilespmem:$0x0]  }
0x538: {  	_ =	swait.ge [sflag:s2], $0x2800  }
0x539: {  	[sflag:s2] =	ssyncset.done $0x0  }
0x53a: {  	s11 =	simm.s32 $0x1B80;
	[sflag:s2] =	ssyncadd.s32 $0xFFFFD800  }
0x53b: {  	[spmem:s3] =	stream.indirect.scatter.add.f32 [tilespmem:s29], [sflag:$0x8], $0x80, s11, s22, $0xb8;
	v63 =	vld [tilespmem:$0x0]  }
0x53c: {  	_ =	swait.ge [sflag:s30], $0x2800  }
0x53d: {  	[sflag:s30] =	ssyncset.done $0x0  }
0x53e: {  	s11 =	simm.s32 $0x1C00;
	[sflag:s30] =	ssyncadd.s32 $0xFFFFD800  }
0x53f: {  	[spmem:s3] =	stream.indirect.scatter.add.f32 [tilespmem:s19], [sflag:$0x5], $0x80, s11, s22, $0xb8;
	v63 =	vld [tilespmem:$0x0]  }
0x540: {  	_ =	swait.ge [sflag:s10], $0x2800  }
0x541: {  	[sflag:s10] =	ssyncset.done $0x0  }
0x542: {  	[sflag:s10] =	ssyncadd.s32 $0xFFFFD800  }
0x543: {  	_ =	swait.ge [sflag:s12], $0x2800  }
0x544: {  	[sflag:s12] =	ssyncset.done $0x0  }
0x545: {  	[sflag:s12] =	ssyncadd.s32 $0xFFFFD800  }
.Ltmp6:
0x546: {  	_ =	swait.ge [sflag:s14], $0x2800;
	(pc) =	sbr.rel @p1 .LBB2_8-.Ltmp6, $4  }
0x547: {  	[sflag:s14] =	ssyncset.done $0x0  }
0x548: {  	[sflag:s14] =	ssyncadd.s32 $0xFFFFD800  }
0x549: {  	_ =	swait.ge [sflag:s16], $0x2800  }
0x54a: {  	s11 =	smov.u32 s9;
	[sflag:s16] =	ssyncset.done $0x0  }
.Ltmp7:
0x54b: {  	_ = 	snop;
	(pc) =	sbr.rel .LBB2_9-.Ltmp7, $1  }
0x54c: {  	_ =	sdelay $0x3  }
.LBB2_11:
0x54d: {  	_ =	sfence.sel $0x180000  }
0x54e: {  	[bflag:$0x0] =	sbarrier.arrive $0xFFFF  }
0x54f: {  	_ =	strace $0x9000004A  }
0x550: {  	s0 =	stileid.u32;
	[bflag:$0x2] =	sbarrier.arrive $0xFFFF  }
0x551: {  	p0 =	sne.s32 s0, $0x0;
	s0 =	rddreg [dreg:$0x3]  }
0x552: {  	s0 =	sadd.s32 @!p0 $0x100000, s0  }
0x553: {  	[sflag:s0] =	ssyncadd.tile.s32 @!p0 $0x1;
	_ =	shalt  }
.Lfunc_end2:
_tile_overlayer_lowered:
.L_overlay_start_2:
0x554: {  	(tag) =	ssettag $0x2  }
0x555: {  	s0 =	rddreg [dreg:$0x0];
	s2 =	stileid.u32  }
0x556: {  	s1 =	rddreg [dreg:$0x1];
	p0 =	sne.s32 s2, $0x0  }
0x557: {  	s3 =	rddreg [dreg:$0x2];
	[bflag:$0x3] =	sbarrier.arrive $0xFFFF;
	s2 =	simm.s32 @!p0 $0x1C09  }
0x558: {  	[timem:s3], [sflag:s2] =	dma.local @!p0 [hbm:s0], s1  }
0x559: {  	s0 =	simm.s32 @!p0 $0x9  }
0x55a: {  	_ =	swait.ge @!p0 [sflag:s0], s1  }
0x55b: {  	s1 =	ssub.s32 @!p0 $0x0, s1;
	[sflag:s0] =	ssyncset.done @!p0 $0x0  }
0x55c: {  	[sflag:s0] =	ssyncadd.s32 @!p0 s1  }
0x55d: {  	[bflag:$0x3] =	sbarrier.arrive $0xFFFF  }
0x55e: {  	_ =	shalt  }

</sc_bundles>
